<compile_context>
chip_gen: v7x
topology: tpu7x:2x2x1
jax: 0.10.2.dev20260603
libtpu: 0.0.44.dev20260713+nightly
codegen_flags: <defaults>
</compile_context>

<pallas_src>
import functools

import jax
import jax.numpy as jnp
from jax import lax
from jax.experimental import pallas as pl
from jax.experimental.pallas import tpu as pltpu
from jax.experimental.pallas import tpu_sc as plsc

F32 = jnp.float32
NC = 2
NS = 16
CH = 128



def _make_deg_kernel(n_pad, e_pad):
    epw = e_pad // NS
    nchunk = epw // CH
    rpt = n_pad // NS
    mesh = plsc.VectorSubcoreMesh(core_axis_name="c", subcore_axis_name="s")

    @functools.partial(
        pl.kernel,
        out_type=(jax.ShapeDtypeStruct((n_pad,), F32),
                  jax.ShapeDtypeStruct((n_pad,), F32)),
        mesh=mesh,
        scratch_types=[pltpu.VMEM((CH,), jnp.int32),
                       pltpu.VMEM((CH,), F32),
                       pltpu.VMEM((rpt,), F32),
                       pltpu.VMEM_SHARED((n_pad,), F32)],
    )
    def deg_kernel(dst1, dst2, out1, out2, idxb, ones, zbuf, acc):
        c = lax.axis_index("c")
        s = lax.axis_index("s")
        for i in range(CH // 16):
            ones[pl.ds(i * 16, 16)] = jnp.ones((16,), F32)
        for i in range(rpt // 16):
            zbuf[pl.ds(i * 16, 16)] = jnp.zeros((16,), F32)
        pltpu.sync_copy(zbuf, acc.at[pl.ds(s * rpt, rpt)])
        plsc.subcore_barrier()

        def run(dstref):
            base = s * epw

            def step(j, carry):
                pltpu.sync_copy(dstref.at[pl.ds(base + j * CH, CH)], idxb)
                pltpu.sync_copy(ones, acc.at[idxb], add=True)
                return carry

            lax.fori_loop(0, nchunk, step, 0)

        @pl.when(c == 0)
        def _():
            run(dst1)

        @pl.when(c == 1)
        def _():
            run(dst2)

        plsc.subcore_barrier()

        @pl.when(c == 0)
        def _():
            pltpu.sync_copy(acc.at[pl.ds(s * rpt, rpt)],
                            out1.at[pl.ds(s * rpt, rpt)])

        @pl.when(c == 1)
        def _():
            pltpu.sync_copy(acc.at[pl.ds(s * rpt, rpt)],
                            out2.at[pl.ds(s * rpt, rpt)])

    return deg_kernel


def _make_agg_kernel(n_pad, e_pad, d):
    nw = NC * NS
    epw = e_pad // nw
    nchunk = epw // CH
    rpt = n_pad // NS
    mesh = plsc.VectorSubcoreMesh(core_axis_name="c", subcore_axis_name="s")

    @functools.partial(
        pl.kernel,
        out_type=(jax.ShapeDtypeStruct((n_pad, d), F32),
                  jax.ShapeDtypeStruct((n_pad, d), F32)),
        mesh=mesh,
        scratch_types=[pltpu.VMEM((CH,), jnp.int32),
                       pltpu.VMEM((CH,), jnp.int32),
                       pltpu.VMEM((CH, d), F32),
                       pltpu.VMEM_SHARED((n_pad, d), F32),
                       pltpu.SemaphoreType.DMA],
    )
    def agg_kernel(y, src, dst, out0, out1, sidx, didx, rbuf, acc, sem):
        c = lax.axis_index("c")
        s = lax.axis_index("s")
        wid = c * NS + s

        def zrow(i, carry):
            for j in range(d // 16):
                rbuf[i, pl.ds(j * 16, 16)] = jnp.zeros((16,), F32)
            return carry

        lax.fori_loop(0, CH, zrow, 0)
        for k in range(rpt // CH):
            pltpu.sync_copy(rbuf, acc.at[pl.ds(s * rpt + k * CH, CH)])
        plsc.subcore_barrier()

        base = wid * epw

        def step(j, carry):
            eb = base + j * CH
            pltpu.sync_copy(src.at[pl.ds(eb, CH)], sidx)
            pltpu.sync_copy(dst.at[pl.ds(eb, CH)], didx)
            pltpu.async_copy(y.at[sidx], rbuf, sem).wait()
            pltpu.sync_copy(rbuf, acc.at[didx], add=True)
            return carry

        lax.fori_loop(0, nchunk, step, 0)
        plsc.subcore_barrier()

        @pl.when(c == 0)
        def _():
            pltpu.sync_copy(acc.at[pl.ds(s * rpt, rpt)],
                            out0.at[pl.ds(s * rpt, rpt)])

        @pl.when(c == 1)
        def _():
            pltpu.sync_copy(acc.at[pl.ds(s * rpt, rpt)],
                            out1.at[pl.ds(s * rpt, rpt)])

    return agg_kernel



_BR = 512


def _prep(x_pad, deg):
    n_pad, d = x_pad.shape
    grid = n_pad // _BR

    def body(x_ref, deg_ref, y_ref, dinv_ref):
        dv = lax.rsqrt(deg_ref[...] + 1.0)
        dinv_ref[...] = dv
        y_ref[...] = x_ref[...] * dv

    return pl.pallas_call(
        body,
        grid=(grid,),
        in_specs=[pl.BlockSpec((_BR, d), lambda j: (j, 0)),
                  pl.BlockSpec((_BR, 1), lambda j: (j, 0))],
        out_specs=[pl.BlockSpec((_BR, d), lambda j: (j, 0)),
                   pl.BlockSpec((_BR, 1), lambda j: (j, 0))],
        out_shape=[jax.ShapeDtypeStruct((n_pad, d), F32),
                   jax.ShapeDtypeStruct((n_pad, 1), F32)],
    )(x_pad, deg.reshape(n_pad, 1))


def _layer1(a0, a1, yprev, dinv, w, b):
    n_pad, d = a0.shape
    grid = n_pad // _BR

    def body(a0_ref, a1_ref, y_ref, dinv_ref, w_ref, b_ref, out_ref):
        dv = dinv_ref[...]
        agg = (a0_ref[...] + a1_ref[...] + y_ref[...]) * dv
        h = jnp.dot(agg, w_ref[...], preferred_element_type=F32) + b_ref[...]
        h = jnp.maximum(h, 0.0)
        nrm = jnp.sqrt(jnp.sum(h * h, axis=1, keepdims=True))
        h = h / jnp.maximum(nrm, 1e-12)
        out_ref[...] = h * dv

    return pl.pallas_call(
        body,
        grid=(grid,),
        in_specs=[pl.BlockSpec((_BR, d), lambda j: (j, 0)),
                  pl.BlockSpec((_BR, d), lambda j: (j, 0)),
                  pl.BlockSpec((_BR, d), lambda j: (j, 0)),
                  pl.BlockSpec((_BR, 1), lambda j: (j, 0)),
                  pl.BlockSpec((d, d), lambda j: (0, 0)),
                  pl.BlockSpec((1, d), lambda j: (0, 0))],
        out_specs=pl.BlockSpec((_BR, d), lambda j: (j, 0)),
        out_shape=jax.ShapeDtypeStruct((n_pad, d), F32),
    )(a0, a1, yprev, dinv, w, b.reshape(1, -1))


def _layer2(a0, a1, yprev, dinv, w, b, n_valid):
    n_pad, d = a0.shape
    grid = n_pad // _BR

    def body(a0_ref, a1_ref, y_ref, dinv_ref, w_ref, b_ref, h_ref, st_ref):
        j = pl.program_id(0)
        agg = (a0_ref[...] + a1_ref[...] + y_ref[...]) * dinv_ref[...]
        h = jnp.dot(agg, w_ref[...], preferred_element_type=F32) + b_ref[...]
        nrm = jnp.sqrt(jnp.sum(h * h, axis=1, keepdims=True))
        h = h / jnp.maximum(nrm, 1e-12)
        h_ref[...] = h

        @pl.when(j == 0)
        def _():
            st_ref[...] = jnp.zeros((8, d), F32)

        rows_valid = n_valid - j * _BR
        mask = lax.broadcasted_iota(jnp.int32, (_BR, d), 0) < rows_valid
        hm = jnp.where(mask, h, 0.0)
        s1 = jnp.sum(hm, axis=0, keepdims=True)
        s2 = jnp.sum(hm * hm, axis=0, keepdims=True)
        upd = jnp.concatenate([s1, s2, jnp.zeros((6, d), F32)], axis=0)
        st_ref[...] = st_ref[...] + upd

    return pl.pallas_call(
        body,
        grid=(grid,),
        in_specs=[pl.BlockSpec((_BR, d), lambda j: (j, 0)),
                  pl.BlockSpec((_BR, d), lambda j: (j, 0)),
                  pl.BlockSpec((_BR, d), lambda j: (j, 0)),
                  pl.BlockSpec((_BR, 1), lambda j: (j, 0)),
                  pl.BlockSpec((d, d), lambda j: (0, 0)),
                  pl.BlockSpec((1, d), lambda j: (0, 0))],
        out_specs=[pl.BlockSpec((_BR, d), lambda j: (j, 0)),
                   pl.BlockSpec((8, d), lambda j: (0, 0))],
        out_shape=[jax.ShapeDtypeStruct((n_pad, d), F32),
                   jax.ShapeDtypeStruct((8, d), F32)],
    )(a0, a1, yprev, dinv, w, b.reshape(1, -1))


def _standardize(h, stats, n_valid):
    n_pad, d = h.shape
    grid = n_pad // _BR
    nf = float(n_valid)

    def body(h_ref, st_ref, z_ref):
        s1 = st_ref[0:1, :]
        s2 = st_ref[1:2, :]
        mean = s1 / nf
        var = (s2 - s1 * s1 / nf) / (nf - 1.0)
        std = jnp.sqrt(jnp.maximum(var, 0.0))
        z_ref[...] = (h_ref[...] - mean) / std

    return pl.pallas_call(
        body,
        grid=(grid,),
        in_specs=[pl.BlockSpec((_BR, d), lambda j: (j, 0)),
                  pl.BlockSpec((8, d), lambda j: (0, 0))],
        out_specs=pl.BlockSpec((_BR, d), lambda j: (j, 0)),
        out_shape=jax.ShapeDtypeStruct((n_valid, d), F32),
    )(h, stats)



def kernel(x1, edge_index1, x2, edge_index2, W1, b1, W2, b2):
    n, d = x1.shape
    e = edge_index1.shape[1]
    n_pad = -((n + 1) // -(NS * CH)) * (NS * CH)
    e_pad = -(e // -(NC * NS * CH)) * (NC * NS * CH)

    deg_kernel = _make_deg_kernel(n_pad, e_pad)
    agg_kernel = _make_agg_kernel(n_pad, e_pad, d)

    def prep_edges(ei):
        ee = ei.astype(jnp.int32)
        pad = jnp.full((e_pad - e,), n, jnp.int32)
        return (jnp.concatenate([ee[0], pad]),
                jnp.concatenate([ee[1], pad]))

    src1, dst1 = prep_edges(edge_index1)
    src2, dst2 = prep_edges(edge_index2)
    xp1 = jnp.pad(x1, ((0, n_pad - n), (0, 0)))
    xp2 = jnp.pad(x2, ((0, n_pad - n), (0, 0)))

    deg1, deg2 = deg_kernel(dst1, dst2)

    def backbone(xp, src, dst, deg):
        y, dinv = _prep(xp, deg)
        a0, a1 = agg_kernel(y, src, dst)
        t = _layer1(a0, a1, y, dinv, W1, b1)
        a0, a1 = agg_kernel(t, src, dst)
        h, st = _layer2(a0, a1, t, dinv, W2, b2, n)
        return _standardize(h, st, n)

    z1 = backbone(xp1, src1, dst1, deg1)
    z2 = backbone(xp2, src2, dst2, deg2)
    return (z1, z2)

# --- scband reference (transcript-rebuilt; emitter-appended) ---
"""Pipeline reference for scband-cca-ssg-87239375716435 (READ-ONLY COPY).

The authoritative reference and input builder live on the scoring server;
editing this copy changes nothing except your own understanding.
"""

import jax, jax.numpy as jnp
import numpy as np

N = 10000
E = 320000
D_IN = 128
D_HID = 128
D_OUT = 128


def setup_inputs(seed: int = 0) -> dict:
    key = jax.random.key(seed)
    k1, k2, k3, k4, k5, k6, k7, k8 = jax.random.split(key, 8)
    x1 = jax.random.normal(k1, (N, D_IN), dtype=jnp.float32)
    x2 = jax.random.normal(k2, (N, D_IN), dtype=jnp.float32)
    edge_index1 = jax.random.randint(k3, (2, E), 0, N, dtype=jnp.int64)
    edge_index2 = jax.random.randint(k4, (2, E), 0, N, dtype=jnp.int64)
    # GCN backbone parameters (2 layers: in->hid, hid->out), Glorot init
    s1 = float(np.sqrt(6.0 / (D_IN + D_HID)))
    s2 = float(np.sqrt(6.0 / (D_HID + D_OUT)))
    W1 = jax.random.uniform(k5, (D_IN, D_HID), dtype=jnp.float32, minval=-s1, maxval=s1)
    b1 = jnp.zeros((D_HID,), dtype=jnp.float32)
    W2 = jax.random.uniform(k6, (D_HID, D_OUT), dtype=jnp.float32, minval=-s2, maxval=s2)
    b2 = jnp.zeros((D_OUT,), dtype=jnp.float32)
    return {"x1": x1, "edge_index1": edge_index1, "x2": x2, "edge_index2": edge_index2,
            "W1": W1, "b1": b1, "W2": W2, "b2": b2}


def _gcn_aggregate(x, edge_index, n):
    # symmetric-normalized aggregation with self-loops: D^-1/2 (A+I) D^-1/2 x
    loop = jnp.arange(n, dtype=edge_index.dtype)
    src = jnp.concatenate([edge_index[0], loop])
    dst = jnp.concatenate([edge_index[1], loop])
    deg = jnp.zeros((n,), dtype=x.dtype).at[dst].add(1.0)
    dinv = jax.lax.rsqrt(jnp.maximum(deg, 1.0))
    norm = dinv[src] * dinv[dst]
    msg = jnp.take(x, src, axis=0) * norm[:, None]
    return jnp.zeros((n, x.shape[1]), dtype=x.dtype).at[dst].add(msg)


def _l2norm(h):
    nrm = jnp.sqrt(jnp.sum(h * h, axis=1, keepdims=True))
    return h / jnp.maximum(nrm, 1e-12)


def _backbone(x, edge_index, W1, b1, W2, b2):
    n = x.shape[0]
    h = _gcn_aggregate(x, edge_index, n) @ W1 + b1
    h = jax.nn.relu(h)
    h = _l2norm(h)
    h = _gcn_aggregate(h, edge_index, n) @ W2 + b2
    h = _l2norm(h)
    return h


def reference(x1, edge_index1, x2, edge_index2, W1, b1, W2, b2):
    h1 = _backbone(x1, edge_index1, W1, b1, W2, b2)
    h2 = _backbone(x2, edge_index2, W1, b1, W2, b2)
    z1 = (h1 - h1.mean(axis=0)) / jnp.std(h1, axis=0, ddof=1)
    z2 = (h2 - h2.mean(axis=0)) / jnp.std(h2, axis=0, ddof=1)
    return (z1, z2)

if __name__ == "__main__":
    import jax
    _d = setup_inputs()
    print(jax.jit(kernel)(*tuple(_d.values())))

</pallas_src>

<mosaic_0001>
#map = affine_map<(d0, d1) -> (0, 0)>
#map1 = affine_map<(d0, d1) -> (0)>
module attributes {stable_mosaic.version = 14 : i64} {
  func.func @agg_kernel(%arg0: i32, %arg1: i32, %arg2: memref<10240x128xf32, #tpu.memory_space<hbm>>, %arg3: memref<323584xi32, #tpu.memory_space<hbm>>, %arg4: memref<323584xi32, #tpu.memory_space<hbm>>, %arg5: memref<10240x128xf32, #tpu.memory_space<hbm>>, %arg6: memref<10240x128xf32, #tpu.memory_space<hbm>>, %arg7: memref<128xi32, #tpu.memory_space<vmem>>, %arg8: memref<128xi32, #tpu.memory_space<vmem>>, %arg9: memref<128x128xf32, #tpu.memory_space<vmem>>, %arg10: memref<10240x128xf32, #tpu.memory_space<vmem_shared>>, %arg11: memref<!tpu.dma_semaphore, #tpu.memory_space<semaphore_mem>>) attributes {dimension_semantics = [#tpu.dimension_semantics<core_parallel>, #tpu.dimension_semantics<subcore_parallel>], iteration_bounds = array<i64: 2, 16>, scalar_prefetch = 0 : i64, scratch_operands = 5 : i64, tpu.core_type = #tpu.core_type<sc_vector_subcore>, window_params = [{transform_indices = #map}, {transform_indices = #map1}, {transform_indices = #map1}, {transform_indices = #map}, {transform_indices = #map}]} {
    %mul3A = arith.constant 16 : i32
    %mul3A_0 = arith.muli %arg0, %mul3A : i32
    %add3A = arith.addi %mul3A_0, %arg1 : i32
    %scan3A = arith.constant 0 : i32
    %scan3A_1 = arith.constant 0 : i32
    %scan3A_2 = arith.constant 128 : i32
    %scan3A_3 = arith.addi %scan3A_1, %scan3A_2 : i32
    %scan3A_4 = arith.constant 1 : i32
    scf.for %scan3A_42 = %scan3A_1 to %scan3A_3 step %scan3A_4  : i32 {
      %broadcast_in_dim3A = arith.constant 0.000000e+00 : f32
      %broadcast_in_dim3A_43 = vector.broadcast %broadcast_in_dim3A : f32 to vector<16xf32>
      %swap3A = arith.index_cast %scan3A_42 : i32 to index
      %swap3A_44 = arith.constant 0 : index
      %swap3A_45 = tpu.vector_load %arg9[%swap3A, %swap3A_44] {strides = array<i32>} : memref<128x128xf32, #tpu.memory_space<vmem>>, vector<1x16xf32>,
      %swap3A_46 = vector.shape_cast %swap3A_45 : vector<1x16xf32> to vector<16xf32>
      %swap3A_47 = vector.shape_cast %broadcast_in_dim3A_43 : vector<16xf32> to vector<1x16xf32>
      tpu.vector_store %arg9[%swap3A, %swap3A_44], %swap3A_47 {strides = array<i32>} : memref<128x128xf32, #tpu.memory_space<vmem>>, vector<1x16xf32>,
      %broadcast_in_dim3A_48 = arith.constant 0.000000e+00 : f32
      %broadcast_in_dim3A_49 = vector.broadcast %broadcast_in_dim3A_48 : f32 to vector<16xf32>
      %swap3A_50 = arith.index_cast %scan3A_42 : i32 to index
      %swap3A_51 = arith.constant 16 : index
      %swap3A_52 = tpu.vector_load %arg9[%swap3A_50, %swap3A_51] {strides = array<i32>} : memref<128x128xf32, #tpu.memory_space<vmem>>, vector<1x16xf32>,
      %swap3A_53 = vector.shape_cast %swap3A_52 : vector<1x16xf32> to vector<16xf32>
      %swap3A_54 = vector.shape_cast %broadcast_in_dim3A_49 : vector<16xf32> to vector<1x16xf32>
      tpu.vector_store %arg9[%swap3A_50, %swap3A_51], %swap3A_54 {strides = array<i32>} : memref<128x128xf32, #tpu.memory_space<vmem>>, vector<1x16xf32>,
      %broadcast_in_dim3A_55 = arith.constant 0.000000e+00 : f32
      %broadcast_in_dim3A_56 = vector.broadcast %broadcast_in_dim3A_55 : f32 to vector<16xf32>
      %swap3A_57 = arith.index_cast %scan3A_42 : i32 to index
      %swap3A_58 = arith.constant 32 : index
      %swap3A_59 = tpu.vector_load %arg9[%swap3A_57, %swap3A_58] {strides = array<i32>} : memref<128x128xf32, #tpu.memory_space<vmem>>, vector<1x16xf32>,
      %swap3A_60 = vector.shape_cast %swap3A_59 : vector<1x16xf32> to vector<16xf32>
      %swap3A_61 = vector.shape_cast %broadcast_in_dim3A_56 : vector<16xf32> to vector<1x16xf32>
      tpu.vector_store %arg9[%swap3A_57, %swap3A_58], %swap3A_61 {strides = array<i32>} : memref<128x128xf32, #tpu.memory_space<vmem>>, vector<1x16xf32>,
      %broadcast_in_dim3A_62 = arith.constant 0.000000e+00 : f32
      %broadcast_in_dim3A_63 = vector.broadcast %broadcast_in_dim3A_62 : f32 to vector<16xf32>
      %swap3A_64 = arith.index_cast %scan3A_42 : i32 to index
      %swap3A_65 = arith.constant 48 : index
      %swap3A_66 = tpu.vector_load %arg9[%swap3A_64, %swap3A_65] {strides = array<i32>} : memref<128x128xf32, #tpu.memory_space<vmem>>, vector<1x16xf32>,
      %swap3A_67 = vector.shape_cast %swap3A_66 : vector<1x16xf32> to vector<16xf32>
      %swap3A_68 = vector.shape_cast %broadcast_in_dim3A_63 : vector<16xf32> to vector<1x16xf32>
      tpu.vector_store %arg9[%swap3A_64, %swap3A_65], %swap3A_68 {strides = array<i32>} : memref<128x128xf32, #tpu.memory_space<vmem>>, vector<1x16xf32>,
      %broadcast_in_dim3A_69 = arith.constant 0.000000e+00 : f32
      %broadcast_in_dim3A_70 = vector.broadcast %broadcast_in_dim3A_69 : f32 to vector<16xf32>
      %swap3A_71 = arith.index_cast %scan3A_42 : i32 to index
      %swap3A_72 = arith.constant 64 : index
      %swap3A_73 = tpu.vector_load %arg9[%swap3A_71, %swap3A_72] {strides = array<i32>} : memref<128x128xf32, #tpu.memory_space<vmem>>, vector<1x16xf32>,
      %swap3A_74 = vector.shape_cast %swap3A_73 : vector<1x16xf32> to vector<16xf32>
      %swap3A_75 = vector.shape_cast %broadcast_in_dim3A_70 : vector<16xf32> to vector<1x16xf32>
      tpu.vector_store %arg9[%swap3A_71, %swap3A_72], %swap3A_75 {strides = array<i32>} : memref<128x128xf32, #tpu.memory_space<vmem>>, vector<1x16xf32>,
      %broadcast_in_dim3A_76 = arith.constant 0.000000e+00 : f32
      %broadcast_in_dim3A_77 = vector.broadcast %broadcast_in_dim3A_76 : f32 to vector<16xf32>
      %swap3A_78 = arith.index_cast %scan3A_42 : i32 to index
      %swap3A_79 = arith.constant 80 : index
      %swap3A_80 = tpu.vector_load %arg9[%swap3A_78, %swap3A_79] {strides = array<i32>} : memref<128x128xf32, #tpu.memory_space<vmem>>, vector<1x16xf32>,
      %swap3A_81 = vector.shape_cast %swap3A_80 : vector<1x16xf32> to vector<16xf32>
      %swap3A_82 = vector.shape_cast %broadcast_in_dim3A_77 : vector<16xf32> to vector<1x16xf32>
      tpu.vector_store %arg9[%swap3A_78, %swap3A_79], %swap3A_82 {strides = array<i32>} : memref<128x128xf32, #tpu.memory_space<vmem>>, vector<1x16xf32>,
      %broadcast_in_dim3A_83 = arith.constant 0.000000e+00 : f32
      %broadcast_in_dim3A_84 = vector.broadcast %broadcast_in_dim3A_83 : f32 to vector<16xf32>
      %swap3A_85 = arith.index_cast %scan3A_42 : i32 to index
      %swap3A_86 = arith.constant 96 : index
      %swap3A_87 = tpu.vector_load %arg9[%swap3A_85, %swap3A_86] {strides = array<i32>} : memref<128x128xf32, #tpu.memory_space<vmem>>, vector<1x16xf32>,
      %swap3A_88 = vector.shape_cast %swap3A_87 : vector<1x16xf32> to vector<16xf32>
      %swap3A_89 = vector.shape_cast %broadcast_in_dim3A_84 : vector<16xf32> to vector<1x16xf32>
      tpu.vector_store %arg9[%swap3A_85, %swap3A_86], %swap3A_89 {strides = array<i32>} : memref<128x128xf32, #tpu.memory_space<vmem>>, vector<1x16xf32>,
      %broadcast_in_dim3A_90 = arith.constant 0.000000e+00 : f32
      %broadcast_in_dim3A_91 = vector.broadcast %broadcast_in_dim3A_90 : f32 to vector<16xf32>
      %swap3A_92 = arith.index_cast %scan3A_42 : i32 to index
      %swap3A_93 = arith.constant 112 : index
      %swap3A_94 = tpu.vector_load %arg9[%swap3A_92, %swap3A_93] {strides = array<i32>} : memref<128x128xf32, #tpu.memory_space<vmem>>, vector<1x16xf32>,
      %swap3A_95 = vector.shape_cast %swap3A_94 : vector<1x16xf32> to vector<16xf32>
      %swap3A_96 = vector.shape_cast %broadcast_in_dim3A_91 : vector<16xf32> to vector<1x16xf32>
      tpu.vector_store %arg9[%swap3A_92, %swap3A_93], %swap3A_96 {strides = array<i32>} : memref<128x128xf32, #tpu.memory_space<vmem>>, vector<1x16xf32>,
    }
    %scan3A_5 = arith.constant 128 : i32
    %mul3A_6 = arith.constant 640 : i32
    %mul3A_7 = arith.muli %arg1, %mul3A_6 : i32
    %add3A_8 = arith.constant 0 : i32
    %add3A_9 = arith.addi %mul3A_7, %add3A_8 : i32
    "tpu.region"() ({
      %run_scoped3A = tpu.sem_alloc : memref<!tpu.dma_semaphore, #tpu.memory_space<semaphore_mem>>
      %dma_start3A = arith.constant 0 : i32
      %dma_start3A_42 = tpu.memref_slice %arg10[%add3A_9, %dma_start3A] : memref<10240x128xf32, #tpu.memory_space<vmem_shared>> -> memref<128x128xf32, #tpu.memory_space<vmem_shared>>
      %dma_start3A_43 = arith.constant 0 : i32
      %dma_start3A_44 = tpu.memref_slice %arg10[%add3A_9, %dma_start3A_43] : memref<10240x128xf32, #tpu.memory_space<vmem_shared>> -> memref<128x128xf32, #tpu.memory_space<vmem_shared>>
      tpu.enqueue_dma source(%arg9 : memref<128x128xf32, #tpu.memory_space<vmem>>) target(%dma_start3A_44 : memref<128x128xf32, #tpu.memory_space<vmem_shared>>) target_semaphore(%run_scoped3A : memref<!tpu.dma_semaphore, #tpu.memory_space<semaphore_mem>>)
      %dma_wait3A = arith.constant 0 : i32
      %dma_wait3A_45 = tpu.memref_slice %arg10[%add3A_9, %dma_wait3A] : memref<10240x128xf32, #tpu.memory_space<vmem_shared>> -> memref<128x128xf32, #tpu.memory_space<vmem_shared>>
      %dma_wait3A_46 = arith.constant 0 : i32
      %dma_wait3A_47 = tpu.memref_slice %arg10[%add3A_9, %dma_wait3A_46] : memref<10240x128xf32, #tpu.memory_space<vmem_shared>> -> memref<128x128xf32, #tpu.memory_space<vmem_shared>>
      tpu.wait_dma2 semaphore(%run_scoped3A : memref<!tpu.dma_semaphore, #tpu.memory_space<semaphore_mem>>) src(%arg9 : memref<128x128xf32, #tpu.memory_space<vmem>>) dst(%dma_wait3A_47 : memref<128x128xf32, #tpu.memory_space<vmem_shared>>)
      tpu.yield
    }) : () -> ()
    %mul3A_10 = arith.constant 640 : i32
    %mul3A_11 = arith.muli %arg1, %mul3A_10 : i32
    %add3A_12 = arith.constant 128 : i32
    %add3A_13 = arith.addi %mul3A_11, %add3A_12 : i32
    "tpu.region"() ({
      %run_scoped3A = tpu.sem_alloc : memref<!tpu.dma_semaphore, #tpu.memory_space<semaphore_mem>>
      %dma_start3A = arith.constant 0 : i32
      %dma_start3A_42 = tpu.memref_slice %arg10[%add3A_13, %dma_start3A] : memref<10240x128xf32, #tpu.memory_space<vmem_shared>> -> memref<128x128xf32, #tpu.memory_space<vmem_shared>>
      %dma_start3A_43 = arith.constant 0 : i32
      %dma_start3A_44 = tpu.memref_slice %arg10[%add3A_13, %dma_start3A_43] : memref<10240x128xf32, #tpu.memory_space<vmem_shared>> -> memref<128x128xf32, #tpu.memory_space<vmem_shared>>
      tpu.enqueue_dma source(%arg9 : memref<128x128xf32, #tpu.memory_space<vmem>>) target(%dma_start3A_44 : memref<128x128xf32, #tpu.memory_space<vmem_shared>>) target_semaphore(%run_scoped3A : memref<!tpu.dma_semaphore, #tpu.memory_space<semaphore_mem>>)
      %dma_wait3A = arith.constant 0 : i32
      %dma_wait3A_45 = tpu.memref_slice %arg10[%add3A_13, %dma_wait3A] : memref<10240x128xf32, #tpu.memory_space<vmem_shared>> -> memref<128x128xf32, #tpu.memory_space<vmem_shared>>
      %dma_wait3A_46 = arith.constant 0 : i32
      %dma_wait3A_47 = tpu.memref_slice %arg10[%add3A_13, %dma_wait3A_46] : memref<10240x128xf32, #tpu.memory_space<vmem_shared>> -> memref<128x128xf32, #tpu.memory_space<vmem_shared>>
      tpu.wait_dma2 semaphore(%run_scoped3A : memref<!tpu.dma_semaphore, #tpu.memory_space<semaphore_mem>>) src(%arg9 : memref<128x128xf32, #tpu.memory_space<vmem>>) dst(%dma_wait3A_47 : memref<128x128xf32, #tpu.memory_space<vmem_shared>>)
      tpu.yield
    }) : () -> ()
    %mul3A_14 = arith.constant 640 : i32
    %mul3A_15 = arith.muli %arg1, %mul3A_14 : i32
    %add3A_16 = arith.constant 256 : i32
    %add3A_17 = arith.addi %mul3A_15, %add3A_16 : i32
    "tpu.region"() ({
      %run_scoped3A = tpu.sem_alloc : memref<!tpu.dma_semaphore, #tpu.memory_space<semaphore_mem>>
      %dma_start3A = arith.constant 0 : i32
      %dma_start3A_42 = tpu.memref_slice %arg10[%add3A_17, %dma_start3A] : memref<10240x128xf32, #tpu.memory_space<vmem_shared>> -> memref<128x128xf32, #tpu.memory_space<vmem_shared>>
      %dma_start3A_43 = arith.constant 0 : i32
      %dma_start3A_44 = tpu.memref_slice %arg10[%add3A_17, %dma_start3A_43] : memref<10240x128xf32, #tpu.memory_space<vmem_shared>> -> memref<128x128xf32, #tpu.memory_space<vmem_shared>>
      tpu.enqueue_dma source(%arg9 : memref<128x128xf32, #tpu.memory_space<vmem>>) target(%dma_start3A_44 : memref<128x128xf32, #tpu.memory_space<vmem_shared>>) target_semaphore(%run_scoped3A : memref<!tpu.dma_semaphore, #tpu.memory_space<semaphore_mem>>)
      %dma_wait3A = arith.constant 0 : i32
      %dma_wait3A_45 = tpu.memref_slice %arg10[%add3A_17, %dma_wait3A] : memref<10240x128xf32, #tpu.memory_space<vmem_shared>> -> memref<128x128xf32, #tpu.memory_space<vmem_shared>>
      %dma_wait3A_46 = arith.constant 0 : i32
      %dma_wait3A_47 = tpu.memref_slice %arg10[%add3A_17, %dma_wait3A_46] : memref<10240x128xf32, #tpu.memory_space<vmem_shared>> -> memref<128x128xf32, #tpu.memory_space<vmem_shared>>
      tpu.wait_dma2 semaphore(%run_scoped3A : memref<!tpu.dma_semaphore, #tpu.memory_space<semaphore_mem>>) src(%arg9 : memref<128x128xf32, #tpu.memory_space<vmem>>) dst(%dma_wait3A_47 : memref<128x128xf32, #tpu.memory_space<vmem_shared>>)
      tpu.yield
    }) : () -> ()
    %mul3A_18 = arith.constant 640 : i32
    %mul3A_19 = arith.muli %arg1, %mul3A_18 : i32
    %add3A_20 = arith.constant 384 : i32
    %add3A_21 = arith.addi %mul3A_19, %add3A_20 : i32
    "tpu.region"() ({
      %run_scoped3A = tpu.sem_alloc : memref<!tpu.dma_semaphore, #tpu.memory_space<semaphore_mem>>
      %dma_start3A = arith.constant 0 : i32
      %dma_start3A_42 = tpu.memref_slice %arg10[%add3A_21, %dma_start3A] : memref<10240x128xf32, #tpu.memory_space<vmem_shared>> -> memref<128x128xf32, #tpu.memory_space<vmem_shared>>
      %dma_start3A_43 = arith.constant 0 : i32
      %dma_start3A_44 = tpu.memref_slice %arg10[%add3A_21, %dma_start3A_43] : memref<10240x128xf32, #tpu.memory_space<vmem_shared>> -> memref<128x128xf32, #tpu.memory_space<vmem_shared>>
      tpu.enqueue_dma source(%arg9 : memref<128x128xf32, #tpu.memory_space<vmem>>) target(%dma_start3A_44 : memref<128x128xf32, #tpu.memory_space<vmem_shared>>) target_semaphore(%run_scoped3A : memref<!tpu.dma_semaphore, #tpu.memory_space<semaphore_mem>>)
      %dma_wait3A = arith.constant 0 : i32
      %dma_wait3A_45 = tpu.memref_slice %arg10[%add3A_21, %dma_wait3A] : memref<10240x128xf32, #tpu.memory_space<vmem_shared>> -> memref<128x128xf32, #tpu.memory_space<vmem_shared>>
      %dma_wait3A_46 = arith.constant 0 : i32
      %dma_wait3A_47 = tpu.memref_slice %arg10[%add3A_21, %dma_wait3A_46] : memref<10240x128xf32, #tpu.memory_space<vmem_shared>> -> memref<128x128xf32, #tpu.memory_space<vmem_shared>>
      tpu.wait_dma2 semaphore(%run_scoped3A : memref<!tpu.dma_semaphore, #tpu.memory_space<semaphore_mem>>) src(%arg9 : memref<128x128xf32, #tpu.memory_space<vmem>>) dst(%dma_wait3A_47 : memref<128x128xf32, #tpu.memory_space<vmem_shared>>)
      tpu.yield
    }) : () -> ()
    %mul3A_22 = arith.constant 640 : i32
    %mul3A_23 = arith.muli %arg1, %mul3A_22 : i32
    %add3A_24 = arith.constant 512 : i32
    %add3A_25 = arith.addi %mul3A_23, %add3A_24 : i32
    "tpu.region"() ({
      %run_scoped3A = tpu.sem_alloc : memref<!tpu.dma_semaphore, #tpu.memory_space<semaphore_mem>>
      %dma_start3A = arith.constant 0 : i32
      %dma_start3A_42 = tpu.memref_slice %arg10[%add3A_25, %dma_start3A] : memref<10240x128xf32, #tpu.memory_space<vmem_shared>> -> memref<128x128xf32, #tpu.memory_space<vmem_shared>>
      %dma_start3A_43 = arith.constant 0 : i32
      %dma_start3A_44 = tpu.memref_slice %arg10[%add3A_25, %dma_start3A_43] : memref<10240x128xf32, #tpu.memory_space<vmem_shared>> -> memref<128x128xf32, #tpu.memory_space<vmem_shared>>
      tpu.enqueue_dma source(%arg9 : memref<128x128xf32, #tpu.memory_space<vmem>>) target(%dma_start3A_44 : memref<128x128xf32, #tpu.memory_space<vmem_shared>>) target_semaphore(%run_scoped3A : memref<!tpu.dma_semaphore, #tpu.memory_space<semaphore_mem>>)
      %dma_wait3A = arith.constant 0 : i32
      %dma_wait3A_45 = tpu.memref_slice %arg10[%add3A_25, %dma_wait3A] : memref<10240x128xf32, #tpu.memory_space<vmem_shared>> -> memref<128x128xf32, #tpu.memory_space<vmem_shared>>
      %dma_wait3A_46 = arith.constant 0 : i32
      %dma_wait3A_47 = tpu.memref_slice %arg10[%add3A_25, %dma_wait3A_46] : memref<10240x128xf32, #tpu.memory_space<vmem_shared>> -> memref<128x128xf32, #tpu.memory_space<vmem_shared>>
      tpu.wait_dma2 semaphore(%run_scoped3A : memref<!tpu.dma_semaphore, #tpu.memory_space<semaphore_mem>>) src(%arg9 : memref<128x128xf32, #tpu.memory_space<vmem>>) dst(%dma_wait3A_47 : memref<128x128xf32, #tpu.memory_space<vmem_shared>>)
      tpu.yield
    }) : () -> ()
    %barrier3A = arith.constant 0 : index
    tpu.barrier barrier_id(%barrier3A)
    %mul3A_26 = arith.constant 10112 : i32
    %mul3A_27 = arith.muli %add3A, %mul3A_26 : i32
    %scan3A_28 = arith.constant 0 : i32
    %scan3A_29 = arith.constant 0 : i32
    %scan3A_30 = arith.constant 79 : i32
    %scan3A_31 = arith.addi %scan3A_29, %scan3A_30 : i32
    %scan3A_32 = arith.constant 1 : i32
    scf.for %scan3A_42 = %scan3A_29 to %scan3A_31 step %scan3A_32  : i32 {
      %mul3A_43 = arith.constant 128 : i32
      %mul3A_44 = arith.muli %scan3A_42, %mul3A_43 : i32
      %add3A_45 = arith.addi %mul3A_27, %mul3A_44 : i32
      "tpu.region"() ({
        %run_scoped3A = tpu.sem_alloc : memref<!tpu.dma_semaphore, #tpu.memory_space<semaphore_mem>>
        %dma_start3A_50 = tpu.memref_slice %arg3[%add3A_45] : memref<323584xi32, #tpu.memory_space<hbm>> -> memref<128xi32, #tpu.memory_space<hbm>>
        %dma_start3A_51 = tpu.memref_slice %arg3[%add3A_45] : memref<323584xi32, #tpu.memory_space<hbm>> -> memref<128xi32, #tpu.memory_space<hbm>>
        tpu.enqueue_dma source(%dma_start3A_51 : memref<128xi32, #tpu.memory_space<hbm>>) target(%arg7 : memref<128xi32, #tpu.memory_space<vmem>>) target_semaphore(%run_scoped3A : memref<!tpu.dma_semaphore, #tpu.memory_space<semaphore_mem>>)
        %dma_wait3A_52 = tpu.memref_slice %arg3[%add3A_45] : memref<323584xi32, #tpu.memory_space<hbm>> -> memref<128xi32, #tpu.memory_space<hbm>>
        %dma_wait3A_53 = tpu.memref_slice %arg3[%add3A_45] : memref<323584xi32, #tpu.memory_space<hbm>> -> memref<128xi32, #tpu.memory_space<hbm>>
        tpu.wait_dma2 semaphore(%run_scoped3A : memref<!tpu.dma_semaphore, #tpu.memory_space<semaphore_mem>>) src(%dma_wait3A_53 : memref<128xi32, #tpu.memory_space<hbm>>) dst(%arg7 : memref<128xi32, #tpu.memory_space<vmem>>)
        tpu.yield
      }) : () -> ()
      "tpu.region"() ({
        %run_scoped3A = tpu.sem_alloc : memref<!tpu.dma_semaphore, #tpu.memory_space<semaphore_mem>>
        %dma_start3A_50 = tpu.memref_slice %arg4[%add3A_45] : memref<323584xi32, #tpu.memory_space<hbm>> -> memref<128xi32, #tpu.memory_space<hbm>>
        %dma_start3A_51 = tpu.memref_slice %arg4[%add3A_45] : memref<323584xi32, #tpu.memory_space<hbm>> -> memref<128xi32, #tpu.memory_space<hbm>>
        tpu.enqueue_dma source(%dma_start3A_51 : memref<128xi32, #tpu.memory_space<hbm>>) target(%arg8 : memref<128xi32, #tpu.memory_space<vmem>>) target_semaphore(%run_scoped3A : memref<!tpu.dma_semaphore, #tpu.memory_space<semaphore_mem>>)
        %dma_wait3A_52 = tpu.memref_slice %arg4[%add3A_45] : memref<323584xi32, #tpu.memory_space<hbm>> -> memref<128xi32, #tpu.memory_space<hbm>>
        %dma_wait3A_53 = tpu.memref_slice %arg4[%add3A_45] : memref<323584xi32, #tpu.memory_space<hbm>> -> memref<128xi32, #tpu.memory_space<hbm>>
        tpu.wait_dma2 semaphore(%run_scoped3A : memref<!tpu.dma_semaphore, #tpu.memory_space<semaphore_mem>>) src(%dma_wait3A_53 : memref<128xi32, #tpu.memory_space<hbm>>) dst(%arg8 : memref<128xi32, #tpu.memory_space<vmem>>)
        tpu.yield
      }) : () -> ()
      %dma_start3A = arith.constant 0 : i32
      %dma_start3A_46 = arith.constant 0 : i32
      %dma_start3A_47 = tpu.memref_slice %arg2[%dma_start3A, %dma_start3A_46] : memref<10240x128xf32, #tpu.memory_space<hbm>> -> memref<10240x128xf32, #tpu.memory_space<hbm>>
      tpu.enqueue_indirect_dma source(%dma_start3A_47 : memref<10240x128xf32, #tpu.memory_space<hbm>>) target(%arg9 : memref<128x128xf32, #tpu.memory_space<vmem>>) offsets(%arg7 : memref<128xi32, #tpu.memory_space<vmem>>) semaphore(%arg11 : memref<!tpu.dma_semaphore, #tpu.memory_space<semaphore_mem>>)
      %dma_wait3A = arith.constant 0 : i32
      %dma_wait3A_48 = arith.constant 0 : i32
      %dma_wait3A_49 = tpu.memref_slice %arg2[%dma_wait3A, %dma_wait3A_48] : memref<10240x128xf32, #tpu.memory_space<hbm>> -> memref<10240x128xf32, #tpu.memory_space<hbm>>
      tpu.wait_indirect_dma semaphore(%arg11 : memref<!tpu.dma_semaphore, #tpu.memory_space<semaphore_mem>>) src(%dma_wait3A_49 : memref<10240x128xf32, #tpu.memory_space<hbm>>) dst(%arg9 : memref<128x128xf32, #tpu.memory_space<vmem>>)
      "tpu.region"() ({
        %run_scoped3A = tpu.sem_alloc : memref<!tpu.dma_semaphore, #tpu.memory_space<semaphore_mem>>
        %dma_start3A_50 = arith.constant 0 : i32
        %dma_start3A_51 = arith.constant 0 : i32
        %dma_start3A_52 = tpu.memref_slice %arg10[%dma_start3A_50, %dma_start3A_51] : memref<10240x128xf32, #tpu.memory_space<vmem_shared>> -> memref<10240x128xf32, #tpu.memory_space<vmem_shared>>
        tpu.enqueue_indirect_dma source(%arg9 : memref<128x128xf32, #tpu.memory_space<vmem>>) target(%dma_start3A_52 : memref<10240x128xf32, #tpu.memory_space<vmem_shared>>) offsets(%arg8 : memref<128xi32, #tpu.memory_space<vmem>>) semaphore(%run_scoped3A : memref<!tpu.dma_semaphore, #tpu.memory_space<semaphore_mem>>) {add = true}
        %dma_wait3A_53 = arith.constant 0 : i32
        %dma_wait3A_54 = arith.constant 0 : i32
        %dma_wait3A_55 = tpu.memref_slice %arg10[%dma_wait3A_53, %dma_wait3A_54] : memref<10240x128xf32, #tpu.memory_space<vmem_shared>> -> memref<10240x128xf32, #tpu.memory_space<vmem_shared>>
        tpu.wait_indirect_dma semaphore(%run_scoped3A : memref<!tpu.dma_semaphore, #tpu.memory_space<semaphore_mem>>) src(%arg9 : memref<128x128xf32, #tpu.memory_space<vmem>>) dst(%dma_wait3A_55 : memref<10240x128xf32, #tpu.memory_space<vmem_shared>>)
        tpu.yield
      }) : () -> ()
    }
    %scan3A_33 = arith.constant 79 : i32
    %barrier3A_34 = arith.constant 0 : index
    tpu.barrier barrier_id(%barrier3A_34)
    %eq3A = arith.constant 0 : i32
    %eq3A_35 = arith.cmpi eq, %arg0, %eq3A : i32
    %convert_element_type3A = arith.extui %eq3A_35 : i1 to i32
    %cond3A = arith.constant 0 : i32
    %cond3A_36 = arith.cmpi ne, %convert_element_type3A, %cond3A : i32
    scf.if %cond3A_36 {
      %mul3A_42 = arith.constant 640 : i32
      %mul3A_43 = arith.muli %arg1, %mul3A_42 : i32
      %mul3A_44 = arith.constant 640 : i32
      %mul3A_45 = arith.muli %arg1, %mul3A_44 : i32
      "tpu.region"() ({
        %run_scoped3A = tpu.sem_alloc : memref<!tpu.dma_semaphore, #tpu.memory_space<semaphore_mem>>
        %dma_start3A = arith.constant 0 : i32
        %dma_start3A_46 = tpu.memref_slice %arg5[%mul3A_45, %dma_start3A] : memref<10240x128xf32, #tpu.memory_space<hbm>> -> memref<640x128xf32, #tpu.memory_space<hbm>>
        %dma_start3A_47 = arith.constant 0 : i32
        %dma_start3A_48 = tpu.memref_slice %arg10[%mul3A_43, %dma_start3A_47] : memref<10240x128xf32, #tpu.memory_space<vmem_shared>> -> memref<640x128xf32, #tpu.memory_space<vmem_shared>>
        tpu.enqueue_dma source(%dma_start3A_48 : memref<640x128xf32, #tpu.memory_space<vmem_shared>>) target(%dma_start3A_46 : memref<640x128xf32, #tpu.memory_space<hbm>>) target_semaphore(%run_scoped3A : memref<!tpu.dma_semaphore, #tpu.memory_space<semaphore_mem>>)
        %dma_wait3A = arith.constant 0 : i32
        %dma_wait3A_49 = tpu.memref_slice %arg5[%mul3A_45, %dma_wait3A] : memref<10240x128xf32, #tpu.memory_space<hbm>> -> memref<640x128xf32, #tpu.memory_space<hbm>>
        %dma_wait3A_50 = arith.constant 0 : i32
        %dma_wait3A_51 = tpu.memref_slice %arg10[%mul3A_43, %dma_wait3A_50] : memref<10240x128xf32, #tpu.memory_space<vmem_shared>> -> memref<640x128xf32, #tpu.memory_space<vmem_shared>>
        tpu.wait_dma2 semaphore(%run_scoped3A : memref<!tpu.dma_semaphore, #tpu.memory_space<semaphore_mem>>) src(%dma_wait3A_51 : memref<640x128xf32, #tpu.memory_space<vmem_shared>>) dst(%dma_wait3A_49 : memref<640x128xf32, #tpu.memory_space<hbm>>)
        tpu.yield
      }) : () -> ()
    } else {
    }
    %eq3A_37 = arith.constant 1 : i32
    %eq3A_38 = arith.cmpi eq, %arg0, %eq3A_37 : i32
    %convert_element_type3A_39 = arith.extui %eq3A_38 : i1 to i32
    %cond3A_40 = arith.constant 0 : i32
    %cond3A_41 = arith.cmpi ne, %convert_element_type3A_39, %cond3A_40 : i32
    scf.if %cond3A_41 {
      %mul3A_42 = arith.constant 640 : i32
      %mul3A_43 = arith.muli %arg1, %mul3A_42 : i32
      %mul3A_44 = arith.constant 640 : i32
      %mul3A_45 = arith.muli %arg1, %mul3A_44 : i32
      "tpu.region"() ({
        %run_scoped3A = tpu.sem_alloc : memref<!tpu.dma_semaphore, #tpu.memory_space<semaphore_mem>>
        %dma_start3A = arith.constant 0 : i32
        %dma_start3A_46 = tpu.memref_slice %arg6[%mul3A_45, %dma_start3A] : memref<10240x128xf32, #tpu.memory_space<hbm>> -> memref<640x128xf32, #tpu.memory_space<hbm>>
        %dma_start3A_47 = arith.constant 0 : i32
        %dma_start3A_48 = tpu.memref_slice %arg10[%mul3A_43, %dma_start3A_47] : memref<10240x128xf32, #tpu.memory_space<vmem_shared>> -> memref<640x128xf32, #tpu.memory_space<vmem_shared>>
        tpu.enqueue_dma source(%dma_start3A_48 : memref<640x128xf32, #tpu.memory_space<vmem_shared>>) target(%dma_start3A_46 : memref<640x128xf32, #tpu.memory_space<hbm>>) target_semaphore(%run_scoped3A : memref<!tpu.dma_semaphore, #tpu.memory_space<semaphore_mem>>)
        %dma_wait3A = arith.constant 0 : i32
        %dma_wait3A_49 = tpu.memref_slice %arg6[%mul3A_45, %dma_wait3A] : memref<10240x128xf32, #tpu.memory_space<hbm>> -> memref<640x128xf32, #tpu.memory_space<hbm>>
        %dma_wait3A_50 = arith.constant 0 : i32
        %dma_wait3A_51 = tpu.memref_slice %arg10[%mul3A_43, %dma_wait3A_50] : memref<10240x128xf32, #tpu.memory_space<vmem_shared>> -> memref<640x128xf32, #tpu.memory_space<vmem_shared>>
        tpu.wait_dma2 semaphore(%run_scoped3A : memref<!tpu.dma_semaphore, #tpu.memory_space<semaphore_mem>>) src(%dma_wait3A_51 : memref<640x128xf32, #tpu.memory_space<vmem_shared>>) dst(%dma_wait3A_49 : memref<640x128xf32, #tpu.memory_space<hbm>>)
        tpu.yield
      }) : () -> ()
    } else {
    }
    return
  }
}

#map = affine_map<(d0, d1) -> (0)>
module attributes {stable_mosaic.version = 14 : i64} {
  func.func @deg_kernel(%arg0: i32, %arg1: i32, %arg2: memref<323584xi32, #tpu.memory_space<hbm>>, %arg3: memref<323584xi32, #tpu.memory_space<hbm>>, %arg4: memref<10240xf32, #tpu.memory_space<hbm>>, %arg5: memref<10240xf32, #tpu.memory_space<hbm>>, %arg6: memref<128xi32, #tpu.memory_space<vmem>>, %arg7: memref<128xf32, #tpu.memory_space<vmem>>, %arg8: memref<640xf32, #tpu.memory_space<vmem>>, %arg9: memref<10240xf32, #tpu.memory_space<vmem_shared>>) attributes {dimension_semantics = [#tpu.dimension_semantics<core_parallel>, #tpu.dimension_semantics<subcore_parallel>], iteration_bounds = array<i64: 2, 16>, scalar_prefetch = 0 : i64, scratch_operands = 4 : i64, tpu.core_type = #tpu.core_type<sc_vector_subcore>, window_params = [{transform_indices = #map}, {transform_indices = #map}, {transform_indices = #map}, {transform_indices = #map}]} {
    %broadcast_in_dim3A = arith.constant 1.000000e+00 : f32
    %broadcast_in_dim3A_0 = vector.broadcast %broadcast_in_dim3A : f32 to vector<16xf32>
    %swap3A = arith.constant 0 : index
    %swap3A_1 = tpu.vector_load %arg7[%swap3A] {strides = array<i32>} : memref<128xf32, #tpu.memory_space<vmem>>, vector<16xf32>,
    %swap3A_2 = vector.shape_cast %swap3A_1 : vector<16xf32> to vector<16xf32>
    %swap3A_3 = vector.shape_cast %broadcast_in_dim3A_0 : vector<16xf32> to vector<16xf32>
    tpu.vector_store %arg7[%swap3A], %swap3A_3 {strides = array<i32>} : memref<128xf32, #tpu.memory_space<vmem>>, vector<16xf32>,
    %broadcast_in_dim3A_4 = arith.constant 1.000000e+00 : f32
    %broadcast_in_dim3A_5 = vector.broadcast %broadcast_in_dim3A_4 : f32 to vector<16xf32>
    %swap3A_6 = arith.constant 16 : index
    %swap3A_7 = tpu.vector_load %arg7[%swap3A_6] {strides = array<i32>} : memref<128xf32, #tpu.memory_space<vmem>>, vector<16xf32>,
    %swap3A_8 = vector.shape_cast %swap3A_7 : vector<16xf32> to vector<16xf32>
    %swap3A_9 = vector.shape_cast %broadcast_in_dim3A_5 : vector<16xf32> to vector<16xf32>
    tpu.vector_store %arg7[%swap3A_6], %swap3A_9 {strides = array<i32>} : memref<128xf32, #tpu.memory_space<vmem>>, vector<16xf32>,
    %broadcast_in_dim3A_10 = arith.constant 1.000000e+00 : f32
    %broadcast_in_dim3A_11 = vector.broadcast %broadcast_in_dim3A_10 : f32 to vector<16xf32>
    %swap3A_12 = arith.constant 32 : index
    %swap3A_13 = tpu.vector_load %arg7[%swap3A_12] {strides = array<i32>} : memref<128xf32, #tpu.memory_space<vmem>>, vector<16xf32>,
    %swap3A_14 = vector.shape_cast %swap3A_13 : vector<16xf32> to vector<16xf32>
    %swap3A_15 = vector.shape_cast %broadcast_in_dim3A_11 : vector<16xf32> to vector<16xf32>
    tpu.vector_store %arg7[%swap3A_12], %swap3A_15 {strides = array<i32>} : memref<128xf32, #tpu.memory_space<vmem>>, vector<16xf32>,
    %broadcast_in_dim3A_16 = arith.constant 1.000000e+00 : f32
    %broadcast_in_dim3A_17 = vector.broadcast %broadcast_in_dim3A_16 : f32 to vector<16xf32>
    %swap3A_18 = arith.constant 48 : index
    %swap3A_19 = tpu.vector_load %arg7[%swap3A_18] {strides = array<i32>} : memref<128xf32, #tpu.memory_space<vmem>>, vector<16xf32>,
    %swap3A_20 = vector.shape_cast %swap3A_19 : vector<16xf32> to vector<16xf32>
    %swap3A_21 = vector.shape_cast %broadcast_in_dim3A_17 : vector<16xf32> to vector<16xf32>
    tpu.vector_store %arg7[%swap3A_18], %swap3A_21 {strides = array<i32>} : memref<128xf32, #tpu.memory_space<vmem>>, vector<16xf32>,
    %broadcast_in_dim3A_22 = arith.constant 1.000000e+00 : f32
    %broadcast_in_dim3A_23 = vector.broadcast %broadcast_in_dim3A_22 : f32 to vector<16xf32>
    %swap3A_24 = arith.constant 64 : index
    %swap3A_25 = tpu.vector_load %arg7[%swap3A_24] {strides = array<i32>} : memref<128xf32, #tpu.memory_space<vmem>>, vector<16xf32>,
    %swap3A_26 = vector.shape_cast %swap3A_25 : vector<16xf32> to vector<16xf32>
    %swap3A_27 = vector.shape_cast %broadcast_in_dim3A_23 : vector<16xf32> to vector<16xf32>
    tpu.vector_store %arg7[%swap3A_24], %swap3A_27 {strides = array<i32>} : memref<128xf32, #tpu.memory_space<vmem>>, vector<16xf32>,
    %broadcast_in_dim3A_28 = arith.constant 1.000000e+00 : f32
    %broadcast_in_dim3A_29 = vector.broadcast %broadcast_in_dim3A_28 : f32 to vector<16xf32>
    %swap3A_30 = arith.constant 80 : index
    %swap3A_31 = tpu.vector_load %arg7[%swap3A_30] {strides = array<i32>} : memref<128xf32, #tpu.memory_space<vmem>>, vector<16xf32>,
    %swap3A_32 = vector.shape_cast %swap3A_31 : vector<16xf32> to vector<16xf32>
    %swap3A_33 = vector.shape_cast %broadcast_in_dim3A_29 : vector<16xf32> to vector<16xf32>
    tpu.vector_store %arg7[%swap3A_30], %swap3A_33 {strides = array<i32>} : memref<128xf32, #tpu.memory_space<vmem>>, vector<16xf32>,
    %broadcast_in_dim3A_34 = arith.constant 1.000000e+00 : f32
    %broadcast_in_dim3A_35 = vector.broadcast %broadcast_in_dim3A_34 : f32 to vector<16xf32>
    %swap3A_36 = arith.constant 96 : index
    %swap3A_37 = tpu.vector_load %arg7[%swap3A_36] {strides = array<i32>} : memref<128xf32, #tpu.memory_space<vmem>>, vector<16xf32>,
    %swap3A_38 = vector.shape_cast %swap3A_37 : vector<16xf32> to vector<16xf32>
    %swap3A_39 = vector.shape_cast %broadcast_in_dim3A_35 : vector<16xf32> to vector<16xf32>
    tpu.vector_store %arg7[%swap3A_36], %swap3A_39 {strides = array<i32>} : memref<128xf32, #tpu.memory_space<vmem>>, vector<16xf32>,
    %broadcast_in_dim3A_40 = arith.constant 1.000000e+00 : f32
    %broadcast_in_dim3A_41 = vector.broadcast %broadcast_in_dim3A_40 : f32 to vector<16xf32>
    %swap3A_42 = arith.constant 112 : index
    %swap3A_43 = tpu.vector_load %arg7[%swap3A_42] {strides = array<i32>} : memref<128xf32, #tpu.memory_space<vmem>>, vector<16xf32>,
    %swap3A_44 = vector.shape_cast %swap3A_43 : vector<16xf32> to vector<16xf32>
    %swap3A_45 = vector.shape_cast %broadcast_in_dim3A_41 : vector<16xf32> to vector<16xf32>
    tpu.vector_store %arg7[%swap3A_42], %swap3A_45 {strides = array<i32>} : memref<128xf32, #tpu.memory_space<vmem>>, vector<16xf32>,
    %broadcast_in_dim3A_46 = arith.constant 0.000000e+00 : f32
    %broadcast_in_dim3A_47 = vector.broadcast %broadcast_in_dim3A_46 : f32 to vector<16xf32>
    %swap3A_48 = arith.constant 0 : index
    %swap3A_49 = tpu.vector_load %arg8[%swap3A_48] {strides = array<i32>} : memref<640xf32, #tpu.memory_space<vmem>>, vector<16xf32>,
    %swap3A_50 = vector.shape_cast %swap3A_49 : vector<16xf32> to vector<16xf32>
    %swap3A_51 = vector.shape_cast %broadcast_in_dim3A_47 : vector<16xf32> to vector<16xf32>
    tpu.vector_store %arg8[%swap3A_48], %swap3A_51 {strides = array<i32>} : memref<640xf32, #tpu.memory_space<vmem>>, vector<16xf32>,
    %broadcast_in_dim3A_52 = arith.constant 0.000000e+00 : f32
    %broadcast_in_dim3A_53 = vector.broadcast %broadcast_in_dim3A_52 : f32 to vector<16xf32>
    %swap3A_54 = arith.constant 16 : index
    %swap3A_55 = tpu.vector_load %arg8[%swap3A_54] {strides = array<i32>} : memref<640xf32, #tpu.memory_space<vmem>>, vector<16xf32>,
    %swap3A_56 = vector.shape_cast %swap3A_55 : vector<16xf32> to vector<16xf32>
    %swap3A_57 = vector.shape_cast %broadcast_in_dim3A_53 : vector<16xf32> to vector<16xf32>
    tpu.vector_store %arg8[%swap3A_54], %swap3A_57 {strides = array<i32>} : memref<640xf32, #tpu.memory_space<vmem>>, vector<16xf32>,
    %broadcast_in_dim3A_58 = arith.constant 0.000000e+00 : f32
    %broadcast_in_dim3A_59 = vector.broadcast %broadcast_in_dim3A_58 : f32 to vector<16xf32>
    %swap3A_60 = arith.constant 32 : index
    %swap3A_61 = tpu.vector_load %arg8[%swap3A_60] {strides = array<i32>} : memref<640xf32, #tpu.memory_space<vmem>>, vector<16xf32>,
    %swap3A_62 = vector.shape_cast %swap3A_61 : vector<16xf32> to vector<16xf32>
    %swap3A_63 = vector.shape_cast %broadcast_in_dim3A_59 : vector<16xf32> to vector<16xf32>
    tpu.vector_store %arg8[%swap3A_60], %swap3A_63 {strides = array<i32>} : memref<640xf32, #tpu.memory_space<vmem>>, vector<16xf32>,
    %broadcast_in_dim3A_64 = arith.constant 0.000000e+00 : f32
    %broadcast_in_dim3A_65 = vector.broadcast %broadcast_in_dim3A_64 : f32 to vector<16xf32>
    %swap3A_66 = arith.constant 48 : index
    %swap3A_67 = tpu.vector_load %arg8[%swap3A_66] {strides = array<i32>} : memref<640xf32, #tpu.memory_space<vmem>>, vector<16xf32>,
    %swap3A_68 = vector.shape_cast %swap3A_67 : vector<16xf32> to vector<16xf32>
    %swap3A_69 = vector.shape_cast %broadcast_in_dim3A_65 : vector<16xf32> to vector<16xf32>
    tpu.vector_store %arg8[%swap3A_66], %swap3A_69 {strides = array<i32>} : memref<640xf32, #tpu.memory_space<vmem>>, vector<16xf32>,
    %broadcast_in_dim3A_70 = arith.constant 0.000000e+00 : f32
    %broadcast_in_dim3A_71 = vector.broadcast %broadcast_in_dim3A_70 : f32 to vector<16xf32>
    %swap3A_72 = arith.constant 64 : index
    %swap3A_73 = tpu.vector_load %arg8[%swap3A_72] {strides = array<i32>} : memref<640xf32, #tpu.memory_space<vmem>>, vector<16xf32>,
    %swap3A_74 = vector.shape_cast %swap3A_73 : vector<16xf32> to vector<16xf32>
    %swap3A_75 = vector.shape_cast %broadcast_in_dim3A_71 : vector<16xf32> to vector<16xf32>
    tpu.vector_store %arg8[%swap3A_72], %swap3A_75 {strides = array<i32>} : memref<640xf32, #tpu.memory_space<vmem>>, vector<16xf32>,
    %broadcast_in_dim3A_76 = arith.constant 0.000000e+00 : f32
    %broadcast_in_dim3A_77 = vector.broadcast %broadcast_in_dim3A_76 : f32 to vector<16xf32>
    %swap3A_78 = arith.constant 80 : index
    %swap3A_79 = tpu.vector_load %arg8[%swap3A_78] {strides = array<i32>} : memref<640xf32, #tpu.memory_space<vmem>>, vector<16xf32>,
    %swap3A_80 = vector.shape_cast %swap3A_79 : vector<16xf32> to vector<16xf32>
    %swap3A_81 = vector.shape_cast %broadcast_in_dim3A_77 : vector<16xf32> to vector<16xf32>
    tpu.vector_store %arg8[%swap3A_78], %swap3A_81 {strides = array<i32>} : memref<640xf32, #tpu.memory_space<vmem>>, vector<16xf32>,
    %broadcast_in_dim3A_82 = arith.constant 0.000000e+00 : f32
    %broadcast_in_dim3A_83 = vector.broadcast %broadcast_in_dim3A_82 : f32 to vector<16xf32>
    %swap3A_84 = arith.constant 96 : index
    %swap3A_85 = tpu.vector_load %arg8[%swap3A_84] {strides = array<i32>} : memref<640xf32, #tpu.memory_space<vmem>>, vector<16xf32>,
    %swap3A_86 = vector.shape_cast %swap3A_85 : vector<16xf32> to vector<16xf32>
    %swap3A_87 = vector.shape_cast %broadcast_in_dim3A_83 : vector<16xf32> to vector<16xf32>
    tpu.vector_store %arg8[%swap3A_84], %swap3A_87 {strides = array<i32>} : memref<640xf32, #tpu.memory_space<vmem>>, vector<16xf32>,
    %broadcast_in_dim3A_88 = arith.constant 0.000000e+00 : f32
    %broadcast_in_dim3A_89 = vector.broadcast %broadcast_in_dim3A_88 : f32 to vector<16xf32>
    %swap3A_90 = arith.constant 112 : index
    %swap3A_91 = tpu.vector_load %arg8[%swap3A_90] {strides = array<i32>} : memref<640xf32, #tpu.memory_space<vmem>>, vector<16xf32>,
    %swap3A_92 = vector.shape_cast %swap3A_91 : vector<16xf32> to vector<16xf32>
    %swap3A_93 = vector.shape_cast %broadcast_in_dim3A_89 : vector<16xf32> to vector<16xf32>
    tpu.vector_store %arg8[%swap3A_90], %swap3A_93 {strides = array<i32>} : memref<640xf32, #tpu.memory_space<vmem>>, vector<16xf32>,
    %broadcast_in_dim3A_94 = arith.constant 0.000000e+00 : f32
    %broadcast_in_dim3A_95 = vector.broadcast %broadcast_in_dim3A_94 : f32 to vector<16xf32>
    %swap3A_96 = arith.constant 128 : index
    %swap3A_97 = tpu.vector_load %arg8[%swap3A_96] {strides = array<i32>} : memref<640xf32, #tpu.memory_space<vmem>>, vector<16xf32>,
    %swap3A_98 = vector.shape_cast %swap3A_97 : vector<16xf32> to vector<16xf32>
    %swap3A_99 = vector.shape_cast %broadcast_in_dim3A_95 : vector<16xf32> to vector<16xf32>
    tpu.vector_store %arg8[%swap3A_96], %swap3A_99 {strides = array<i32>} : memref<640xf32, #tpu.memory_space<vmem>>, vector<16xf32>,
    %broadcast_in_dim3A_100 = arith.constant 0.000000e+00 : f32
    %broadcast_in_dim3A_101 = vector.broadcast %broadcast_in_dim3A_100 : f32 to vector<16xf32>
    %swap3A_102 = arith.constant 144 : index
    %swap3A_103 = tpu.vector_load %arg8[%swap3A_102] {strides = array<i32>} : memref<640xf32, #tpu.memory_space<vmem>>, vector<16xf32>,
    %swap3A_104 = vector.shape_cast %swap3A_103 : vector<16xf32> to vector<16xf32>
    %swap3A_105 = vector.shape_cast %broadcast_in_dim3A_101 : vector<16xf32> to vector<16xf32>
    tpu.vector_store %arg8[%swap3A_102], %swap3A_105 {strides = array<i32>} : memref<640xf32, #tpu.memory_space<vmem>>, vector<16xf32>,
    %broadcast_in_dim3A_106 = arith.constant 0.000000e+00 : f32
    %broadcast_in_dim3A_107 = vector.broadcast %broadcast_in_dim3A_106 : f32 to vector<16xf32>
    %swap3A_108 = arith.constant 160 : index
    %swap3A_109 = tpu.vector_load %arg8[%swap3A_108] {strides = array<i32>} : memref<640xf32, #tpu.memory_space<vmem>>, vector<16xf32>,
    %swap3A_110 = vector.shape_cast %swap3A_109 : vector<16xf32> to vector<16xf32>
    %swap3A_111 = vector.shape_cast %broadcast_in_dim3A_107 : vector<16xf32> to vector<16xf32>
    tpu.vector_store %arg8[%swap3A_108], %swap3A_111 {strides = array<i32>} : memref<640xf32, #tpu.memory_space<vmem>>, vector<16xf32>,
    %broadcast_in_dim3A_112 = arith.constant 0.000000e+00 : f32
    %broadcast_in_dim3A_113 = vector.broadcast %broadcast_in_dim3A_112 : f32 to vector<16xf32>
    %swap3A_114 = arith.constant 176 : index
    %swap3A_115 = tpu.vector_load %arg8[%swap3A_114] {strides = array<i32>} : memref<640xf32, #tpu.memory_space<vmem>>, vector<16xf32>,
    %swap3A_116 = vector.shape_cast %swap3A_115 : vector<16xf32> to vector<16xf32>
    %swap3A_117 = vector.shape_cast %broadcast_in_dim3A_113 : vector<16xf32> to vector<16xf32>
    tpu.vector_store %arg8[%swap3A_114], %swap3A_117 {strides = array<i32>} : memref<640xf32, #tpu.memory_space<vmem>>, vector<16xf32>,
    %broadcast_in_dim3A_118 = arith.constant 0.000000e+00 : f32
    %broadcast_in_dim3A_119 = vector.broadcast %broadcast_in_dim3A_118 : f32 to vector<16xf32>
    %swap3A_120 = arith.constant 192 : index
    %swap3A_121 = tpu.vector_load %arg8[%swap3A_120] {strides = array<i32>} : memref<640xf32, #tpu.memory_space<vmem>>, vector<16xf32>,
    %swap3A_122 = vector.shape_cast %swap3A_121 : vector<16xf32> to vector<16xf32>
    %swap3A_123 = vector.shape_cast %broadcast_in_dim3A_119 : vector<16xf32> to vector<16xf32>
    tpu.vector_store %arg8[%swap3A_120], %swap3A_123 {strides = array<i32>} : memref<640xf32, #tpu.memory_space<vmem>>, vector<16xf32>,
    %broadcast_in_dim3A_124 = arith.constant 0.000000e+00 : f32
    %broadcast_in_dim3A_125 = vector.broadcast %broadcast_in_dim3A_124 : f32 to vector<16xf32>
    %swap3A_126 = arith.constant 208 : index
    %swap3A_127 = tpu.vector_load %arg8[%swap3A_126] {strides = array<i32>} : memref<640xf32, #tpu.memory_space<vmem>>, vector<16xf32>,
    %swap3A_128 = vector.shape_cast %swap3A_127 : vector<16xf32> to vector<16xf32>
    %swap3A_129 = vector.shape_cast %broadcast_in_dim3A_125 : vector<16xf32> to vector<16xf32>
    tpu.vector_store %arg8[%swap3A_126], %swap3A_129 {strides = array<i32>} : memref<640xf32, #tpu.memory_space<vmem>>, vector<16xf32>,
    %broadcast_in_dim3A_130 = arith.constant 0.000000e+00 : f32
    %broadcast_in_dim3A_131 = vector.broadcast %broadcast_in_dim3A_130 : f32 to vector<16xf32>
    %swap3A_132 = arith.constant 224 : index
    %swap3A_133 = tpu.vector_load %arg8[%swap3A_132] {strides = array<i32>} : memref<640xf32, #tpu.memory_space<vmem>>, vector<16xf32>,
    %swap3A_134 = vector.shape_cast %swap3A_133 : vector<16xf32> to vector<16xf32>
    %swap3A_135 = vector.shape_cast %broadcast_in_dim3A_131 : vector<16xf32> to vector<16xf32>
    tpu.vector_store %arg8[%swap3A_132], %swap3A_135 {strides = array<i32>} : memref<640xf32, #tpu.memory_space<vmem>>, vector<16xf32>,
    %broadcast_in_dim3A_136 = arith.constant 0.000000e+00 : f32
    %broadcast_in_dim3A_137 = vector.broadcast %broadcast_in_dim3A_136 : f32 to vector<16xf32>
    %swap3A_138 = arith.constant 240 : index
    %swap3A_139 = tpu.vector_load %arg8[%swap3A_138] {strides = array<i32>} : memref<640xf32, #tpu.memory_space<vmem>>, vector<16xf32>,
    %swap3A_140 = vector.shape_cast %swap3A_139 : vector<16xf32> to vector<16xf32>
    %swap3A_141 = vector.shape_cast %broadcast_in_dim3A_137 : vector<16xf32> to vector<16xf32>
    tpu.vector_store %arg8[%swap3A_138], %swap3A_141 {strides = array<i32>} : memref<640xf32, #tpu.memory_space<vmem>>, vector<16xf32>,
    %broadcast_in_dim3A_142 = arith.constant 0.000000e+00 : f32
    %broadcast_in_dim3A_143 = vector.broadcast %broadcast_in_dim3A_142 : f32 to vector<16xf32>
    %swap3A_144 = arith.constant 256 : index
    %swap3A_145 = tpu.vector_load %arg8[%swap3A_144] {strides = array<i32>} : memref<640xf32, #tpu.memory_space<vmem>>, vector<16xf32>,
    %swap3A_146 = vector.shape_cast %swap3A_145 : vector<16xf32> to vector<16xf32>
    %swap3A_147 = vector.shape_cast %broadcast_in_dim3A_143 : vector<16xf32> to vector<16xf32>
    tpu.vector_store %arg8[%swap3A_144], %swap3A_147 {strides = array<i32>} : memref<640xf32, #tpu.memory_space<vmem>>, vector<16xf32>,
    %broadcast_in_dim3A_148 = arith.constant 0.000000e+00 : f32
    %broadcast_in_dim3A_149 = vector.broadcast %broadcast_in_dim3A_148 : f32 to vector<16xf32>
    %swap3A_150 = arith.constant 272 : index
    %swap3A_151 = tpu.vector_load %arg8[%swap3A_150] {strides = array<i32>} : memref<640xf32, #tpu.memory_space<vmem>>, vector<16xf32>,
    %swap3A_152 = vector.shape_cast %swap3A_151 : vector<16xf32> to vector<16xf32>
    %swap3A_153 = vector.shape_cast %broadcast_in_dim3A_149 : vector<16xf32> to vector<16xf32>
    tpu.vector_store %arg8[%swap3A_150], %swap3A_153 {strides = array<i32>} : memref<640xf32, #tpu.memory_space<vmem>>, vector<16xf32>,
    %broadcast_in_dim3A_154 = arith.constant 0.000000e+00 : f32
    %broadcast_in_dim3A_155 = vector.broadcast %broadcast_in_dim3A_154 : f32 to vector<16xf32>
    %swap3A_156 = arith.constant 288 : index
    %swap3A_157 = tpu.vector_load %arg8[%swap3A_156] {strides = array<i32>} : memref<640xf32, #tpu.memory_space<vmem>>, vector<16xf32>,
    %swap3A_158 = vector.shape_cast %swap3A_157 : vector<16xf32> to vector<16xf32>
    %swap3A_159 = vector.shape_cast %broadcast_in_dim3A_155 : vector<16xf32> to vector<16xf32>
    tpu.vector_store %arg8[%swap3A_156], %swap3A_159 {strides = array<i32>} : memref<640xf32, #tpu.memory_space<vmem>>, vector<16xf32>,
    %broadcast_in_dim3A_160 = arith.constant 0.000000e+00 : f32
    %broadcast_in_dim3A_161 = vector.broadcast %broadcast_in_dim3A_160 : f32 to vector<16xf32>
    %swap3A_162 = arith.constant 304 : index
    %swap3A_163 = tpu.vector_load %arg8[%swap3A_162] {strides = array<i32>} : memref<640xf32, #tpu.memory_space<vmem>>, vector<16xf32>,
    %swap3A_164 = vector.shape_cast %swap3A_163 : vector<16xf32> to vector<16xf32>
    %swap3A_165 = vector.shape_cast %broadcast_in_dim3A_161 : vector<16xf32> to vector<16xf32>
    tpu.vector_store %arg8[%swap3A_162], %swap3A_165 {strides = array<i32>} : memref<640xf32, #tpu.memory_space<vmem>>, vector<16xf32>,
    %broadcast_in_dim3A_166 = arith.constant 0.000000e+00 : f32
    %broadcast_in_dim3A_167 = vector.broadcast %broadcast_in_dim3A_166 : f32 to vector<16xf32>
    %swap3A_168 = arith.constant 320 : index
    %swap3A_169 = tpu.vector_load %arg8[%swap3A_168] {strides = array<i32>} : memref<640xf32, #tpu.memory_space<vmem>>, vector<16xf32>,
    %swap3A_170 = vector.shape_cast %swap3A_169 : vector<16xf32> to vector<16xf32>
    %swap3A_171 = vector.shape_cast %broadcast_in_dim3A_167 : vector<16xf32> to vector<16xf32>
    tpu.vector_store %arg8[%swap3A_168], %swap3A_171 {strides = array<i32>} : memref<640xf32, #tpu.memory_space<vmem>>, vector<16xf32>,
    %broadcast_in_dim3A_172 = arith.constant 0.000000e+00 : f32
    %broadcast_in_dim3A_173 = vector.broadcast %broadcast_in_dim3A_172 : f32 to vector<16xf32>
    %swap3A_174 = arith.constant 336 : index
    %swap3A_175 = tpu.vector_load %arg8[%swap3A_174] {strides = array<i32>} : memref<640xf32, #tpu.memory_space<vmem>>, vector<16xf32>,
    %swap3A_176 = vector.shape_cast %swap3A_175 : vector<16xf32> to vector<16xf32>
    %swap3A_177 = vector.shape_cast %broadcast_in_dim3A_173 : vector<16xf32> to vector<16xf32>
    tpu.vector_store %arg8[%swap3A_174], %swap3A_177 {strides = array<i32>} : memref<640xf32, #tpu.memory_space<vmem>>, vector<16xf32>,
    %broadcast_in_dim3A_178 = arith.constant 0.000000e+00 : f32
    %broadcast_in_dim3A_179 = vector.broadcast %broadcast_in_dim3A_178 : f32 to vector<16xf32>
    %swap3A_180 = arith.constant 352 : index
    %swap3A_181 = tpu.vector_load %arg8[%swap3A_180] {strides = array<i32>} : memref<640xf32, #tpu.memory_space<vmem>>, vector<16xf32>,
    %swap3A_182 = vector.shape_cast %swap3A_181 : vector<16xf32> to vector<16xf32>
    %swap3A_183 = vector.shape_cast %broadcast_in_dim3A_179 : vector<16xf32> to vector<16xf32>
    tpu.vector_store %arg8[%swap3A_180], %swap3A_183 {strides = array<i32>} : memref<640xf32, #tpu.memory_space<vmem>>, vector<16xf32>,
    %broadcast_in_dim3A_184 = arith.constant 0.000000e+00 : f32
    %broadcast_in_dim3A_185 = vector.broadcast %broadcast_in_dim3A_184 : f32 to vector<16xf32>
    %swap3A_186 = arith.constant 368 : index
    %swap3A_187 = tpu.vector_load %arg8[%swap3A_186] {strides = array<i32>} : memref<640xf32, #tpu.memory_space<vmem>>, vector<16xf32>,
    %swap3A_188 = vector.shape_cast %swap3A_187 : vector<16xf32> to vector<16xf32>
    %swap3A_189 = vector.shape_cast %broadcast_in_dim3A_185 : vector<16xf32> to vector<16xf32>
    tpu.vector_store %arg8[%swap3A_186], %swap3A_189 {strides = array<i32>} : memref<640xf32, #tpu.memory_space<vmem>>, vector<16xf32>,
    %broadcast_in_dim3A_190 = arith.constant 0.000000e+00 : f32
    %broadcast_in_dim3A_191 = vector.broadcast %broadcast_in_dim3A_190 : f32 to vector<16xf32>
    %swap3A_192 = arith.constant 384 : index
    %swap3A_193 = tpu.vector_load %arg8[%swap3A_192] {strides = array<i32>} : memref<640xf32, #tpu.memory_space<vmem>>, vector<16xf32>,
    %swap3A_194 = vector.shape_cast %swap3A_193 : vector<16xf32> to vector<16xf32>
    %swap3A_195 = vector.shape_cast %broadcast_in_dim3A_191 : vector<16xf32> to vector<16xf32>
    tpu.vector_store %arg8[%swap3A_192], %swap3A_195 {strides = array<i32>} : memref<640xf32, #tpu.memory_space<vmem>>, vector<16xf32>,
    %broadcast_in_dim3A_196 = arith.constant 0.000000e+00 : f32
    %broadcast_in_dim3A_197 = vector.broadcast %broadcast_in_dim3A_196 : f32 to vector<16xf32>
    %swap3A_198 = arith.constant 400 : index
    %swap3A_199 = tpu.vector_load %arg8[%swap3A_198] {strides = array<i32>} : memref<640xf32, #tpu.memory_space<vmem>>, vector<16xf32>,
    %swap3A_200 = vector.shape_cast %swap3A_199 : vector<16xf32> to vector<16xf32>
    %swap3A_201 = vector.shape_cast %broadcast_in_dim3A_197 : vector<16xf32> to vector<16xf32>
    tpu.vector_store %arg8[%swap3A_198], %swap3A_201 {strides = array<i32>} : memref<640xf32, #tpu.memory_space<vmem>>, vector<16xf32>,
    %broadcast_in_dim3A_202 = arith.constant 0.000000e+00 : f32
    %broadcast_in_dim3A_203 = vector.broadcast %broadcast_in_dim3A_202 : f32 to vector<16xf32>
    %swap3A_204 = arith.constant 416 : index
    %swap3A_205 = tpu.vector_load %arg8[%swap3A_204] {strides = array<i32>} : memref<640xf32, #tpu.memory_space<vmem>>, vector<16xf32>,
    %swap3A_206 = vector.shape_cast %swap3A_205 : vector<16xf32> to vector<16xf32>
    %swap3A_207 = vector.shape_cast %broadcast_in_dim3A_203 : vector<16xf32> to vector<16xf32>
    tpu.vector_store %arg8[%swap3A_204], %swap3A_207 {strides = array<i32>} : memref<640xf32, #tpu.memory_space<vmem>>, vector<16xf32>,
    %broadcast_in_dim3A_208 = arith.constant 0.000000e+00 : f32
    %broadcast_in_dim3A_209 = vector.broadcast %broadcast_in_dim3A_208 : f32 to vector<16xf32>
    %swap3A_210 = arith.constant 432 : index
    %swap3A_211 = tpu.vector_load %arg8[%swap3A_210] {strides = array<i32>} : memref<640xf32, #tpu.memory_space<vmem>>, vector<16xf32>,
    %swap3A_212 = vector.shape_cast %swap3A_211 : vector<16xf32> to vector<16xf32>
    %swap3A_213 = vector.shape_cast %broadcast_in_dim3A_209 : vector<16xf32> to vector<16xf32>
    tpu.vector_store %arg8[%swap3A_210], %swap3A_213 {strides = array<i32>} : memref<640xf32, #tpu.memory_space<vmem>>, vector<16xf32>,
    %broadcast_in_dim3A_214 = arith.constant 0.000000e+00 : f32
    %broadcast_in_dim3A_215 = vector.broadcast %broadcast_in_dim3A_214 : f32 to vector<16xf32>
    %swap3A_216 = arith.constant 448 : index
    %swap3A_217 = tpu.vector_load %arg8[%swap3A_216] {strides = array<i32>} : memref<640xf32, #tpu.memory_space<vmem>>, vector<16xf32>,
    %swap3A_218 = vector.shape_cast %swap3A_217 : vector<16xf32> to vector<16xf32>
    %swap3A_219 = vector.shape_cast %broadcast_in_dim3A_215 : vector<16xf32> to vector<16xf32>
    tpu.vector_store %arg8[%swap3A_216], %swap3A_219 {strides = array<i32>} : memref<640xf32, #tpu.memory_space<vmem>>, vector<16xf32>,
    %broadcast_in_dim3A_220 = arith.constant 0.000000e+00 : f32
    %broadcast_in_dim3A_221 = vector.broadcast %broadcast_in_dim3A_220 : f32 to vector<16xf32>
    %swap3A_222 = arith.constant 464 : index
    %swap3A_223 = tpu.vector_load %arg8[%swap3A_222] {strides = array<i32>} : memref<640xf32, #tpu.memory_space<vmem>>, vector<16xf32>,
    %swap3A_224 = vector.shape_cast %swap3A_223 : vector<16xf32> to vector<16xf32>
    %swap3A_225 = vector.shape_cast %broadcast_in_dim3A_221 : vector<16xf32> to vector<16xf32>
    tpu.vector_store %arg8[%swap3A_222], %swap3A_225 {strides = array<i32>} : memref<640xf32, #tpu.memory_space<vmem>>, vector<16xf32>,
    %broadcast_in_dim3A_226 = arith.constant 0.000000e+00 : f32
    %broadcast_in_dim3A_227 = vector.broadcast %broadcast_in_dim3A_226 : f32 to vector<16xf32>
    %swap3A_228 = arith.constant 480 : index
    %swap3A_229 = tpu.vector_load %arg8[%swap3A_228] {strides = array<i32>} : memref<640xf32, #tpu.memory_space<vmem>>, vector<16xf32>,
    %swap3A_230 = vector.shape_cast %swap3A_229 : vector<16xf32> to vector<16xf32>
    %swap3A_231 = vector.shape_cast %broadcast_in_dim3A_227 : vector<16xf32> to vector<16xf32>
    tpu.vector_store %arg8[%swap3A_228], %swap3A_231 {strides = array<i32>} : memref<640xf32, #tpu.memory_space<vmem>>, vector<16xf32>,
    %broadcast_in_dim3A_232 = arith.constant 0.000000e+00 : f32
    %broadcast_in_dim3A_233 = vector.broadcast %broadcast_in_dim3A_232 : f32 to vector<16xf32>
    %swap3A_234 = arith.constant 496 : index
    %swap3A_235 = tpu.vector_load %arg8[%swap3A_234] {strides = array<i32>} : memref<640xf32, #tpu.memory_space<vmem>>, vector<16xf32>,
    %swap3A_236 = vector.shape_cast %swap3A_235 : vector<16xf32> to vector<16xf32>
    %swap3A_237 = vector.shape_cast %broadcast_in_dim3A_233 : vector<16xf32> to vector<16xf32>
    tpu.vector_store %arg8[%swap3A_234], %swap3A_237 {strides = array<i32>} : memref<640xf32, #tpu.memory_space<vmem>>, vector<16xf32>,
    %broadcast_in_dim3A_238 = arith.constant 0.000000e+00 : f32
    %broadcast_in_dim3A_239 = vector.broadcast %broadcast_in_dim3A_238 : f32 to vector<16xf32>
    %swap3A_240 = arith.constant 512 : index
    %swap3A_241 = tpu.vector_load %arg8[%swap3A_240] {strides = array<i32>} : memref<640xf32, #tpu.memory_space<vmem>>, vector<16xf32>,
    %swap3A_242 = vector.shape_cast %swap3A_241 : vector<16xf32> to vector<16xf32>
    %swap3A_243 = vector.shape_cast %broadcast_in_dim3A_239 : vector<16xf32> to vector<16xf32>
    tpu.vector_store %arg8[%swap3A_240], %swap3A_243 {strides = array<i32>} : memref<640xf32, #tpu.memory_space<vmem>>, vector<16xf32>,
    %broadcast_in_dim3A_244 = arith.constant 0.000000e+00 : f32
    %broadcast_in_dim3A_245 = vector.broadcast %broadcast_in_dim3A_244 : f32 to vector<16xf32>
    %swap3A_246 = arith.constant 528 : index
    %swap3A_247 = tpu.vector_load %arg8[%swap3A_246] {strides = array<i32>} : memref<640xf32, #tpu.memory_space<vmem>>, vector<16xf32>,
    %swap3A_248 = vector.shape_cast %swap3A_247 : vector<16xf32> to vector<16xf32>
    %swap3A_249 = vector.shape_cast %broadcast_in_dim3A_245 : vector<16xf32> to vector<16xf32>
    tpu.vector_store %arg8[%swap3A_246], %swap3A_249 {strides = array<i32>} : memref<640xf32, #tpu.memory_space<vmem>>, vector<16xf32>,
    %broadcast_in_dim3A_250 = arith.constant 0.000000e+00 : f32
    %broadcast_in_dim3A_251 = vector.broadcast %broadcast_in_dim3A_250 : f32 to vector<16xf32>
    %swap3A_252 = arith.constant 544 : index
    %swap3A_253 = tpu.vector_load %arg8[%swap3A_252] {strides = array<i32>} : memref<640xf32, #tpu.memory_space<vmem>>, vector<16xf32>,
    %swap3A_254 = vector.shape_cast %swap3A_253 : vector<16xf32> to vector<16xf32>
    %swap3A_255 = vector.shape_cast %broadcast_in_dim3A_251 : vector<16xf32> to vector<16xf32>
    tpu.vector_store %arg8[%swap3A_252], %swap3A_255 {strides = array<i32>} : memref<640xf32, #tpu.memory_space<vmem>>, vector<16xf32>,
    %broadcast_in_dim3A_256 = arith.constant 0.000000e+00 : f32
    %broadcast_in_dim3A_257 = vector.broadcast %broadcast_in_dim3A_256 : f32 to vector<16xf32>
    %swap3A_258 = arith.constant 560 : index
    %swap3A_259 = tpu.vector_load %arg8[%swap3A_258] {strides = array<i32>} : memref<640xf32, #tpu.memory_space<vmem>>, vector<16xf32>,
    %swap3A_260 = vector.shape_cast %swap3A_259 : vector<16xf32> to vector<16xf32>
    %swap3A_261 = vector.shape_cast %broadcast_in_dim3A_257 : vector<16xf32> to vector<16xf32>
    tpu.vector_store %arg8[%swap3A_258], %swap3A_261 {strides = array<i32>} : memref<640xf32, #tpu.memory_space<vmem>>, vector<16xf32>,
    %broadcast_in_dim3A_262 = arith.constant 0.000000e+00 : f32
    %broadcast_in_dim3A_263 = vector.broadcast %broadcast_in_dim3A_262 : f32 to vector<16xf32>
    %swap3A_264 = arith.constant 576 : index
    %swap3A_265 = tpu.vector_load %arg8[%swap3A_264] {strides = array<i32>} : memref<640xf32, #tpu.memory_space<vmem>>, vector<16xf32>,
    %swap3A_266 = vector.shape_cast %swap3A_265 : vector<16xf32> to vector<16xf32>
    %swap3A_267 = vector.shape_cast %broadcast_in_dim3A_263 : vector<16xf32> to vector<16xf32>
    tpu.vector_store %arg8[%swap3A_264], %swap3A_267 {strides = array<i32>} : memref<640xf32, #tpu.memory_space<vmem>>, vector<16xf32>,
    %broadcast_in_dim3A_268 = arith.constant 0.000000e+00 : f32
    %broadcast_in_dim3A_269 = vector.broadcast %broadcast_in_dim3A_268 : f32 to vector<16xf32>
    %swap3A_270 = arith.constant 592 : index
    %swap3A_271 = tpu.vector_load %arg8[%swap3A_270] {strides = array<i32>} : memref<640xf32, #tpu.memory_space<vmem>>, vector<16xf32>,
    %swap3A_272 = vector.shape_cast %swap3A_271 : vector<16xf32> to vector<16xf32>
    %swap3A_273 = vector.shape_cast %broadcast_in_dim3A_269 : vector<16xf32> to vector<16xf32>
    tpu.vector_store %arg8[%swap3A_270], %swap3A_273 {strides = array<i32>} : memref<640xf32, #tpu.memory_space<vmem>>, vector<16xf32>,
    %broadcast_in_dim3A_274 = arith.constant 0.000000e+00 : f32
    %broadcast_in_dim3A_275 = vector.broadcast %broadcast_in_dim3A_274 : f32 to vector<16xf32>
    %swap3A_276 = arith.constant 608 : index
    %swap3A_277 = tpu.vector_load %arg8[%swap3A_276] {strides = array<i32>} : memref<640xf32, #tpu.memory_space<vmem>>, vector<16xf32>,
    %swap3A_278 = vector.shape_cast %swap3A_277 : vector<16xf32> to vector<16xf32>
    %swap3A_279 = vector.shape_cast %broadcast_in_dim3A_275 : vector<16xf32> to vector<16xf32>
    tpu.vector_store %arg8[%swap3A_276], %swap3A_279 {strides = array<i32>} : memref<640xf32, #tpu.memory_space<vmem>>, vector<16xf32>,
    %broadcast_in_dim3A_280 = arith.constant 0.000000e+00 : f32
    %broadcast_in_dim3A_281 = vector.broadcast %broadcast_in_dim3A_280 : f32 to vector<16xf32>
    %swap3A_282 = arith.constant 624 : index
    %swap3A_283 = tpu.vector_load %arg8[%swap3A_282] {strides = array<i32>} : memref<640xf32, #tpu.memory_space<vmem>>, vector<16xf32>,
    %swap3A_284 = vector.shape_cast %swap3A_283 : vector<16xf32> to vector<16xf32>
    %swap3A_285 = vector.shape_cast %broadcast_in_dim3A_281 : vector<16xf32> to vector<16xf32>
    tpu.vector_store %arg8[%swap3A_282], %swap3A_285 {strides = array<i32>} : memref<640xf32, #tpu.memory_space<vmem>>, vector<16xf32>,
    %mul3A = arith.constant 640 : i32
    %mul3A_286 = arith.muli %arg1, %mul3A : i32
    "tpu.region"() ({
      %run_scoped3A = tpu.sem_alloc : memref<!tpu.dma_semaphore, #tpu.memory_space<semaphore_mem>>
      %dma_start3A = tpu.memref_slice %arg9[%mul3A_286] : memref<10240xf32, #tpu.memory_space<vmem_shared>> -> memref<640xf32, #tpu.memory_space<vmem_shared>>
      %dma_start3A_305 = tpu.memref_slice %arg9[%mul3A_286] : memref<10240xf32, #tpu.memory_space<vmem_shared>> -> memref<640xf32, #tpu.memory_space<vmem_shared>>
      tpu.enqueue_dma source(%arg8 : memref<640xf32, #tpu.memory_space<vmem>>) target(%dma_start3A_305 : memref<640xf32, #tpu.memory_space<vmem_shared>>) target_semaphore(%run_scoped3A : memref<!tpu.dma_semaphore, #tpu.memory_space<semaphore_mem>>)
      %dma_wait3A = tpu.memref_slice %arg9[%mul3A_286] : memref<10240xf32, #tpu.memory_space<vmem_shared>> -> memref<640xf32, #tpu.memory_space<vmem_shared>>
      %dma_wait3A_306 = tpu.memref_slice %arg9[%mul3A_286] : memref<10240xf32, #tpu.memory_space<vmem_shared>> -> memref<640xf32, #tpu.memory_space<vmem_shared>>
      tpu.wait_dma2 semaphore(%run_scoped3A : memref<!tpu.dma_semaphore, #tpu.memory_space<semaphore_mem>>) src(%arg8 : memref<640xf32, #tpu.memory_space<vmem>>) dst(%dma_wait3A_306 : memref<640xf32, #tpu.memory_space<vmem_shared>>)
      tpu.yield
    }) : () -> ()
    %barrier3A = arith.constant 0 : index
    tpu.barrier barrier_id(%barrier3A)
    %eq3A = arith.constant 0 : i32
    %eq3A_287 = arith.cmpi eq, %arg0, %eq3A : i32
    %convert_element_type3A = arith.extui %eq3A_287 : i1 to i32
    %cond3A = arith.constant 0 : i32
    %cond3A_288 = arith.cmpi ne, %convert_element_type3A, %cond3A : i32
    scf.if %cond3A_288 {
      %mul3A_305 = arith.constant 20224 : i32
      %mul3A_306 = arith.muli %arg1, %mul3A_305 : i32
      %scan3A = arith.constant 0 : i32
      %scan3A_307 = arith.constant 0 : i32
      %scan3A_308 = arith.constant 158 : i32
      %scan3A_309 = arith.addi %scan3A_307, %scan3A_308 : i32
      %scan3A_310 = arith.constant 1 : i32
      scf.for %scan3A_312 = %scan3A_307 to %scan3A_309 step %scan3A_310  : i32 {
        %mul3A_313 = arith.constant 128 : i32
        %mul3A_314 = arith.muli %scan3A_312, %mul3A_313 : i32
        %add3A = arith.addi %mul3A_306, %mul3A_314 : i32
        "tpu.region"() ({
          %run_scoped3A = tpu.sem_alloc : memref<!tpu.dma_semaphore, #tpu.memory_space<semaphore_mem>>
          %dma_start3A = tpu.memref_slice %arg2[%add3A] : memref<323584xi32, #tpu.memory_space<hbm>> -> memref<128xi32, #tpu.memory_space<hbm>>
          %dma_start3A_315 = tpu.memref_slice %arg2[%add3A] : memref<323584xi32, #tpu.memory_space<hbm>> -> memref<128xi32, #tpu.memory_space<hbm>>
          tpu.enqueue_dma source(%dma_start3A_315 : memref<128xi32, #tpu.memory_space<hbm>>) target(%arg6 : memref<128xi32, #tpu.memory_space<vmem>>) target_semaphore(%run_scoped3A : memref<!tpu.dma_semaphore, #tpu.memory_space<semaphore_mem>>)
          %dma_wait3A = tpu.memref_slice %arg2[%add3A] : memref<323584xi32, #tpu.memory_space<hbm>> -> memref<128xi32, #tpu.memory_space<hbm>>
          %dma_wait3A_316 = tpu.memref_slice %arg2[%add3A] : memref<323584xi32, #tpu.memory_space<hbm>> -> memref<128xi32, #tpu.memory_space<hbm>>
          tpu.wait_dma2 semaphore(%run_scoped3A : memref<!tpu.dma_semaphore, #tpu.memory_space<semaphore_mem>>) src(%dma_wait3A_316 : memref<128xi32, #tpu.memory_space<hbm>>) dst(%arg6 : memref<128xi32, #tpu.memory_space<vmem>>)
          tpu.yield
        }) : () -> ()
        "tpu.region"() ({
          %run_scoped3A = tpu.sem_alloc : memref<!tpu.dma_semaphore, #tpu.memory_space<semaphore_mem>>
          %dma_start3A = arith.constant 0 : i32
          %dma_start3A_315 = tpu.memref_slice %arg9[%dma_start3A] : memref<10240xf32, #tpu.memory_space<vmem_shared>> -> memref<10240xf32, #tpu.memory_space<vmem_shared>>
          tpu.enqueue_indirect_dma source(%arg7 : memref<128xf32, #tpu.memory_space<vmem>>) target(%dma_start3A_315 : memref<10240xf32, #tpu.memory_space<vmem_shared>>) offsets(%arg6 : memref<128xi32, #tpu.memory_space<vmem>>) semaphore(%run_scoped3A : memref<!tpu.dma_semaphore, #tpu.memory_space<semaphore_mem>>) {add = true}
          %dma_wait3A = arith.constant 0 : i32
          %dma_wait3A_316 = tpu.memref_slice %arg9[%dma_wait3A] : memref<10240xf32, #tpu.memory_space<vmem_shared>> -> memref<10240xf32, #tpu.memory_space<vmem_shared>>
          tpu.wait_indirect_dma semaphore(%run_scoped3A : memref<!tpu.dma_semaphore, #tpu.memory_space<semaphore_mem>>) src(%arg7 : memref<128xf32, #tpu.memory_space<vmem>>) dst(%dma_wait3A_316 : memref<10240xf32, #tpu.memory_space<vmem_shared>>)
          tpu.yield
        }) : () -> ()
      }
      %scan3A_311 = arith.constant 158 : i32
    } else {
    }
    %eq3A_289 = arith.constant 1 : i32
    %eq3A_290 = arith.cmpi eq, %arg0, %eq3A_289 : i32
    %convert_element_type3A_291 = arith.extui %eq3A_290 : i1 to i32
    %cond3A_292 = arith.constant 0 : i32
    %cond3A_293 = arith.cmpi ne, %convert_element_type3A_291, %cond3A_292 : i32
    scf.if %cond3A_293 {
      %mul3A_305 = arith.constant 20224 : i32
      %mul3A_306 = arith.muli %arg1, %mul3A_305 : i32
      %scan3A = arith.constant 0 : i32
      %scan3A_307 = arith.constant 0 : i32
      %scan3A_308 = arith.constant 158 : i32
      %scan3A_309 = arith.addi %scan3A_307, %scan3A_308 : i32
      %scan3A_310 = arith.constant 1 : i32
      scf.for %scan3A_312 = %scan3A_307 to %scan3A_309 step %scan3A_310  : i32 {
        %mul3A_313 = arith.constant 128 : i32
        %mul3A_314 = arith.muli %scan3A_312, %mul3A_313 : i32
        %add3A = arith.addi %mul3A_306, %mul3A_314 : i32
        "tpu.region"() ({
          %run_scoped3A = tpu.sem_alloc : memref<!tpu.dma_semaphore, #tpu.memory_space<semaphore_mem>>
          %dma_start3A = tpu.memref_slice %arg3[%add3A] : memref<323584xi32, #tpu.memory_space<hbm>> -> memref<128xi32, #tpu.memory_space<hbm>>
          %dma_start3A_315 = tpu.memref_slice %arg3[%add3A] : memref<323584xi32, #tpu.memory_space<hbm>> -> memref<128xi32, #tpu.memory_space<hbm>>
          tpu.enqueue_dma source(%dma_start3A_315 : memref<128xi32, #tpu.memory_space<hbm>>) target(%arg6 : memref<128xi32, #tpu.memory_space<vmem>>) target_semaphore(%run_scoped3A : memref<!tpu.dma_semaphore, #tpu.memory_space<semaphore_mem>>)
          %dma_wait3A = tpu.memref_slice %arg3[%add3A] : memref<323584xi32, #tpu.memory_space<hbm>> -> memref<128xi32, #tpu.memory_space<hbm>>
          %dma_wait3A_316 = tpu.memref_slice %arg3[%add3A] : memref<323584xi32, #tpu.memory_space<hbm>> -> memref<128xi32, #tpu.memory_space<hbm>>
          tpu.wait_dma2 semaphore(%run_scoped3A : memref<!tpu.dma_semaphore, #tpu.memory_space<semaphore_mem>>) src(%dma_wait3A_316 : memref<128xi32, #tpu.memory_space<hbm>>) dst(%arg6 : memref<128xi32, #tpu.memory_space<vmem>>)
          tpu.yield
        }) : () -> ()
        "tpu.region"() ({
          %run_scoped3A = tpu.sem_alloc : memref<!tpu.dma_semaphore, #tpu.memory_space<semaphore_mem>>
          %dma_start3A = arith.constant 0 : i32
          %dma_start3A_315 = tpu.memref_slice %arg9[%dma_start3A] : memref<10240xf32, #tpu.memory_space<vmem_shared>> -> memref<10240xf32, #tpu.memory_space<vmem_shared>>
          tpu.enqueue_indirect_dma source(%arg7 : memref<128xf32, #tpu.memory_space<vmem>>) target(%dma_start3A_315 : memref<10240xf32, #tpu.memory_space<vmem_shared>>) offsets(%arg6 : memref<128xi32, #tpu.memory_space<vmem>>) semaphore(%run_scoped3A : memref<!tpu.dma_semaphore, #tpu.memory_space<semaphore_mem>>) {add = true}
          %dma_wait3A = arith.constant 0 : i32
          %dma_wait3A_316 = tpu.memref_slice %arg9[%dma_wait3A] : memref<10240xf32, #tpu.memory_space<vmem_shared>> -> memref<10240xf32, #tpu.memory_space<vmem_shared>>
          tpu.wait_indirect_dma semaphore(%run_scoped3A : memref<!tpu.dma_semaphore, #tpu.memory_space<semaphore_mem>>) src(%arg7 : memref<128xf32, #tpu.memory_space<vmem>>) dst(%dma_wait3A_316 : memref<10240xf32, #tpu.memory_space<vmem_shared>>)
          tpu.yield
        }) : () -> ()
      }
      %scan3A_311 = arith.constant 158 : i32
    } else {
    }
    %barrier3A_294 = arith.constant 0 : index
    tpu.barrier barrier_id(%barrier3A_294)
    %eq3A_295 = arith.constant 0 : i32
    %eq3A_296 = arith.cmpi eq, %arg0, %eq3A_295 : i32
    %convert_element_type3A_297 = arith.extui %eq3A_296 : i1 to i32
    %cond3A_298 = arith.constant 0 : i32
    %cond3A_299 = arith.cmpi ne, %convert_element_type3A_297, %cond3A_298 : i32
    scf.if %cond3A_299 {
      %mul3A_305 = arith.constant 640 : i32
      %mul3A_306 = arith.muli %arg1, %mul3A_305 : i32
      %mul3A_307 = arith.constant 640 : i32
      %mul3A_308 = arith.muli %arg1, %mul3A_307 : i32
      "tpu.region"() ({
        %run_scoped3A = tpu.sem_alloc : memref<!tpu.dma_semaphore, #tpu.memory_space<semaphore_mem>>
        %dma_start3A = tpu.memref_slice %arg4[%mul3A_308] : memref<10240xf32, #tpu.memory_space<hbm>> -> memref<640xf32, #tpu.memory_space<hbm>>
        %dma_start3A_309 = tpu.memref_slice %arg9[%mul3A_306] : memref<10240xf32, #tpu.memory_space<vmem_shared>> -> memref<640xf32, #tpu.memory_space<vmem_shared>>
        tpu.enqueue_dma source(%dma_start3A_309 : memref<640xf32, #tpu.memory_space<vmem_shared>>) target(%dma_start3A : memref<640xf32, #tpu.memory_space<hbm>>) target_semaphore(%run_scoped3A : memref<!tpu.dma_semaphore, #tpu.memory_space<semaphore_mem>>)
        %dma_wait3A = tpu.memref_slice %arg4[%mul3A_308] : memref<10240xf32, #tpu.memory_space<hbm>> -> memref<640xf32, #tpu.memory_space<hbm>>
        %dma_wait3A_310 = tpu.memref_slice %arg9[%mul3A_306] : memref<10240xf32, #tpu.memory_space<vmem_shared>> -> memref<640xf32, #tpu.memory_space<vmem_shared>>
        tpu.wait_dma2 semaphore(%run_scoped3A : memref<!tpu.dma_semaphore, #tpu.memory_space<semaphore_mem>>) src(%dma_wait3A_310 : memref<640xf32, #tpu.memory_space<vmem_shared>>) dst(%dma_wait3A : memref<640xf32, #tpu.memory_space<hbm>>)
        tpu.yield
      }) : () -> ()
    } else {
    }
    %eq3A_300 = arith.constant 1 : i32
    %eq3A_301 = arith.cmpi eq, %arg0, %eq3A_300 : i32
    %convert_element_type3A_302 = arith.extui %eq3A_301 : i1 to i32
    %cond3A_303 = arith.constant 0 : i32
    %cond3A_304 = arith.cmpi ne, %convert_element_type3A_302, %cond3A_303 : i32
    scf.if %cond3A_304 {
      %mul3A_305 = arith.constant 640 : i32
      %mul3A_306 = arith.muli %arg1, %mul3A_305 : i32
      %mul3A_307 = arith.constant 640 : i32
      %mul3A_308 = arith.muli %arg1, %mul3A_307 : i32
      "tpu.region"() ({
        %run_scoped3A = tpu.sem_alloc : memref<!tpu.dma_semaphore, #tpu.memory_space<semaphore_mem>>
        %dma_start3A = tpu.memref_slice %arg5[%mul3A_308] : memref<10240xf32, #tpu.memory_space<hbm>> -> memref<640xf32, #tpu.memory_space<hbm>>
        %dma_start3A_309 = tpu.memref_slice %arg9[%mul3A_306] : memref<10240xf32, #tpu.memory_space<vmem_shared>> -> memref<640xf32, #tpu.memory_space<vmem_shared>>
        tpu.enqueue_dma source(%dma_start3A_309 : memref<640xf32, #tpu.memory_space<vmem_shared>>) target(%dma_start3A : memref<640xf32, #tpu.memory_space<hbm>>) target_semaphore(%run_scoped3A : memref<!tpu.dma_semaphore, #tpu.memory_space<semaphore_mem>>)
        %dma_wait3A = tpu.memref_slice %arg5[%mul3A_308] : memref<10240xf32, #tpu.memory_space<hbm>> -> memref<640xf32, #tpu.memory_space<hbm>>
        %dma_wait3A_310 = tpu.memref_slice %arg9[%mul3A_306] : memref<10240xf32, #tpu.memory_space<vmem_shared>> -> memref<640xf32, #tpu.memory_space<vmem_shared>>
        tpu.wait_dma2 semaphore(%run_scoped3A : memref<!tpu.dma_semaphore, #tpu.memory_space<semaphore_mem>>) src(%dma_wait3A_310 : memref<640xf32, #tpu.memory_space<vmem_shared>>) dst(%dma_wait3A : memref<640xf32, #tpu.memory_space<hbm>>)
        tpu.yield
      }) : () -> ()
    } else {
    }
    return
  }
}

#map = affine_map<(d0, d1) -> (0, 0)>
#map1 = affine_map<(d0, d1) -> (0)>
module attributes {stable_mosaic.version = 14 : i64} {
  func.func @agg_kernel(%arg0: i32, %arg1: i32, %arg2: memref<10240x128xf32, #tpu.memory_space<hbm>>, %arg3: memref<323584xi32, #tpu.memory_space<hbm>>, %arg4: memref<323584xi32, #tpu.memory_space<hbm>>, %arg5: memref<10240x128xf32, #tpu.memory_space<hbm>>, %arg6: memref<10240x128xf32, #tpu.memory_space<hbm>>, %arg7: memref<128xi32, #tpu.memory_space<vmem>>, %arg8: memref<128xi32, #tpu.memory_space<vmem>>, %arg9: memref<128x128xf32, #tpu.memory_space<vmem>>, %arg10: memref<10240x128xf32, #tpu.memory_space<vmem_shared>>, %arg11: memref<!tpu.dma_semaphore, #tpu.memory_space<semaphore_mem>>) attributes {dimension_semantics = [#tpu.dimension_semantics<core_parallel>, #tpu.dimension_semantics<subcore_parallel>], iteration_bounds = array<i64: 2, 16>, scalar_prefetch = 0 : i64, scratch_operands = 5 : i64, tpu.core_type = #tpu.core_type<sc_vector_subcore>, window_params = [{transform_indices = #map}, {transform_indices = #map1}, {transform_indices = #map1}, {transform_indices = #map}, {transform_indices = #map}]} {
    %mul3A = arith.constant 16 : i32
    %mul3A_0 = arith.muli %arg0, %mul3A : i32
    %add3A = arith.addi %mul3A_0, %arg1 : i32
    %scan3A = arith.constant 0 : i32
    %scan3A_1 = arith.constant 0 : i32
    %scan3A_2 = arith.constant 128 : i32
    %scan3A_3 = arith.addi %scan3A_1, %scan3A_2 : i32
    %scan3A_4 = arith.constant 1 : i32
    scf.for %scan3A_42 = %scan3A_1 to %scan3A_3 step %scan3A_4  : i32 {
      %broadcast_in_dim3A = arith.constant 0.000000e+00 : f32
      %broadcast_in_dim3A_43 = vector.broadcast %broadcast_in_dim3A : f32 to vector<16xf32>
      %swap3A = arith.index_cast %scan3A_42 : i32 to index
      %swap3A_44 = arith.constant 0 : index
      %swap3A_45 = tpu.vector_load %arg9[%swap3A, %swap3A_44] {strides = array<i32>} : memref<128x128xf32, #tpu.memory_space<vmem>>, vector<1x16xf32>,
      %swap3A_46 = vector.shape_cast %swap3A_45 : vector<1x16xf32> to vector<16xf32>
      %swap3A_47 = vector.shape_cast %broadcast_in_dim3A_43 : vector<16xf32> to vector<1x16xf32>
      tpu.vector_store %arg9[%swap3A, %swap3A_44], %swap3A_47 {strides = array<i32>} : memref<128x128xf32, #tpu.memory_space<vmem>>, vector<1x16xf32>,
      %broadcast_in_dim3A_48 = arith.constant 0.000000e+00 : f32
      %broadcast_in_dim3A_49 = vector.broadcast %broadcast_in_dim3A_48 : f32 to vector<16xf32>
      %swap3A_50 = arith.index_cast %scan3A_42 : i32 to index
      %swap3A_51 = arith.constant 16 : index
      %swap3A_52 = tpu.vector_load %arg9[%swap3A_50, %swap3A_51] {strides = array<i32>} : memref<128x128xf32, #tpu.memory_space<vmem>>, vector<1x16xf32>,
      %swap3A_53 = vector.shape_cast %swap3A_52 : vector<1x16xf32> to vector<16xf32>
      %swap3A_54 = vector.shape_cast %broadcast_in_dim3A_49 : vector<16xf32> to vector<1x16xf32>
      tpu.vector_store %arg9[%swap3A_50, %swap3A_51], %swap3A_54 {strides = array<i32>} : memref<128x128xf32, #tpu.memory_space<vmem>>, vector<1x16xf32>,
      %broadcast_in_dim3A_55 = arith.constant 0.000000e+00 : f32
      %broadcast_in_dim3A_56 = vector.broadcast %broadcast_in_dim3A_55 : f32 to vector<16xf32>
      %swap3A_57 = arith.index_cast %scan3A_42 : i32 to index
      %swap3A_58 = arith.constant 32 : index
      %swap3A_59 = tpu.vector_load %arg9[%swap3A_57, %swap3A_58] {strides = array<i32>} : memref<128x128xf32, #tpu.memory_space<vmem>>, vector<1x16xf32>,
      %swap3A_60 = vector.shape_cast %swap3A_59 : vector<1x16xf32> to vector<16xf32>
      %swap3A_61 = vector.shape_cast %broadcast_in_dim3A_56 : vector<16xf32> to vector<1x16xf32>
      tpu.vector_store %arg9[%swap3A_57, %swap3A_58], %swap3A_61 {strides = array<i32>} : memref<128x128xf32, #tpu.memory_space<vmem>>, vector<1x16xf32>,
      %broadcast_in_dim3A_62 = arith.constant 0.000000e+00 : f32
      %broadcast_in_dim3A_63 = vector.broadcast %broadcast_in_dim3A_62 : f32 to vector<16xf32>
      %swap3A_64 = arith.index_cast %scan3A_42 : i32 to index
      %swap3A_65 = arith.constant 48 : index
      %swap3A_66 = tpu.vector_load %arg9[%swap3A_64, %swap3A_65] {strides = array<i32>} : memref<128x128xf32, #tpu.memory_space<vmem>>, vector<1x16xf32>,
      %swap3A_67 = vector.shape_cast %swap3A_66 : vector<1x16xf32> to vector<16xf32>
      %swap3A_68 = vector.shape_cast %broadcast_in_dim3A_63 : vector<16xf32> to vector<1x16xf32>
      tpu.vector_store %arg9[%swap3A_64, %swap3A_65], %swap3A_68 {strides = array<i32>} : memref<128x128xf32, #tpu.memory_space<vmem>>, vector<1x16xf32>,
      %broadcast_in_dim3A_69 = arith.constant 0.000000e+00 : f32
      %broadcast_in_dim3A_70 = vector.broadcast %broadcast_in_dim3A_69 : f32 to vector<16xf32>
      %swap3A_71 = arith.index_cast %scan3A_42 : i32 to index
      %swap3A_72 = arith.constant 64 : index
      %swap3A_73 = tpu.vector_load %arg9[%swap3A_71, %swap3A_72] {strides = array<i32>} : memref<128x128xf32, #tpu.memory_space<vmem>>, vector<1x16xf32>,
      %swap3A_74 = vector.shape_cast %swap3A_73 : vector<1x16xf32> to vector<16xf32>
      %swap3A_75 = vector.shape_cast %broadcast_in_dim3A_70 : vector<16xf32> to vector<1x16xf32>
      tpu.vector_store %arg9[%swap3A_71, %swap3A_72], %swap3A_75 {strides = array<i32>} : memref<128x128xf32, #tpu.memory_space<vmem>>, vector<1x16xf32>,
      %broadcast_in_dim3A_76 = arith.constant 0.000000e+00 : f32
      %broadcast_in_dim3A_77 = vector.broadcast %broadcast_in_dim3A_76 : f32 to vector<16xf32>
      %swap3A_78 = arith.index_cast %scan3A_42 : i32 to index
      %swap3A_79 = arith.constant 80 : index
      %swap3A_80 = tpu.vector_load %arg9[%swap3A_78, %swap3A_79] {strides = array<i32>} : memref<128x128xf32, #tpu.memory_space<vmem>>, vector<1x16xf32>,
      %swap3A_81 = vector.shape_cast %swap3A_80 : vector<1x16xf32> to vector<16xf32>
      %swap3A_82 = vector.shape_cast %broadcast_in_dim3A_77 : vector<16xf32> to vector<1x16xf32>
      tpu.vector_store %arg9[%swap3A_78, %swap3A_79], %swap3A_82 {strides = array<i32>} : memref<128x128xf32, #tpu.memory_space<vmem>>, vector<1x16xf32>,
      %broadcast_in_dim3A_83 = arith.constant 0.000000e+00 : f32
      %broadcast_in_dim3A_84 = vector.broadcast %broadcast_in_dim3A_83 : f32 to vector<16xf32>
      %swap3A_85 = arith.index_cast %scan3A_42 : i32 to index
      %swap3A_86 = arith.constant 96 : index
      %swap3A_87 = tpu.vector_load %arg9[%swap3A_85, %swap3A_86] {strides = array<i32>} : memref<128x128xf32, #tpu.memory_space<vmem>>, vector<1x16xf32>,
      %swap3A_88 = vector.shape_cast %swap3A_87 : vector<1x16xf32> to vector<16xf32>
      %swap3A_89 = vector.shape_cast %broadcast_in_dim3A_84 : vector<16xf32> to vector<1x16xf32>
      tpu.vector_store %arg9[%swap3A_85, %swap3A_86], %swap3A_89 {strides = array<i32>} : memref<128x128xf32, #tpu.memory_space<vmem>>, vector<1x16xf32>,
      %broadcast_in_dim3A_90 = arith.constant 0.000000e+00 : f32
      %broadcast_in_dim3A_91 = vector.broadcast %broadcast_in_dim3A_90 : f32 to vector<16xf32>
      %swap3A_92 = arith.index_cast %scan3A_42 : i32 to index
      %swap3A_93 = arith.constant 112 : index
      %swap3A_94 = tpu.vector_load %arg9[%swap3A_92, %swap3A_93] {strides = array<i32>} : memref<128x128xf32, #tpu.memory_space<vmem>>, vector<1x16xf32>,
      %swap3A_95 = vector.shape_cast %swap3A_94 : vector<1x16xf32> to vector<16xf32>
      %swap3A_96 = vector.shape_cast %broadcast_in_dim3A_91 : vector<16xf32> to vector<1x16xf32>
      tpu.vector_store %arg9[%swap3A_92, %swap3A_93], %swap3A_96 {strides = array<i32>} : memref<128x128xf32, #tpu.memory_space<vmem>>, vector<1x16xf32>,
    }
    %scan3A_5 = arith.constant 128 : i32
    %mul3A_6 = arith.constant 640 : i32
    %mul3A_7 = arith.muli %arg1, %mul3A_6 : i32
    %add3A_8 = arith.constant 0 : i32
    %add3A_9 = arith.addi %mul3A_7, %add3A_8 : i32
    "tpu.region"() ({
      %run_scoped3A = tpu.sem_alloc : memref<!tpu.dma_semaphore, #tpu.memory_space<semaphore_mem>>
      %dma_start3A = arith.constant 0 : i32
      %dma_start3A_42 = tpu.memref_slice %arg10[%add3A_9, %dma_start3A] : memref<10240x128xf32, #tpu.memory_space<vmem_shared>> -> memref<128x128xf32, #tpu.memory_space<vmem_shared>>
      %dma_start3A_43 = arith.constant 0 : i32
      %dma_start3A_44 = tpu.memref_slice %arg10[%add3A_9, %dma_start3A_43] : memref<10240x128xf32, #tpu.memory_space<vmem_shared>> -> memref<128x128xf32, #tpu.memory_space<vmem_shared>>
      tpu.enqueue_dma source(%arg9 : memref<128x128xf32, #tpu.memory_space<vmem>>) target(%dma_start3A_44 : memref<128x128xf32, #tpu.memory_space<vmem_shared>>) target_semaphore(%run_scoped3A : memref<!tpu.dma_semaphore, #tpu.memory_space<semaphore_mem>>)
      %dma_wait3A = arith.constant 0 : i32
      %dma_wait3A_45 = tpu.memref_slice %arg10[%add3A_9, %dma_wait3A] : memref<10240x128xf32, #tpu.memory_space<vmem_shared>> -> memref<128x128xf32, #tpu.memory_space<vmem_shared>>
      %dma_wait3A_46 = arith.constant 0 : i32
      %dma_wait3A_47 = tpu.memref_slice %arg10[%add3A_9, %dma_wait3A_46] : memref<10240x128xf32, #tpu.memory_space<vmem_shared>> -> memref<128x128xf32, #tpu.memory_space<vmem_shared>>
      tpu.wait_dma2 semaphore(%run_scoped3A : memref<!tpu.dma_semaphore, #tpu.memory_space<semaphore_mem>>) src(%arg9 : memref<128x128xf32, #tpu.memory_space<vmem>>) dst(%dma_wait3A_47 : memref<128x128xf32, #tpu.memory_space<vmem_shared>>)
      tpu.yield
    }) : () -> ()
    %mul3A_10 = arith.constant 640 : i32
    %mul3A_11 = arith.muli %arg1, %mul3A_10 : i32
    %add3A_12 = arith.constant 128 : i32
    %add3A_13 = arith.addi %mul3A_11, %add3A_12 : i32
    "tpu.region"() ({
      %run_scoped3A = tpu.sem_alloc : memref<!tpu.dma_semaphore, #tpu.memory_space<semaphore_mem>>
      %dma_start3A = arith.constant 0 : i32
      %dma_start3A_42 = tpu.memref_slice %arg10[%add3A_13, %dma_start3A] : memref<10240x128xf32, #tpu.memory_space<vmem_shared>> -> memref<128x128xf32, #tpu.memory_space<vmem_shared>>
      %dma_start3A_43 = arith.constant 0 : i32
      %dma_start3A_44 = tpu.memref_slice %arg10[%add3A_13, %dma_start3A_43] : memref<10240x128xf32, #tpu.memory_space<vmem_shared>> -> memref<128x128xf32, #tpu.memory_space<vmem_shared>>
      tpu.enqueue_dma source(%arg9 : memref<128x128xf32, #tpu.memory_space<vmem>>) target(%dma_start3A_44 : memref<128x128xf32, #tpu.memory_space<vmem_shared>>) target_semaphore(%run_scoped3A : memref<!tpu.dma_semaphore, #tpu.memory_space<semaphore_mem>>)
      %dma_wait3A = arith.constant 0 : i32
      %dma_wait3A_45 = tpu.memref_slice %arg10[%add3A_13, %dma_wait3A] : memref<10240x128xf32, #tpu.memory_space<vmem_shared>> -> memref<128x128xf32, #tpu.memory_space<vmem_shared>>
      %dma_wait3A_46 = arith.constant 0 : i32
      %dma_wait3A_47 = tpu.memref_slice %arg10[%add3A_13, %dma_wait3A_46] : memref<10240x128xf32, #tpu.memory_space<vmem_shared>> -> memref<128x128xf32, #tpu.memory_space<vmem_shared>>
      tpu.wait_dma2 semaphore(%run_scoped3A : memref<!tpu.dma_semaphore, #tpu.memory_space<semaphore_mem>>) src(%arg9 : memref<128x128xf32, #tpu.memory_space<vmem>>) dst(%dma_wait3A_47 : memref<128x128xf32, #tpu.memory_space<vmem_shared>>)
      tpu.yield
    }) : () -> ()
    %mul3A_14 = arith.constant 640 : i32
    %mul3A_15 = arith.muli %arg1, %mul3A_14 : i32
    %add3A_16 = arith.constant 256 : i32
    %add3A_17 = arith.addi %mul3A_15, %add3A_16 : i32
    "tpu.region"() ({
      %run_scoped3A = tpu.sem_alloc : memref<!tpu.dma_semaphore, #tpu.memory_space<semaphore_mem>>
      %dma_start3A = arith.constant 0 : i32
      %dma_start3A_42 = tpu.memref_slice %arg10[%add3A_17, %dma_start3A] : memref<10240x128xf32, #tpu.memory_space<vmem_shared>> -> memref<128x128xf32, #tpu.memory_space<vmem_shared>>
      %dma_start3A_43 = arith.constant 0 : i32
      %dma_start3A_44 = tpu.memref_slice %arg10[%add3A_17, %dma_start3A_43] : memref<10240x128xf32, #tpu.memory_space<vmem_shared>> -> memref<128x128xf32, #tpu.memory_space<vmem_shared>>
      tpu.enqueue_dma source(%arg9 : memref<128x128xf32, #tpu.memory_space<vmem>>) target(%dma_start3A_44 : memref<128x128xf32, #tpu.memory_space<vmem_shared>>) target_semaphore(%run_scoped3A : memref<!tpu.dma_semaphore, #tpu.memory_space<semaphore_mem>>)
      %dma_wait3A = arith.constant 0 : i32
      %dma_wait3A_45 = tpu.memref_slice %arg10[%add3A_17, %dma_wait3A] : memref<10240x128xf32, #tpu.memory_space<vmem_shared>> -> memref<128x128xf32, #tpu.memory_space<vmem_shared>>
      %dma_wait3A_46 = arith.constant 0 : i32
      %dma_wait3A_47 = tpu.memref_slice %arg10[%add3A_17, %dma_wait3A_46] : memref<10240x128xf32, #tpu.memory_space<vmem_shared>> -> memref<128x128xf32, #tpu.memory_space<vmem_shared>>
      tpu.wait_dma2 semaphore(%run_scoped3A : memref<!tpu.dma_semaphore, #tpu.memory_space<semaphore_mem>>) src(%arg9 : memref<128x128xf32, #tpu.memory_space<vmem>>) dst(%dma_wait3A_47 : memref<128x128xf32, #tpu.memory_space<vmem_shared>>)
      tpu.yield
    }) : () -> ()
    %mul3A_18 = arith.constant 640 : i32
    %mul3A_19 = arith.muli %arg1, %mul3A_18 : i32
    %add3A_20 = arith.constant 384 : i32
    %add3A_21 = arith.addi %mul3A_19, %add3A_20 : i32
    "tpu.region"() ({
      %run_scoped3A = tpu.sem_alloc : memref<!tpu.dma_semaphore, #tpu.memory_space<semaphore_mem>>
      %dma_start3A = arith.constant 0 : i32
      %dma_start3A_42 = tpu.memref_slice %arg10[%add3A_21, %dma_start3A] : memref<10240x128xf32, #tpu.memory_space<vmem_shared>> -> memref<128x128xf32, #tpu.memory_space<vmem_shared>>
      %dma_start3A_43 = arith.constant 0 : i32
      %dma_start3A_44 = tpu.memref_slice %arg10[%add3A_21, %dma_start3A_43] : memref<10240x128xf32, #tpu.memory_space<vmem_shared>> -> memref<128x128xf32, #tpu.memory_space<vmem_shared>>
      tpu.enqueue_dma source(%arg9 : memref<128x128xf32, #tpu.memory_space<vmem>>) target(%dma_start3A_44 : memref<128x128xf32, #tpu.memory_space<vmem_shared>>) target_semaphore(%run_scoped3A : memref<!tpu.dma_semaphore, #tpu.memory_space<semaphore_mem>>)
      %dma_wait3A = arith.constant 0 : i32
      %dma_wait3A_45 = tpu.memref_slice %arg10[%add3A_21, %dma_wait3A] : memref<10240x128xf32, #tpu.memory_space<vmem_shared>> -> memref<128x128xf32, #tpu.memory_space<vmem_shared>>
      %dma_wait3A_46 = arith.constant 0 : i32
      %dma_wait3A_47 = tpu.memref_slice %arg10[%add3A_21, %dma_wait3A_46] : memref<10240x128xf32, #tpu.memory_space<vmem_shared>> -> memref<128x128xf32, #tpu.memory_space<vmem_shared>>
      tpu.wait_dma2 semaphore(%run_scoped3A : memref<!tpu.dma_semaphore, #tpu.memory_space<semaphore_mem>>) src(%arg9 : memref<128x128xf32, #tpu.memory_space<vmem>>) dst(%dma_wait3A_47 : memref<128x128xf32, #tpu.memory_space<vmem_shared>>)
      tpu.yield
    }) : () -> ()
    %mul3A_22 = arith.constant 640 : i32
    %mul3A_23 = arith.muli %arg1, %mul3A_22 : i32
    %add3A_24 = arith.constant 512 : i32
    %add3A_25 = arith.addi %mul3A_23, %add3A_24 : i32
    "tpu.region"() ({
      %run_scoped3A = tpu.sem_alloc : memref<!tpu.dma_semaphore, #tpu.memory_space<semaphore_mem>>
      %dma_start3A = arith.constant 0 : i32
      %dma_start3A_42 = tpu.memref_slice %arg10[%add3A_25, %dma_start3A] : memref<10240x128xf32, #tpu.memory_space<vmem_shared>> -> memref<128x128xf32, #tpu.memory_space<vmem_shared>>
      %dma_start3A_43 = arith.constant 0 : i32
      %dma_start3A_44 = tpu.memref_slice %arg10[%add3A_25, %dma_start3A_43] : memref<10240x128xf32, #tpu.memory_space<vmem_shared>> -> memref<128x128xf32, #tpu.memory_space<vmem_shared>>
      tpu.enqueue_dma source(%arg9 : memref<128x128xf32, #tpu.memory_space<vmem>>) target(%dma_start3A_44 : memref<128x128xf32, #tpu.memory_space<vmem_shared>>) target_semaphore(%run_scoped3A : memref<!tpu.dma_semaphore, #tpu.memory_space<semaphore_mem>>)
      %dma_wait3A = arith.constant 0 : i32
      %dma_wait3A_45 = tpu.memref_slice %arg10[%add3A_25, %dma_wait3A] : memref<10240x128xf32, #tpu.memory_space<vmem_shared>> -> memref<128x128xf32, #tpu.memory_space<vmem_shared>>
      %dma_wait3A_46 = arith.constant 0 : i32
      %dma_wait3A_47 = tpu.memref_slice %arg10[%add3A_25, %dma_wait3A_46] : memref<10240x128xf32, #tpu.memory_space<vmem_shared>> -> memref<128x128xf32, #tpu.memory_space<vmem_shared>>
      tpu.wait_dma2 semaphore(%run_scoped3A : memref<!tpu.dma_semaphore, #tpu.memory_space<semaphore_mem>>) src(%arg9 : memref<128x128xf32, #tpu.memory_space<vmem>>) dst(%dma_wait3A_47 : memref<128x128xf32, #tpu.memory_space<vmem_shared>>)
      tpu.yield
    }) : () -> ()
    %barrier3A = arith.constant 0 : index
    tpu.barrier barrier_id(%barrier3A)
    %mul3A_26 = arith.constant 10112 : i32
    %mul3A_27 = arith.muli %add3A, %mul3A_26 : i32
    %scan3A_28 = arith.constant 0 : i32
    %scan3A_29 = arith.constant 0 : i32
    %scan3A_30 = arith.constant 79 : i32
    %scan3A_31 = arith.addi %scan3A_29, %scan3A_30 : i32
    %scan3A_32 = arith.constant 1 : i32
    scf.for %scan3A_42 = %scan3A_29 to %scan3A_31 step %scan3A_32  : i32 {
      %mul3A_43 = arith.constant 128 : i32
      %mul3A_44 = arith.muli %scan3A_42, %mul3A_43 : i32
      %add3A_45 = arith.addi %mul3A_27, %mul3A_44 : i32
      "tpu.region"() ({
        %run_scoped3A = tpu.sem_alloc : memref<!tpu.dma_semaphore, #tpu.memory_space<semaphore_mem>>
        %dma_start3A_50 = tpu.memref_slice %arg3[%add3A_45] : memref<323584xi32, #tpu.memory_space<hbm>> -> memref<128xi32, #tpu.memory_space<hbm>>
        %dma_start3A_51 = tpu.memref_slice %arg3[%add3A_45] : memref<323584xi32, #tpu.memory_space<hbm>> -> memref<128xi32, #tpu.memory_space<hbm>>
        tpu.enqueue_dma source(%dma_start3A_51 : memref<128xi32, #tpu.memory_space<hbm>>) target(%arg7 : memref<128xi32, #tpu.memory_space<vmem>>) target_semaphore(%run_scoped3A : memref<!tpu.dma_semaphore, #tpu.memory_space<semaphore_mem>>)
        %dma_wait3A_52 = tpu.memref_slice %arg3[%add3A_45] : memref<323584xi32, #tpu.memory_space<hbm>> -> memref<128xi32, #tpu.memory_space<hbm>>
        %dma_wait3A_53 = tpu.memref_slice %arg3[%add3A_45] : memref<323584xi32, #tpu.memory_space<hbm>> -> memref<128xi32, #tpu.memory_space<hbm>>
        tpu.wait_dma2 semaphore(%run_scoped3A : memref<!tpu.dma_semaphore, #tpu.memory_space<semaphore_mem>>) src(%dma_wait3A_53 : memref<128xi32, #tpu.memory_space<hbm>>) dst(%arg7 : memref<128xi32, #tpu.memory_space<vmem>>)
        tpu.yield
      }) : () -> ()
      "tpu.region"() ({
        %run_scoped3A = tpu.sem_alloc : memref<!tpu.dma_semaphore, #tpu.memory_space<semaphore_mem>>
        %dma_start3A_50 = tpu.memref_slice %arg4[%add3A_45] : memref<323584xi32, #tpu.memory_space<hbm>> -> memref<128xi32, #tpu.memory_space<hbm>>
        %dma_start3A_51 = tpu.memref_slice %arg4[%add3A_45] : memref<323584xi32, #tpu.memory_space<hbm>> -> memref<128xi32, #tpu.memory_space<hbm>>
        tpu.enqueue_dma source(%dma_start3A_51 : memref<128xi32, #tpu.memory_space<hbm>>) target(%arg8 : memref<128xi32, #tpu.memory_space<vmem>>) target_semaphore(%run_scoped3A : memref<!tpu.dma_semaphore, #tpu.memory_space<semaphore_mem>>)
        %dma_wait3A_52 = tpu.memref_slice %arg4[%add3A_45] : memref<323584xi32, #tpu.memory_space<hbm>> -> memref<128xi32, #tpu.memory_space<hbm>>
        %dma_wait3A_53 = tpu.memref_slice %arg4[%add3A_45] : memref<323584xi32, #tpu.memory_space<hbm>> -> memref<128xi32, #tpu.memory_space<hbm>>
        tpu.wait_dma2 semaphore(%run_scoped3A : memref<!tpu.dma_semaphore, #tpu.memory_space<semaphore_mem>>) src(%dma_wait3A_53 : memref<128xi32, #tpu.memory_space<hbm>>) dst(%arg8 : memref<128xi32, #tpu.memory_space<vmem>>)
        tpu.yield
      }) : () -> ()
      %dma_start3A = arith.constant 0 : i32
      %dma_start3A_46 = arith.constant 0 : i32
      %dma_start3A_47 = tpu.memref_slice %arg2[%dma_start3A, %dma_start3A_46] : memref<10240x128xf32, #tpu.memory_space<hbm>> -> memref<10240x128xf32, #tpu.memory_space<hbm>>
      tpu.enqueue_indirect_dma source(%dma_start3A_47 : memref<10240x128xf32, #tpu.memory_space<hbm>>) target(%arg9 : memref<128x128xf32, #tpu.memory_space<vmem>>) offsets(%arg7 : memref<128xi32, #tpu.memory_space<vmem>>) semaphore(%arg11 : memref<!tpu.dma_semaphore, #tpu.memory_space<semaphore_mem>>)
      %dma_wait3A = arith.constant 0 : i32
      %dma_wait3A_48 = arith.constant 0 : i32
      %dma_wait3A_49 = tpu.memref_slice %arg2[%dma_wait3A, %dma_wait3A_48] : memref<10240x128xf32, #tpu.memory_space<hbm>> -> memref<10240x128xf32, #tpu.memory_space<hbm>>
      tpu.wait_indirect_dma semaphore(%arg11 : memref<!tpu.dma_semaphore, #tpu.memory_space<semaphore_mem>>) src(%dma_wait3A_49 : memref<10240x128xf32, #tpu.memory_space<hbm>>) dst(%arg9 : memref<128x128xf32, #tpu.memory_space<vmem>>)
      "tpu.region"() ({
        %run_scoped3A = tpu.sem_alloc : memref<!tpu.dma_semaphore, #tpu.memory_space<semaphore_mem>>
        %dma_start3A_50 = arith.constant 0 : i32
        %dma_start3A_51 = arith.constant 0 : i32
        %dma_start3A_52 = tpu.memref_slice %arg10[%dma_start3A_50, %dma_start3A_51] : memref<10240x128xf32, #tpu.memory_space<vmem_shared>> -> memref<10240x128xf32, #tpu.memory_space<vmem_shared>>
        tpu.enqueue_indirect_dma source(%arg9 : memref<128x128xf32, #tpu.memory_space<vmem>>) target(%dma_start3A_52 : memref<10240x128xf32, #tpu.memory_space<vmem_shared>>) offsets(%arg8 : memref<128xi32, #tpu.memory_space<vmem>>) semaphore(%run_scoped3A : memref<!tpu.dma_semaphore, #tpu.memory_space<semaphore_mem>>) {add = true}
        %dma_wait3A_53 = arith.constant 0 : i32
        %dma_wait3A_54 = arith.constant 0 : i32
        %dma_wait3A_55 = tpu.memref_slice %arg10[%dma_wait3A_53, %dma_wait3A_54] : memref<10240x128xf32, #tpu.memory_space<vmem_shared>> -> memref<10240x128xf32, #tpu.memory_space<vmem_shared>>
        tpu.wait_indirect_dma semaphore(%run_scoped3A : memref<!tpu.dma_semaphore, #tpu.memory_space<semaphore_mem>>) src(%arg9 : memref<128x128xf32, #tpu.memory_space<vmem>>) dst(%dma_wait3A_55 : memref<10240x128xf32, #tpu.memory_space<vmem_shared>>)
        tpu.yield
      }) : () -> ()
    }
    %scan3A_33 = arith.constant 79 : i32
    %barrier3A_34 = arith.constant 0 : index
    tpu.barrier barrier_id(%barrier3A_34)
    %eq3A = arith.constant 0 : i32
    %eq3A_35 = arith.cmpi eq, %arg0, %eq3A : i32
    %convert_element_type3A = arith.extui %eq3A_35 : i1 to i32
    %cond3A = arith.constant 0 : i32
    %cond3A_36 = arith.cmpi ne, %convert_element_type3A, %cond3A : i32
    scf.if %cond3A_36 {
      %mul3A_42 = arith.constant 640 : i32
      %mul3A_43 = arith.muli %arg1, %mul3A_42 : i32
      %mul3A_44 = arith.constant 640 : i32
      %mul3A_45 = arith.muli %arg1, %mul3A_44 : i32
      "tpu.region"() ({
        %run_scoped3A = tpu.sem_alloc : memref<!tpu.dma_semaphore, #tpu.memory_space<semaphore_mem>>
        %dma_start3A = arith.constant 0 : i32
        %dma_start3A_46 = tpu.memref_slice %arg5[%mul3A_45, %dma_start3A] : memref<10240x128xf32, #tpu.memory_space<hbm>> -> memref<640x128xf32, #tpu.memory_space<hbm>>
        %dma_start3A_47 = arith.constant 0 : i32
        %dma_start3A_48 = tpu.memref_slice %arg10[%mul3A_43, %dma_start3A_47] : memref<10240x128xf32, #tpu.memory_space<vmem_shared>> -> memref<640x128xf32, #tpu.memory_space<vmem_shared>>
        tpu.enqueue_dma source(%dma_start3A_48 : memref<640x128xf32, #tpu.memory_space<vmem_shared>>) target(%dma_start3A_46 : memref<640x128xf32, #tpu.memory_space<hbm>>) target_semaphore(%run_scoped3A : memref<!tpu.dma_semaphore, #tpu.memory_space<semaphore_mem>>)
        %dma_wait3A = arith.constant 0 : i32
        %dma_wait3A_49 = tpu.memref_slice %arg5[%mul3A_45, %dma_wait3A] : memref<10240x128xf32, #tpu.memory_space<hbm>> -> memref<640x128xf32, #tpu.memory_space<hbm>>
        %dma_wait3A_50 = arith.constant 0 : i32
        %dma_wait3A_51 = tpu.memref_slice %arg10[%mul3A_43, %dma_wait3A_50] : memref<10240x128xf32, #tpu.memory_space<vmem_shared>> -> memref<640x128xf32, #tpu.memory_space<vmem_shared>>
        tpu.wait_dma2 semaphore(%run_scoped3A : memref<!tpu.dma_semaphore, #tpu.memory_space<semaphore_mem>>) src(%dma_wait3A_51 : memref<640x128xf32, #tpu.memory_space<vmem_shared>>) dst(%dma_wait3A_49 : memref<640x128xf32, #tpu.memory_space<hbm>>)
        tpu.yield
      }) : () -> ()
    } else {
    }
    %eq3A_37 = arith.constant 1 : i32
    %eq3A_38 = arith.cmpi eq, %arg0, %eq3A_37 : i32
    %convert_element_type3A_39 = arith.extui %eq3A_38 : i1 to i32
    %cond3A_40 = arith.constant 0 : i32
    %cond3A_41 = arith.cmpi ne, %convert_element_type3A_39, %cond3A_40 : i32
    scf.if %cond3A_41 {
      %mul3A_42 = arith.constant 640 : i32
      %mul3A_43 = arith.muli %arg1, %mul3A_42 : i32
      %mul3A_44 = arith.constant 640 : i32
      %mul3A_45 = arith.muli %arg1, %mul3A_44 : i32
      "tpu.region"() ({
        %run_scoped3A = tpu.sem_alloc : memref<!tpu.dma_semaphore, #tpu.memory_space<semaphore_mem>>
        %dma_start3A = arith.constant 0 : i32
        %dma_start3A_46 = tpu.memref_slice %arg6[%mul3A_45, %dma_start3A] : memref<10240x128xf32, #tpu.memory_space<hbm>> -> memref<640x128xf32, #tpu.memory_space<hbm>>
        %dma_start3A_47 = arith.constant 0 : i32
        %dma_start3A_48 = tpu.memref_slice %arg10[%mul3A_43, %dma_start3A_47] : memref<10240x128xf32, #tpu.memory_space<vmem_shared>> -> memref<640x128xf32, #tpu.memory_space<vmem_shared>>
        tpu.enqueue_dma source(%dma_start3A_48 : memref<640x128xf32, #tpu.memory_space<vmem_shared>>) target(%dma_start3A_46 : memref<640x128xf32, #tpu.memory_space<hbm>>) target_semaphore(%run_scoped3A : memref<!tpu.dma_semaphore, #tpu.memory_space<semaphore_mem>>)
        %dma_wait3A = arith.constant 0 : i32
        %dma_wait3A_49 = tpu.memref_slice %arg6[%mul3A_45, %dma_wait3A] : memref<10240x128xf32, #tpu.memory_space<hbm>> -> memref<640x128xf32, #tpu.memory_space<hbm>>
        %dma_wait3A_50 = arith.constant 0 : i32
        %dma_wait3A_51 = tpu.memref_slice %arg10[%mul3A_43, %dma_wait3A_50] : memref<10240x128xf32, #tpu.memory_space<vmem_shared>> -> memref<640x128xf32, #tpu.memory_space<vmem_shared>>
        tpu.wait_dma2 semaphore(%run_scoped3A : memref<!tpu.dma_semaphore, #tpu.memory_space<semaphore_mem>>) src(%dma_wait3A_51 : memref<640x128xf32, #tpu.memory_space<vmem_shared>>) dst(%dma_wait3A_49 : memref<640x128xf32, #tpu.memory_space<hbm>>)
        tpu.yield
      }) : () -> ()
    } else {
    }
    return
  }
}

#map = affine_map<(d0, d1) -> (0, 0)>
#map1 = affine_map<(d0, d1) -> (0)>
module attributes {stable_mosaic.version = 14 : i64} {
  func.func @agg_kernel(%arg0: i32, %arg1: i32, %arg2: memref<10240x128xf32, #tpu.memory_space<hbm>>, %arg3: memref<323584xi32, #tpu.memory_space<hbm>>, %arg4: memref<323584xi32, #tpu.memory_space<hbm>>, %arg5: memref<10240x128xf32, #tpu.memory_space<hbm>>, %arg6: memref<10240x128xf32, #tpu.memory_space<hbm>>, %arg7: memref<128xi32, #tpu.memory_space<vmem>>, %arg8: memref<128xi32, #tpu.memory_space<vmem>>, %arg9: memref<128x128xf32, #tpu.memory_space<vmem>>, %arg10: memref<10240x128xf32, #tpu.memory_space<vmem_shared>>, %arg11: memref<!tpu.dma_semaphore, #tpu.memory_space<semaphore_mem>>) attributes {dimension_semantics = [#tpu.dimension_semantics<core_parallel>, #tpu.dimension_semantics<subcore_parallel>], iteration_bounds = array<i64: 2, 16>, scalar_prefetch = 0 : i64, scratch_operands = 5 : i64, tpu.core_type = #tpu.core_type<sc_vector_subcore>, window_params = [{transform_indices = #map}, {transform_indices = #map1}, {transform_indices = #map1}, {transform_indices = #map}, {transform_indices = #map}]} {
    %mul3A = arith.constant 16 : i32
    %mul3A_0 = arith.muli %arg0, %mul3A : i32
    %add3A = arith.addi %mul3A_0, %arg1 : i32
    %scan3A = arith.constant 0 : i32
    %scan3A_1 = arith.constant 0 : i32
    %scan3A_2 = arith.constant 128 : i32
    %scan3A_3 = arith.addi %scan3A_1, %scan3A_2 : i32
    %scan3A_4 = arith.constant 1 : i32
    scf.for %scan3A_42 = %scan3A_1 to %scan3A_3 step %scan3A_4  : i32 {
      %broadcast_in_dim3A = arith.constant 0.000000e+00 : f32
      %broadcast_in_dim3A_43 = vector.broadcast %broadcast_in_dim3A : f32 to vector<16xf32>
      %swap3A = arith.index_cast %scan3A_42 : i32 to index
      %swap3A_44 = arith.constant 0 : index
      %swap3A_45 = tpu.vector_load %arg9[%swap3A, %swap3A_44] {strides = array<i32>} : memref<128x128xf32, #tpu.memory_space<vmem>>, vector<1x16xf32>,
      %swap3A_46 = vector.shape_cast %swap3A_45 : vector<1x16xf32> to vector<16xf32>
      %swap3A_47 = vector.shape_cast %broadcast_in_dim3A_43 : vector<16xf32> to vector<1x16xf32>
      tpu.vector_store %arg9[%swap3A, %swap3A_44], %swap3A_47 {strides = array<i32>} : memref<128x128xf32, #tpu.memory_space<vmem>>, vector<1x16xf32>,
      %broadcast_in_dim3A_48 = arith.constant 0.000000e+00 : f32
      %broadcast_in_dim3A_49 = vector.broadcast %broadcast_in_dim3A_48 : f32 to vector<16xf32>
      %swap3A_50 = arith.index_cast %scan3A_42 : i32 to index
      %swap3A_51 = arith.constant 16 : index
      %swap3A_52 = tpu.vector_load %arg9[%swap3A_50, %swap3A_51] {strides = array<i32>} : memref<128x128xf32, #tpu.memory_space<vmem>>, vector<1x16xf32>,
      %swap3A_53 = vector.shape_cast %swap3A_52 : vector<1x16xf32> to vector<16xf32>
      %swap3A_54 = vector.shape_cast %broadcast_in_dim3A_49 : vector<16xf32> to vector<1x16xf32>
      tpu.vector_store %arg9[%swap3A_50, %swap3A_51], %swap3A_54 {strides = array<i32>} : memref<128x128xf32, #tpu.memory_space<vmem>>, vector<1x16xf32>,
      %broadcast_in_dim3A_55 = arith.constant 0.000000e+00 : f32
      %broadcast_in_dim3A_56 = vector.broadcast %broadcast_in_dim3A_55 : f32 to vector<16xf32>
      %swap3A_57 = arith.index_cast %scan3A_42 : i32 to index
      %swap3A_58 = arith.constant 32 : index
      %swap3A_59 = tpu.vector_load %arg9[%swap3A_57, %swap3A_58] {strides = array<i32>} : memref<128x128xf32, #tpu.memory_space<vmem>>, vector<1x16xf32>,
      %swap3A_60 = vector.shape_cast %swap3A_59 : vector<1x16xf32> to vector<16xf32>
      %swap3A_61 = vector.shape_cast %broadcast_in_dim3A_56 : vector<16xf32> to vector<1x16xf32>
      tpu.vector_store %arg9[%swap3A_57, %swap3A_58], %swap3A_61 {strides = array<i32>} : memref<128x128xf32, #tpu.memory_space<vmem>>, vector<1x16xf32>,
      %broadcast_in_dim3A_62 = arith.constant 0.000000e+00 : f32
      %broadcast_in_dim3A_63 = vector.broadcast %broadcast_in_dim3A_62 : f32 to vector<16xf32>
      %swap3A_64 = arith.index_cast %scan3A_42 : i32 to index
      %swap3A_65 = arith.constant 48 : index
      %swap3A_66 = tpu.vector_load %arg9[%swap3A_64, %swap3A_65] {strides = array<i32>} : memref<128x128xf32, #tpu.memory_space<vmem>>, vector<1x16xf32>,
      %swap3A_67 = vector.shape_cast %swap3A_66 : vector<1x16xf32> to vector<16xf32>
      %swap3A_68 = vector.shape_cast %broadcast_in_dim3A_63 : vector<16xf32> to vector<1x16xf32>
      tpu.vector_store %arg9[%swap3A_64, %swap3A_65], %swap3A_68 {strides = array<i32>} : memref<128x128xf32, #tpu.memory_space<vmem>>, vector<1x16xf32>,
      %broadcast_in_dim3A_69 = arith.constant 0.000000e+00 : f32
      %broadcast_in_dim3A_70 = vector.broadcast %broadcast_in_dim3A_69 : f32 to vector<16xf32>
      %swap3A_71 = arith.index_cast %scan3A_42 : i32 to index
      %swap3A_72 = arith.constant 64 : index
      %swap3A_73 = tpu.vector_load %arg9[%swap3A_71, %swap3A_72] {strides = array<i32>} : memref<128x128xf32, #tpu.memory_space<vmem>>, vector<1x16xf32>,
      %swap3A_74 = vector.shape_cast %swap3A_73 : vector<1x16xf32> to vector<16xf32>
      %swap3A_75 = vector.shape_cast %broadcast_in_dim3A_70 : vector<16xf32> to vector<1x16xf32>
      tpu.vector_store %arg9[%swap3A_71, %swap3A_72], %swap3A_75 {strides = array<i32>} : memref<128x128xf32, #tpu.memory_space<vmem>>, vector<1x16xf32>,
      %broadcast_in_dim3A_76 = arith.constant 0.000000e+00 : f32
      %broadcast_in_dim3A_77 = vector.broadcast %broadcast_in_dim3A_76 : f32 to vector<16xf32>
      %swap3A_78 = arith.index_cast %scan3A_42 : i32 to index
      %swap3A_79 = arith.constant 80 : index
      %swap3A_80 = tpu.vector_load %arg9[%swap3A_78, %swap3A_79] {strides = array<i32>} : memref<128x128xf32, #tpu.memory_space<vmem>>, vector<1x16xf32>,
      %swap3A_81 = vector.shape_cast %swap3A_80 : vector<1x16xf32> to vector<16xf32>
      %swap3A_82 = vector.shape_cast %broadcast_in_dim3A_77 : vector<16xf32> to vector<1x16xf32>
      tpu.vector_store %arg9[%swap3A_78, %swap3A_79], %swap3A_82 {strides = array<i32>} : memref<128x128xf32, #tpu.memory_space<vmem>>, vector<1x16xf32>,
      %broadcast_in_dim3A_83 = arith.constant 0.000000e+00 : f32
      %broadcast_in_dim3A_84 = vector.broadcast %broadcast_in_dim3A_83 : f32 to vector<16xf32>
      %swap3A_85 = arith.index_cast %scan3A_42 : i32 to index
      %swap3A_86 = arith.constant 96 : index
      %swap3A_87 = tpu.vector_load %arg9[%swap3A_85, %swap3A_86] {strides = array<i32>} : memref<128x128xf32, #tpu.memory_space<vmem>>, vector<1x16xf32>,
      %swap3A_88 = vector.shape_cast %swap3A_87 : vector<1x16xf32> to vector<16xf32>
      %swap3A_89 = vector.shape_cast %broadcast_in_dim3A_84 : vector<16xf32> to vector<1x16xf32>
      tpu.vector_store %arg9[%swap3A_85, %swap3A_86], %swap3A_89 {strides = array<i32>} : memref<128x128xf32, #tpu.memory_space<vmem>>, vector<1x16xf32>,
      %broadcast_in_dim3A_90 = arith.constant 0.000000e+00 : f32
      %broadcast_in_dim3A_91 = vector.broadcast %broadcast_in_dim3A_90 : f32 to vector<16xf32>
      %swap3A_92 = arith.index_cast %scan3A_42 : i32 to index
      %swap3A_93 = arith.constant 112 : index
      %swap3A_94 = tpu.vector_load %arg9[%swap3A_92, %swap3A_93] {strides = array<i32>} : memref<128x128xf32, #tpu.memory_space<vmem>>, vector<1x16xf32>,
      %swap3A_95 = vector.shape_cast %swap3A_94 : vector<1x16xf32> to vector<16xf32>
      %swap3A_96 = vector.shape_cast %broadcast_in_dim3A_91 : vector<16xf32> to vector<1x16xf32>
      tpu.vector_store %arg9[%swap3A_92, %swap3A_93], %swap3A_96 {strides = array<i32>} : memref<128x128xf32, #tpu.memory_space<vmem>>, vector<1x16xf32>,
    }
    %scan3A_5 = arith.constant 128 : i32
    %mul3A_6 = arith.constant 640 : i32
    %mul3A_7 = arith.muli %arg1, %mul3A_6 : i32
    %add3A_8 = arith.constant 0 : i32
    %add3A_9 = arith.addi %mul3A_7, %add3A_8 : i32
    "tpu.region"() ({
      %run_scoped3A = tpu.sem_alloc : memref<!tpu.dma_semaphore, #tpu.memory_space<semaphore_mem>>
      %dma_start3A = arith.constant 0 : i32
      %dma_start3A_42 = tpu.memref_slice %arg10[%add3A_9, %dma_start3A] : memref<10240x128xf32, #tpu.memory_space<vmem_shared>> -> memref<128x128xf32, #tpu.memory_space<vmem_shared>>
      %dma_start3A_43 = arith.constant 0 : i32
      %dma_start3A_44 = tpu.memref_slice %arg10[%add3A_9, %dma_start3A_43] : memref<10240x128xf32, #tpu.memory_space<vmem_shared>> -> memref<128x128xf32, #tpu.memory_space<vmem_shared>>
      tpu.enqueue_dma source(%arg9 : memref<128x128xf32, #tpu.memory_space<vmem>>) target(%dma_start3A_44 : memref<128x128xf32, #tpu.memory_space<vmem_shared>>) target_semaphore(%run_scoped3A : memref<!tpu.dma_semaphore, #tpu.memory_space<semaphore_mem>>)
      %dma_wait3A = arith.constant 0 : i32
      %dma_wait3A_45 = tpu.memref_slice %arg10[%add3A_9, %dma_wait3A] : memref<10240x128xf32, #tpu.memory_space<vmem_shared>> -> memref<128x128xf32, #tpu.memory_space<vmem_shared>>
      %dma_wait3A_46 = arith.constant 0 : i32
      %dma_wait3A_47 = tpu.memref_slice %arg10[%add3A_9, %dma_wait3A_46] : memref<10240x128xf32, #tpu.memory_space<vmem_shared>> -> memref<128x128xf32, #tpu.memory_space<vmem_shared>>
      tpu.wait_dma2 semaphore(%run_scoped3A : memref<!tpu.dma_semaphore, #tpu.memory_space<semaphore_mem>>) src(%arg9 : memref<128x128xf32, #tpu.memory_space<vmem>>) dst(%dma_wait3A_47 : memref<128x128xf32, #tpu.memory_space<vmem_shared>>)
      tpu.yield
    }) : () -> ()
    %mul3A_10 = arith.constant 640 : i32
    %mul3A_11 = arith.muli %arg1, %mul3A_10 : i32
    %add3A_12 = arith.constant 128 : i32
    %add3A_13 = arith.addi %mul3A_11, %add3A_12 : i32
    "tpu.region"() ({
      %run_scoped3A = tpu.sem_alloc : memref<!tpu.dma_semaphore, #tpu.memory_space<semaphore_mem>>
      %dma_start3A = arith.constant 0 : i32
      %dma_start3A_42 = tpu.memref_slice %arg10[%add3A_13, %dma_start3A] : memref<10240x128xf32, #tpu.memory_space<vmem_shared>> -> memref<128x128xf32, #tpu.memory_space<vmem_shared>>
      %dma_start3A_43 = arith.constant 0 : i32
      %dma_start3A_44 = tpu.memref_slice %arg10[%add3A_13, %dma_start3A_43] : memref<10240x128xf32, #tpu.memory_space<vmem_shared>> -> memref<128x128xf32, #tpu.memory_space<vmem_shared>>
      tpu.enqueue_dma source(%arg9 : memref<128x128xf32, #tpu.memory_space<vmem>>) target(%dma_start3A_44 : memref<128x128xf32, #tpu.memory_space<vmem_shared>>) target_semaphore(%run_scoped3A : memref<!tpu.dma_semaphore, #tpu.memory_space<semaphore_mem>>)
      %dma_wait3A = arith.constant 0 : i32
      %dma_wait3A_45 = tpu.memref_slice %arg10[%add3A_13, %dma_wait3A] : memref<10240x128xf32, #tpu.memory_space<vmem_shared>> -> memref<128x128xf32, #tpu.memory_space<vmem_shared>>
      %dma_wait3A_46 = arith.constant 0 : i32
      %dma_wait3A_47 = tpu.memref_slice %arg10[%add3A_13, %dma_wait3A_46] : memref<10240x128xf32, #tpu.memory_space<vmem_shared>> -> memref<128x128xf32, #tpu.memory_space<vmem_shared>>
      tpu.wait_dma2 semaphore(%run_scoped3A : memref<!tpu.dma_semaphore, #tpu.memory_space<semaphore_mem>>) src(%arg9 : memref<128x128xf32, #tpu.memory_space<vmem>>) dst(%dma_wait3A_47 : memref<128x128xf32, #tpu.memory_space<vmem_shared>>)
      tpu.yield
    }) : () -> ()
    %mul3A_14 = arith.constant 640 : i32
    %mul3A_15 = arith.muli %arg1, %mul3A_14 : i32
    %add3A_16 = arith.constant 256 : i32
    %add3A_17 = arith.addi %mul3A_15, %add3A_16 : i32
    "tpu.region"() ({
      %run_scoped3A = tpu.sem_alloc : memref<!tpu.dma_semaphore, #tpu.memory_space<semaphore_mem>>
      %dma_start3A = arith.constant 0 : i32
      %dma_start3A_42 = tpu.memref_slice %arg10[%add3A_17, %dma_start3A] : memref<10240x128xf32, #tpu.memory_space<vmem_shared>> -> memref<128x128xf32, #tpu.memory_space<vmem_shared>>
      %dma_start3A_43 = arith.constant 0 : i32
      %dma_start3A_44 = tpu.memref_slice %arg10[%add3A_17, %dma_start3A_43] : memref<10240x128xf32, #tpu.memory_space<vmem_shared>> -> memref<128x128xf32, #tpu.memory_space<vmem_shared>>
      tpu.enqueue_dma source(%arg9 : memref<128x128xf32, #tpu.memory_space<vmem>>) target(%dma_start3A_44 : memref<128x128xf32, #tpu.memory_space<vmem_shared>>) target_semaphore(%run_scoped3A : memref<!tpu.dma_semaphore, #tpu.memory_space<semaphore_mem>>)
      %dma_wait3A = arith.constant 0 : i32
      %dma_wait3A_45 = tpu.memref_slice %arg10[%add3A_17, %dma_wait3A] : memref<10240x128xf32, #tpu.memory_space<vmem_shared>> -> memref<128x128xf32, #tpu.memory_space<vmem_shared>>
      %dma_wait3A_46 = arith.constant 0 : i32
      %dma_wait3A_47 = tpu.memref_slice %arg10[%add3A_17, %dma_wait3A_46] : memref<10240x128xf32, #tpu.memory_space<vmem_shared>> -> memref<128x128xf32, #tpu.memory_space<vmem_shared>>
      tpu.wait_dma2 semaphore(%run_scoped3A : memref<!tpu.dma_semaphore, #tpu.memory_space<semaphore_mem>>) src(%arg9 : memref<128x128xf32, #tpu.memory_space<vmem>>) dst(%dma_wait3A_47 : memref<128x128xf32, #tpu.memory_space<vmem_shared>>)
      tpu.yield
    }) : () -> ()
    %mul3A_18 = arith.constant 640 : i32
    %mul3A_19 = arith.muli %arg1, %mul3A_18 : i32
    %add3A_20 = arith.constant 384 : i32
    %add3A_21 = arith.addi %mul3A_19, %add3A_20 : i32
    "tpu.region"() ({
      %run_scoped3A = tpu.sem_alloc : memref<!tpu.dma_semaphore, #tpu.memory_space<semaphore_mem>>
      %dma_start3A = arith.constant 0 : i32
      %dma_start3A_42 = tpu.memref_slice %arg10[%add3A_21, %dma_start3A] : memref<10240x128xf32, #tpu.memory_space<vmem_shared>> -> memref<128x128xf32, #tpu.memory_space<vmem_shared>>
      %dma_start3A_43 = arith.constant 0 : i32
      %dma_start3A_44 = tpu.memref_slice %arg10[%add3A_21, %dma_start3A_43] : memref<10240x128xf32, #tpu.memory_space<vmem_shared>> -> memref<128x128xf32, #tpu.memory_space<vmem_shared>>
      tpu.enqueue_dma source(%arg9 : memref<128x128xf32, #tpu.memory_space<vmem>>) target(%dma_start3A_44 : memref<128x128xf32, #tpu.memory_space<vmem_shared>>) target_semaphore(%run_scoped3A : memref<!tpu.dma_semaphore, #tpu.memory_space<semaphore_mem>>)
      %dma_wait3A = arith.constant 0 : i32
      %dma_wait3A_45 = tpu.memref_slice %arg10[%add3A_21, %dma_wait3A] : memref<10240x128xf32, #tpu.memory_space<vmem_shared>> -> memref<128x128xf32, #tpu.memory_space<vmem_shared>>
      %dma_wait3A_46 = arith.constant 0 : i32
      %dma_wait3A_47 = tpu.memref_slice %arg10[%add3A_21, %dma_wait3A_46] : memref<10240x128xf32, #tpu.memory_space<vmem_shared>> -> memref<128x128xf32, #tpu.memory_space<vmem_shared>>
      tpu.wait_dma2 semaphore(%run_scoped3A : memref<!tpu.dma_semaphore, #tpu.memory_space<semaphore_mem>>) src(%arg9 : memref<128x128xf32, #tpu.memory_space<vmem>>) dst(%dma_wait3A_47 : memref<128x128xf32, #tpu.memory_space<vmem_shared>>)
      tpu.yield
    }) : () -> ()
    %mul3A_22 = arith.constant 640 : i32
    %mul3A_23 = arith.muli %arg1, %mul3A_22 : i32
    %add3A_24 = arith.constant 512 : i32
    %add3A_25 = arith.addi %mul3A_23, %add3A_24 : i32
    "tpu.region"() ({
      %run_scoped3A = tpu.sem_alloc : memref<!tpu.dma_semaphore, #tpu.memory_space<semaphore_mem>>
      %dma_start3A = arith.constant 0 : i32
      %dma_start3A_42 = tpu.memref_slice %arg10[%add3A_25, %dma_start3A] : memref<10240x128xf32, #tpu.memory_space<vmem_shared>> -> memref<128x128xf32, #tpu.memory_space<vmem_shared>>
      %dma_start3A_43 = arith.constant 0 : i32
      %dma_start3A_44 = tpu.memref_slice %arg10[%add3A_25, %dma_start3A_43] : memref<10240x128xf32, #tpu.memory_space<vmem_shared>> -> memref<128x128xf32, #tpu.memory_space<vmem_shared>>
      tpu.enqueue_dma source(%arg9 : memref<128x128xf32, #tpu.memory_space<vmem>>) target(%dma_start3A_44 : memref<128x128xf32, #tpu.memory_space<vmem_shared>>) target_semaphore(%run_scoped3A : memref<!tpu.dma_semaphore, #tpu.memory_space<semaphore_mem>>)
      %dma_wait3A = arith.constant 0 : i32
      %dma_wait3A_45 = tpu.memref_slice %arg10[%add3A_25, %dma_wait3A] : memref<10240x128xf32, #tpu.memory_space<vmem_shared>> -> memref<128x128xf32, #tpu.memory_space<vmem_shared>>
      %dma_wait3A_46 = arith.constant 0 : i32
      %dma_wait3A_47 = tpu.memref_slice %arg10[%add3A_25, %dma_wait3A_46] : memref<10240x128xf32, #tpu.memory_space<vmem_shared>> -> memref<128x128xf32, #tpu.memory_space<vmem_shared>>
      tpu.wait_dma2 semaphore(%run_scoped3A : memref<!tpu.dma_semaphore, #tpu.memory_space<semaphore_mem>>) src(%arg9 : memref<128x128xf32, #tpu.memory_space<vmem>>) dst(%dma_wait3A_47 : memref<128x128xf32, #tpu.memory_space<vmem_shared>>)
      tpu.yield
    }) : () -> ()
    %barrier3A = arith.constant 0 : index
    tpu.barrier barrier_id(%barrier3A)
    %mul3A_26 = arith.constant 10112 : i32
    %mul3A_27 = arith.muli %add3A, %mul3A_26 : i32
    %scan3A_28 = arith.constant 0 : i32
    %scan3A_29 = arith.constant 0 : i32
    %scan3A_30 = arith.constant 79 : i32
    %scan3A_31 = arith.addi %scan3A_29, %scan3A_30 : i32
    %scan3A_32 = arith.constant 1 : i32
    scf.for %scan3A_42 = %scan3A_29 to %scan3A_31 step %scan3A_32  : i32 {
      %mul3A_43 = arith.constant 128 : i32
      %mul3A_44 = arith.muli %scan3A_42, %mul3A_43 : i32
      %add3A_45 = arith.addi %mul3A_27, %mul3A_44 : i32
      "tpu.region"() ({
        %run_scoped3A = tpu.sem_alloc : memref<!tpu.dma_semaphore, #tpu.memory_space<semaphore_mem>>
        %dma_start3A_50 = tpu.memref_slice %arg3[%add3A_45] : memref<323584xi32, #tpu.memory_space<hbm>> -> memref<128xi32, #tpu.memory_space<hbm>>
        %dma_start3A_51 = tpu.memref_slice %arg3[%add3A_45] : memref<323584xi32, #tpu.memory_space<hbm>> -> memref<128xi32, #tpu.memory_space<hbm>>
        tpu.enqueue_dma source(%dma_start3A_51 : memref<128xi32, #tpu.memory_space<hbm>>) target(%arg7 : memref<128xi32, #tpu.memory_space<vmem>>) target_semaphore(%run_scoped3A : memref<!tpu.dma_semaphore, #tpu.memory_space<semaphore_mem>>)
        %dma_wait3A_52 = tpu.memref_slice %arg3[%add3A_45] : memref<323584xi32, #tpu.memory_space<hbm>> -> memref<128xi32, #tpu.memory_space<hbm>>
        %dma_wait3A_53 = tpu.memref_slice %arg3[%add3A_45] : memref<323584xi32, #tpu.memory_space<hbm>> -> memref<128xi32, #tpu.memory_space<hbm>>
        tpu.wait_dma2 semaphore(%run_scoped3A : memref<!tpu.dma_semaphore, #tpu.memory_space<semaphore_mem>>) src(%dma_wait3A_53 : memref<128xi32, #tpu.memory_space<hbm>>) dst(%arg7 : memref<128xi32, #tpu.memory_space<vmem>>)
        tpu.yield
      }) : () -> ()
      "tpu.region"() ({
        %run_scoped3A = tpu.sem_alloc : memref<!tpu.dma_semaphore, #tpu.memory_space<semaphore_mem>>
        %dma_start3A_50 = tpu.memref_slice %arg4[%add3A_45] : memref<323584xi32, #tpu.memory_space<hbm>> -> memref<128xi32, #tpu.memory_space<hbm>>
        %dma_start3A_51 = tpu.memref_slice %arg4[%add3A_45] : memref<323584xi32, #tpu.memory_space<hbm>> -> memref<128xi32, #tpu.memory_space<hbm>>
        tpu.enqueue_dma source(%dma_start3A_51 : memref<128xi32, #tpu.memory_space<hbm>>) target(%arg8 : memref<128xi32, #tpu.memory_space<vmem>>) target_semaphore(%run_scoped3A : memref<!tpu.dma_semaphore, #tpu.memory_space<semaphore_mem>>)
        %dma_wait3A_52 = tpu.memref_slice %arg4[%add3A_45] : memref<323584xi32, #tpu.memory_space<hbm>> -> memref<128xi32, #tpu.memory_space<hbm>>
        %dma_wait3A_53 = tpu.memref_slice %arg4[%add3A_45] : memref<323584xi32, #tpu.memory_space<hbm>> -> memref<128xi32, #tpu.memory_space<hbm>>
        tpu.wait_dma2 semaphore(%run_scoped3A : memref<!tpu.dma_semaphore, #tpu.memory_space<semaphore_mem>>) src(%dma_wait3A_53 : memref<128xi32, #tpu.memory_space<hbm>>) dst(%arg8 : memref<128xi32, #tpu.memory_space<vmem>>)
        tpu.yield
      }) : () -> ()
      %dma_start3A = arith.constant 0 : i32
      %dma_start3A_46 = arith.constant 0 : i32
      %dma_start3A_47 = tpu.memref_slice %arg2[%dma_start3A, %dma_start3A_46] : memref<10240x128xf32, #tpu.memory_space<hbm>> -> memref<10240x128xf32, #tpu.memory_space<hbm>>
      tpu.enqueue_indirect_dma source(%dma_start3A_47 : memref<10240x128xf32, #tpu.memory_space<hbm>>) target(%arg9 : memref<128x128xf32, #tpu.memory_space<vmem>>) offsets(%arg7 : memref<128xi32, #tpu.memory_space<vmem>>) semaphore(%arg11 : memref<!tpu.dma_semaphore, #tpu.memory_space<semaphore_mem>>)
      %dma_wait3A = arith.constant 0 : i32
      %dma_wait3A_48 = arith.constant 0 : i32
      %dma_wait3A_49 = tpu.memref_slice %arg2[%dma_wait3A, %dma_wait3A_48] : memref<10240x128xf32, #tpu.memory_space<hbm>> -> memref<10240x128xf32, #tpu.memory_space<hbm>>
      tpu.wait_indirect_dma semaphore(%arg11 : memref<!tpu.dma_semaphore, #tpu.memory_space<semaphore_mem>>) src(%dma_wait3A_49 : memref<10240x128xf32, #tpu.memory_space<hbm>>) dst(%arg9 : memref<128x128xf32, #tpu.memory_space<vmem>>)
      "tpu.region"() ({
        %run_scoped3A = tpu.sem_alloc : memref<!tpu.dma_semaphore, #tpu.memory_space<semaphore_mem>>
        %dma_start3A_50 = arith.constant 0 : i32
        %dma_start3A_51 = arith.constant 0 : i32
        %dma_start3A_52 = tpu.memref_slice %arg10[%dma_start3A_50, %dma_start3A_51] : memref<10240x128xf32, #tpu.memory_space<vmem_shared>> -> memref<10240x128xf32, #tpu.memory_space<vmem_shared>>
        tpu.enqueue_indirect_dma source(%arg9 : memref<128x128xf32, #tpu.memory_space<vmem>>) target(%dma_start3A_52 : memref<10240x128xf32, #tpu.memory_space<vmem_shared>>) offsets(%arg8 : memref<128xi32, #tpu.memory_space<vmem>>) semaphore(%run_scoped3A : memref<!tpu.dma_semaphore, #tpu.memory_space<semaphore_mem>>) {add = true}
        %dma_wait3A_53 = arith.constant 0 : i32
        %dma_wait3A_54 = arith.constant 0 : i32
        %dma_wait3A_55 = tpu.memref_slice %arg10[%dma_wait3A_53, %dma_wait3A_54] : memref<10240x128xf32, #tpu.memory_space<vmem_shared>> -> memref<10240x128xf32, #tpu.memory_space<vmem_shared>>
        tpu.wait_indirect_dma semaphore(%run_scoped3A : memref<!tpu.dma_semaphore, #tpu.memory_space<semaphore_mem>>) src(%arg9 : memref<128x128xf32, #tpu.memory_space<vmem>>) dst(%dma_wait3A_55 : memref<10240x128xf32, #tpu.memory_space<vmem_shared>>)
        tpu.yield
      }) : () -> ()
    }
    %scan3A_33 = arith.constant 79 : i32
    %barrier3A_34 = arith.constant 0 : index
    tpu.barrier barrier_id(%barrier3A_34)
    %eq3A = arith.constant 0 : i32
    %eq3A_35 = arith.cmpi eq, %arg0, %eq3A : i32
    %convert_element_type3A = arith.extui %eq3A_35 : i1 to i32
    %cond3A = arith.constant 0 : i32
    %cond3A_36 = arith.cmpi ne, %convert_element_type3A, %cond3A : i32
    scf.if %cond3A_36 {
      %mul3A_42 = arith.constant 640 : i32
      %mul3A_43 = arith.muli %arg1, %mul3A_42 : i32
      %mul3A_44 = arith.constant 640 : i32
      %mul3A_45 = arith.muli %arg1, %mul3A_44 : i32
      "tpu.region"() ({
        %run_scoped3A = tpu.sem_alloc : memref<!tpu.dma_semaphore, #tpu.memory_space<semaphore_mem>>
        %dma_start3A = arith.constant 0 : i32
        %dma_start3A_46 = tpu.memref_slice %arg5[%mul3A_45, %dma_start3A] : memref<10240x128xf32, #tpu.memory_space<hbm>> -> memref<640x128xf32, #tpu.memory_space<hbm>>
        %dma_start3A_47 = arith.constant 0 : i32
        %dma_start3A_48 = tpu.memref_slice %arg10[%mul3A_43, %dma_start3A_47] : memref<10240x128xf32, #tpu.memory_space<vmem_shared>> -> memref<640x128xf32, #tpu.memory_space<vmem_shared>>
        tpu.enqueue_dma source(%dma_start3A_48 : memref<640x128xf32, #tpu.memory_space<vmem_shared>>) target(%dma_start3A_46 : memref<640x128xf32, #tpu.memory_space<hbm>>) target_semaphore(%run_scoped3A : memref<!tpu.dma_semaphore, #tpu.memory_space<semaphore_mem>>)
        %dma_wait3A = arith.constant 0 : i32
        %dma_wait3A_49 = tpu.memref_slice %arg5[%mul3A_45, %dma_wait3A] : memref<10240x128xf32, #tpu.memory_space<hbm>> -> memref<640x128xf32, #tpu.memory_space<hbm>>
        %dma_wait3A_50 = arith.constant 0 : i32
        %dma_wait3A_51 = tpu.memref_slice %arg10[%mul3A_43, %dma_wait3A_50] : memref<10240x128xf32, #tpu.memory_space<vmem_shared>> -> memref<640x128xf32, #tpu.memory_space<vmem_shared>>
        tpu.wait_dma2 semaphore(%run_scoped3A : memref<!tpu.dma_semaphore, #tpu.memory_space<semaphore_mem>>) src(%dma_wait3A_51 : memref<640x128xf32, #tpu.memory_space<vmem_shared>>) dst(%dma_wait3A_49 : memref<640x128xf32, #tpu.memory_space<hbm>>)
        tpu.yield
      }) : () -> ()
    } else {
    }
    %eq3A_37 = arith.constant 1 : i32
    %eq3A_38 = arith.cmpi eq, %arg0, %eq3A_37 : i32
    %convert_element_type3A_39 = arith.extui %eq3A_38 : i1 to i32
    %cond3A_40 = arith.constant 0 : i32
    %cond3A_41 = arith.cmpi ne, %convert_element_type3A_39, %cond3A_40 : i32
    scf.if %cond3A_41 {
      %mul3A_42 = arith.constant 640 : i32
      %mul3A_43 = arith.muli %arg1, %mul3A_42 : i32
      %mul3A_44 = arith.constant 640 : i32
      %mul3A_45 = arith.muli %arg1, %mul3A_44 : i32
      "tpu.region"() ({
        %run_scoped3A = tpu.sem_alloc : memref<!tpu.dma_semaphore, #tpu.memory_space<semaphore_mem>>
        %dma_start3A = arith.constant 0 : i32
        %dma_start3A_46 = tpu.memref_slice %arg6[%mul3A_45, %dma_start3A] : memref<10240x128xf32, #tpu.memory_space<hbm>> -> memref<640x128xf32, #tpu.memory_space<hbm>>
        %dma_start3A_47 = arith.constant 0 : i32
        %dma_start3A_48 = tpu.memref_slice %arg10[%mul3A_43, %dma_start3A_47] : memref<10240x128xf32, #tpu.memory_space<vmem_shared>> -> memref<640x128xf32, #tpu.memory_space<vmem_shared>>
        tpu.enqueue_dma source(%dma_start3A_48 : memref<640x128xf32, #tpu.memory_space<vmem_shared>>) target(%dma_start3A_46 : memref<640x128xf32, #tpu.memory_space<hbm>>) target_semaphore(%run_scoped3A : memref<!tpu.dma_semaphore, #tpu.memory_space<semaphore_mem>>)
        %dma_wait3A = arith.constant 0 : i32
        %dma_wait3A_49 = tpu.memref_slice %arg6[%mul3A_45, %dma_wait3A] : memref<10240x128xf32, #tpu.memory_space<hbm>> -> memref<640x128xf32, #tpu.memory_space<hbm>>
        %dma_wait3A_50 = arith.constant 0 : i32
        %dma_wait3A_51 = tpu.memref_slice %arg10[%mul3A_43, %dma_wait3A_50] : memref<10240x128xf32, #tpu.memory_space<vmem_shared>> -> memref<640x128xf32, #tpu.memory_space<vmem_shared>>
        tpu.wait_dma2 semaphore(%run_scoped3A : memref<!tpu.dma_semaphore, #tpu.memory_space<semaphore_mem>>) src(%dma_wait3A_51 : memref<640x128xf32, #tpu.memory_space<vmem_shared>>) dst(%dma_wait3A_49 : memref<640x128xf32, #tpu.memory_space<hbm>>)
        tpu.yield
      }) : () -> ()
    } else {
    }
    return
  }
}

#map = affine_map<(d0, d1) -> (0, 0)>
#map1 = affine_map<(d0, d1) -> (0)>
module attributes {stable_mosaic.version = 14 : i64} {
  func.func @agg_kernel(%arg0: i32, %arg1: i32, %arg2: memref<10240x128xf32, #tpu.memory_space<hbm>>, %arg3: memref<323584xi32, #tpu.memory_space<hbm>>, %arg4: memref<323584xi32, #tpu.memory_space<hbm>>, %arg5: memref<10240x128xf32, #tpu.memory_space<hbm>>, %arg6: memref<10240x128xf32, #tpu.memory_space<hbm>>, %arg7: memref<128xi32, #tpu.memory_space<vmem>>, %arg8: memref<128xi32, #tpu.memory_space<vmem>>, %arg9: memref<128x128xf32, #tpu.memory_space<vmem>>, %arg10: memref<10240x128xf32, #tpu.memory_space<vmem_shared>>, %arg11: memref<!tpu.dma_semaphore, #tpu.memory_space<semaphore_mem>>) attributes {dimension_semantics = [#tpu.dimension_semantics<core_parallel>, #tpu.dimension_semantics<subcore_parallel>], iteration_bounds = array<i64: 2, 16>, scalar_prefetch = 0 : i64, scratch_operands = 5 : i64, tpu.core_type = #tpu.core_type<sc_vector_subcore>, window_params = [{transform_indices = #map}, {transform_indices = #map1}, {transform_indices = #map1}, {transform_indices = #map}, {transform_indices = #map}]} {
    %mul3A = arith.constant 16 : i32
    %mul3A_0 = arith.muli %arg0, %mul3A : i32
    %add3A = arith.addi %mul3A_0, %arg1 : i32
    %scan3A = arith.constant 0 : i32
    %scan3A_1 = arith.constant 0 : i32
    %scan3A_2 = arith.constant 128 : i32
    %scan3A_3 = arith.addi %scan3A_1, %scan3A_2 : i32
    %scan3A_4 = arith.constant 1 : i32
    scf.for %scan3A_42 = %scan3A_1 to %scan3A_3 step %scan3A_4  : i32 {
      %broadcast_in_dim3A = arith.constant 0.000000e+00 : f32
      %broadcast_in_dim3A_43 = vector.broadcast %broadcast_in_dim3A : f32 to vector<16xf32>
      %swap3A = arith.index_cast %scan3A_42 : i32 to index
      %swap3A_44 = arith.constant 0 : index
      %swap3A_45 = tpu.vector_load %arg9[%swap3A, %swap3A_44] {strides = array<i32>} : memref<128x128xf32, #tpu.memory_space<vmem>>, vector<1x16xf32>,
      %swap3A_46 = vector.shape_cast %swap3A_45 : vector<1x16xf32> to vector<16xf32>
      %swap3A_47 = vector.shape_cast %broadcast_in_dim3A_43 : vector<16xf32> to vector<1x16xf32>
      tpu.vector_store %arg9[%swap3A, %swap3A_44], %swap3A_47 {strides = array<i32>} : memref<128x128xf32, #tpu.memory_space<vmem>>, vector<1x16xf32>,
      %broadcast_in_dim3A_48 = arith.constant 0.000000e+00 : f32
      %broadcast_in_dim3A_49 = vector.broadcast %broadcast_in_dim3A_48 : f32 to vector<16xf32>
      %swap3A_50 = arith.index_cast %scan3A_42 : i32 to index
      %swap3A_51 = arith.constant 16 : index
      %swap3A_52 = tpu.vector_load %arg9[%swap3A_50, %swap3A_51] {strides = array<i32>} : memref<128x128xf32, #tpu.memory_space<vmem>>, vector<1x16xf32>,
      %swap3A_53 = vector.shape_cast %swap3A_52 : vector<1x16xf32> to vector<16xf32>
      %swap3A_54 = vector.shape_cast %broadcast_in_dim3A_49 : vector<16xf32> to vector<1x16xf32>
      tpu.vector_store %arg9[%swap3A_50, %swap3A_51], %swap3A_54 {strides = array<i32>} : memref<128x128xf32, #tpu.memory_space<vmem>>, vector<1x16xf32>,
      %broadcast_in_dim3A_55 = arith.constant 0.000000e+00 : f32
      %broadcast_in_dim3A_56 = vector.broadcast %broadcast_in_dim3A_55 : f32 to vector<16xf32>
      %swap3A_57 = arith.index_cast %scan3A_42 : i32 to index
      %swap3A_58 = arith.constant 32 : index
      %swap3A_59 = tpu.vector_load %arg9[%swap3A_57, %swap3A_58] {strides = array<i32>} : memref<128x128xf32, #tpu.memory_space<vmem>>, vector<1x16xf32>,
      %swap3A_60 = vector.shape_cast %swap3A_59 : vector<1x16xf32> to vector<16xf32>
      %swap3A_61 = vector.shape_cast %broadcast_in_dim3A_56 : vector<16xf32> to vector<1x16xf32>
      tpu.vector_store %arg9[%swap3A_57, %swap3A_58], %swap3A_61 {strides = array<i32>} : memref<128x128xf32, #tpu.memory_space<vmem>>, vector<1x16xf32>,
      %broadcast_in_dim3A_62 = arith.constant 0.000000e+00 : f32
      %broadcast_in_dim3A_63 = vector.broadcast %broadcast_in_dim3A_62 : f32 to vector<16xf32>
      %swap3A_64 = arith.index_cast %scan3A_42 : i32 to index
      %swap3A_65 = arith.constant 48 : index
      %swap3A_66 = tpu.vector_load %arg9[%swap3A_64, %swap3A_65] {strides = array<i32>} : memref<128x128xf32, #tpu.memory_space<vmem>>, vector<1x16xf32>,
      %swap3A_67 = vector.shape_cast %swap3A_66 : vector<1x16xf32> to vector<16xf32>
      %swap3A_68 = vector.shape_cast %broadcast_in_dim3A_63 : vector<16xf32> to vector<1x16xf32>
      tpu.vector_store %arg9[%swap3A_64, %swap3A_65], %swap3A_68 {strides = array<i32>} : memref<128x128xf32, #tpu.memory_space<vmem>>, vector<1x16xf32>,
      %broadcast_in_dim3A_69 = arith.constant 0.000000e+00 : f32
      %broadcast_in_dim3A_70 = vector.broadcast %broadcast_in_dim3A_69 : f32 to vector<16xf32>
      %swap3A_71 = arith.index_cast %scan3A_42 : i32 to index
      %swap3A_72 = arith.constant 64 : index
      %swap3A_73 = tpu.vector_load %arg9[%swap3A_71, %swap3A_72] {strides = array<i32>} : memref<128x128xf32, #tpu.memory_space<vmem>>, vector<1x16xf32>,
      %swap3A_74 = vector.shape_cast %swap3A_73 : vector<1x16xf32> to vector<16xf32>
      %swap3A_75 = vector.shape_cast %broadcast_in_dim3A_70 : vector<16xf32> to vector<1x16xf32>
      tpu.vector_store %arg9[%swap3A_71, %swap3A_72], %swap3A_75 {strides = array<i32>} : memref<128x128xf32, #tpu.memory_space<vmem>>, vector<1x16xf32>,
      %broadcast_in_dim3A_76 = arith.constant 0.000000e+00 : f32
      %broadcast_in_dim3A_77 = vector.broadcast %broadcast_in_dim3A_76 : f32 to vector<16xf32>
      %swap3A_78 = arith.index_cast %scan3A_42 : i32 to index
      %swap3A_79 = arith.constant 80 : index
      %swap3A_80 = tpu.vector_load %arg9[%swap3A_78, %swap3A_79] {strides = array<i32>} : memref<128x128xf32, #tpu.memory_space<vmem>>, vector<1x16xf32>,
      %swap3A_81 = vector.shape_cast %swap3A_80 : vector<1x16xf32> to vector<16xf32>
      %swap3A_82 = vector.shape_cast %broadcast_in_dim3A_77 : vector<16xf32> to vector<1x16xf32>
      tpu.vector_store %arg9[%swap3A_78, %swap3A_79], %swap3A_82 {strides = array<i32>} : memref<128x128xf32, #tpu.memory_space<vmem>>, vector<1x16xf32>,
      %broadcast_in_dim3A_83 = arith.constant 0.000000e+00 : f32
      %broadcast_in_dim3A_84 = vector.broadcast %broadcast_in_dim3A_83 : f32 to vector<16xf32>
      %swap3A_85 = arith.index_cast %scan3A_42 : i32 to index
      %swap3A_86 = arith.constant 96 : index
      %swap3A_87 = tpu.vector_load %arg9[%swap3A_85, %swap3A_86] {strides = array<i32>} : memref<128x128xf32, #tpu.memory_space<vmem>>, vector<1x16xf32>,
      %swap3A_88 = vector.shape_cast %swap3A_87 : vector<1x16xf32> to vector<16xf32>
      %swap3A_89 = vector.shape_cast %broadcast_in_dim3A_84 : vector<16xf32> to vector<1x16xf32>
      tpu.vector_store %arg9[%swap3A_85, %swap3A_86], %swap3A_89 {strides = array<i32>} : memref<128x128xf32, #tpu.memory_space<vmem>>, vector<1x16xf32>,
      %broadcast_in_dim3A_90 = arith.constant 0.000000e+00 : f32
      %broadcast_in_dim3A_91 = vector.broadcast %broadcast_in_dim3A_90 : f32 to vector<16xf32>
      %swap3A_92 = arith.index_cast %scan3A_42 : i32 to index
      %swap3A_93 = arith.constant 112 : index
      %swap3A_94 = tpu.vector_load %arg9[%swap3A_92, %swap3A_93] {strides = array<i32>} : memref<128x128xf32, #tpu.memory_space<vmem>>, vector<1x16xf32>,
      %swap3A_95 = vector.shape_cast %swap3A_94 : vector<1x16xf32> to vector<16xf32>
      %swap3A_96 = vector.shape_cast %broadcast_in_dim3A_91 : vector<16xf32> to vector<1x16xf32>
      tpu.vector_store %arg9[%swap3A_92, %swap3A_93], %swap3A_96 {strides = array<i32>} : memref<128x128xf32, #tpu.memory_space<vmem>>, vector<1x16xf32>,
    }
    %scan3A_5 = arith.constant 128 : i32
    %mul3A_6 = arith.constant 640 : i32
    %mul3A_7 = arith.muli %arg1, %mul3A_6 : i32
    %add3A_8 = arith.constant 0 : i32
    %add3A_9 = arith.addi %mul3A_7, %add3A_8 : i32
    "tpu.region"() ({
      %run_scoped3A = tpu.sem_alloc : memref<!tpu.dma_semaphore, #tpu.memory_space<semaphore_mem>>
      %dma_start3A = arith.constant 0 : i32
      %dma_start3A_42 = tpu.memref_slice %arg10[%add3A_9, %dma_start3A] : memref<10240x128xf32, #tpu.memory_space<vmem_shared>> -> memref<128x128xf32, #tpu.memory_space<vmem_shared>>
      %dma_start3A_43 = arith.constant 0 : i32
      %dma_start3A_44 = tpu.memref_slice %arg10[%add3A_9, %dma_start3A_43] : memref<10240x128xf32, #tpu.memory_space<vmem_shared>> -> memref<128x128xf32, #tpu.memory_space<vmem_shared>>
      tpu.enqueue_dma source(%arg9 : memref<128x128xf32, #tpu.memory_space<vmem>>) target(%dma_start3A_44 : memref<128x128xf32, #tpu.memory_space<vmem_shared>>) target_semaphore(%run_scoped3A : memref<!tpu.dma_semaphore, #tpu.memory_space<semaphore_mem>>)
      %dma_wait3A = arith.constant 0 : i32
      %dma_wait3A_45 = tpu.memref_slice %arg10[%add3A_9, %dma_wait3A] : memref<10240x128xf32, #tpu.memory_space<vmem_shared>> -> memref<128x128xf32, #tpu.memory_space<vmem_shared>>
      %dma_wait3A_46 = arith.constant 0 : i32
      %dma_wait3A_47 = tpu.memref_slice %arg10[%add3A_9, %dma_wait3A_46] : memref<10240x128xf32, #tpu.memory_space<vmem_shared>> -> memref<128x128xf32, #tpu.memory_space<vmem_shared>>
      tpu.wait_dma2 semaphore(%run_scoped3A : memref<!tpu.dma_semaphore, #tpu.memory_space<semaphore_mem>>) src(%arg9 : memref<128x128xf32, #tpu.memory_space<vmem>>) dst(%dma_wait3A_47 : memref<128x128xf32, #tpu.memory_space<vmem_shared>>)
      tpu.yield
    }) : () -> ()
    %mul3A_10 = arith.constant 640 : i32
    %mul3A_11 = arith.muli %arg1, %mul3A_10 : i32
    %add3A_12 = arith.constant 128 : i32
    %add3A_13 = arith.addi %mul3A_11, %add3A_12 : i32
    "tpu.region"() ({
      %run_scoped3A = tpu.sem_alloc : memref<!tpu.dma_semaphore, #tpu.memory_space<semaphore_mem>>
      %dma_start3A = arith.constant 0 : i32
      %dma_start3A_42 = tpu.memref_slice %arg10[%add3A_13, %dma_start3A] : memref<10240x128xf32, #tpu.memory_space<vmem_shared>> -> memref<128x128xf32, #tpu.memory_space<vmem_shared>>
      %dma_start3A_43 = arith.constant 0 : i32
      %dma_start3A_44 = tpu.memref_slice %arg10[%add3A_13, %dma_start3A_43] : memref<10240x128xf32, #tpu.memory_space<vmem_shared>> -> memref<128x128xf32, #tpu.memory_space<vmem_shared>>
      tpu.enqueue_dma source(%arg9 : memref<128x128xf32, #tpu.memory_space<vmem>>) target(%dma_start3A_44 : memref<128x128xf32, #tpu.memory_space<vmem_shared>>) target_semaphore(%run_scoped3A : memref<!tpu.dma_semaphore, #tpu.memory_space<semaphore_mem>>)
      %dma_wait3A = arith.constant 0 : i32
      %dma_wait3A_45 = tpu.memref_slice %arg10[%add3A_13, %dma_wait3A] : memref<10240x128xf32, #tpu.memory_space<vmem_shared>> -> memref<128x128xf32, #tpu.memory_space<vmem_shared>>
      %dma_wait3A_46 = arith.constant 0 : i32
      %dma_wait3A_47 = tpu.memref_slice %arg10[%add3A_13, %dma_wait3A_46] : memref<10240x128xf32, #tpu.memory_space<vmem_shared>> -> memref<128x128xf32, #tpu.memory_space<vmem_shared>>
      tpu.wait_dma2 semaphore(%run_scoped3A : memref<!tpu.dma_semaphore, #tpu.memory_space<semaphore_mem>>) src(%arg9 : memref<128x128xf32, #tpu.memory_space<vmem>>) dst(%dma_wait3A_47 : memref<128x128xf32, #tpu.memory_space<vmem_shared>>)
      tpu.yield
    }) : () -> ()
    %mul3A_14 = arith.constant 640 : i32
    %mul3A_15 = arith.muli %arg1, %mul3A_14 : i32
    %add3A_16 = arith.constant 256 : i32
    %add3A_17 = arith.addi %mul3A_15, %add3A_16 : i32
    "tpu.region"() ({
      %run_scoped3A = tpu.sem_alloc : memref<!tpu.dma_semaphore, #tpu.memory_space<semaphore_mem>>
      %dma_start3A = arith.constant 0 : i32
      %dma_start3A_42 = tpu.memref_slice %arg10[%add3A_17, %dma_start3A] : memref<10240x128xf32, #tpu.memory_space<vmem_shared>> -> memref<128x128xf32, #tpu.memory_space<vmem_shared>>
      %dma_start3A_43 = arith.constant 0 : i32
      %dma_start3A_44 = tpu.memref_slice %arg10[%add3A_17, %dma_start3A_43] : memref<10240x128xf32, #tpu.memory_space<vmem_shared>> -> memref<128x128xf32, #tpu.memory_space<vmem_shared>>
      tpu.enqueue_dma source(%arg9 : memref<128x128xf32, #tpu.memory_space<vmem>>) target(%dma_start3A_44 : memref<128x128xf32, #tpu.memory_space<vmem_shared>>) target_semaphore(%run_scoped3A : memref<!tpu.dma_semaphore, #tpu.memory_space<semaphore_mem>>)
      %dma_wait3A = arith.constant 0 : i32
      %dma_wait3A_45 = tpu.memref_slice %arg10[%add3A_17, %dma_wait3A] : memref<10240x128xf32, #tpu.memory_space<vmem_shared>> -> memref<128x128xf32, #tpu.memory_space<vmem_shared>>
      %dma_wait3A_46 = arith.constant 0 : i32
      %dma_wait3A_47 = tpu.memref_slice %arg10[%add3A_17, %dma_wait3A_46] : memref<10240x128xf32, #tpu.memory_space<vmem_shared>> -> memref<128x128xf32, #tpu.memory_space<vmem_shared>>
      tpu.wait_dma2 semaphore(%run_scoped3A : memref<!tpu.dma_semaphore, #tpu.memory_space<semaphore_mem>>) src(%arg9 : memref<128x128xf32, #tpu.memory_space<vmem>>) dst(%dma_wait3A_47 : memref<128x128xf32, #tpu.memory_space<vmem_shared>>)
      tpu.yield
    }) : () -> ()
    %mul3A_18 = arith.constant 640 : i32
    %mul3A_19 = arith.muli %arg1, %mul3A_18 : i32
    %add3A_20 = arith.constant 384 : i32
    %add3A_21 = arith.addi %mul3A_19, %add3A_20 : i32
    "tpu.region"() ({
      %run_scoped3A = tpu.sem_alloc : memref<!tpu.dma_semaphore, #tpu.memory_space<semaphore_mem>>
      %dma_start3A = arith.constant 0 : i32
      %dma_start3A_42 = tpu.memref_slice %arg10[%add3A_21, %dma_start3A] : memref<10240x128xf32, #tpu.memory_space<vmem_shared>> -> memref<128x128xf32, #tpu.memory_space<vmem_shared>>
      %dma_start3A_43 = arith.constant 0 : i32
      %dma_start3A_44 = tpu.memref_slice %arg10[%add3A_21, %dma_start3A_43] : memref<10240x128xf32, #tpu.memory_space<vmem_shared>> -> memref<128x128xf32, #tpu.memory_space<vmem_shared>>
      tpu.enqueue_dma source(%arg9 : memref<128x128xf32, #tpu.memory_space<vmem>>) target(%dma_start3A_44 : memref<128x128xf32, #tpu.memory_space<vmem_shared>>) target_semaphore(%run_scoped3A : memref<!tpu.dma_semaphore, #tpu.memory_space<semaphore_mem>>)
      %dma_wait3A = arith.constant 0 : i32
      %dma_wait3A_45 = tpu.memref_slice %arg10[%add3A_21, %dma_wait3A] : memref<10240x128xf32, #tpu.memory_space<vmem_shared>> -> memref<128x128xf32, #tpu.memory_space<vmem_shared>>
      %dma_wait3A_46 = arith.constant 0 : i32
      %dma_wait3A_47 = tpu.memref_slice %arg10[%add3A_21, %dma_wait3A_46] : memref<10240x128xf32, #tpu.memory_space<vmem_shared>> -> memref<128x128xf32, #tpu.memory_space<vmem_shared>>
      tpu.wait_dma2 semaphore(%run_scoped3A : memref<!tpu.dma_semaphore, #tpu.memory_space<semaphore_mem>>) src(%arg9 : memref<128x128xf32, #tpu.memory_space<vmem>>) dst(%dma_wait3A_47 : memref<128x128xf32, #tpu.memory_space<vmem_shared>>)
      tpu.yield
    }) : () -> ()
    %mul3A_22 = arith.constant 640 : i32
    %mul3A_23 = arith.muli %arg1, %mul3A_22 : i32
    %add3A_24 = arith.constant 512 : i32
    %add3A_25 = arith.addi %mul3A_23, %add3A_24 : i32
    "tpu.region"() ({
      %run_scoped3A = tpu.sem_alloc : memref<!tpu.dma_semaphore, #tpu.memory_space<semaphore_mem>>
      %dma_start3A = arith.constant 0 : i32
      %dma_start3A_42 = tpu.memref_slice %arg10[%add3A_25, %dma_start3A] : memref<10240x128xf32, #tpu.memory_space<vmem_shared>> -> memref<128x128xf32, #tpu.memory_space<vmem_shared>>
      %dma_start3A_43 = arith.constant 0 : i32
      %dma_start3A_44 = tpu.memref_slice %arg10[%add3A_25, %dma_start3A_43] : memref<10240x128xf32, #tpu.memory_space<vmem_shared>> -> memref<128x128xf32, #tpu.memory_space<vmem_shared>>
      tpu.enqueue_dma source(%arg9 : memref<128x128xf32, #tpu.memory_space<vmem>>) target(%dma_start3A_44 : memref<128x128xf32, #tpu.memory_space<vmem_shared>>) target_semaphore(%run_scoped3A : memref<!tpu.dma_semaphore, #tpu.memory_space<semaphore_mem>>)
      %dma_wait3A = arith.constant 0 : i32
      %dma_wait3A_45 = tpu.memref_slice %arg10[%add3A_25, %dma_wait3A] : memref<10240x128xf32, #tpu.memory_space<vmem_shared>> -> memref<128x128xf32, #tpu.memory_space<vmem_shared>>
      %dma_wait3A_46 = arith.constant 0 : i32
      %dma_wait3A_47 = tpu.memref_slice %arg10[%add3A_25, %dma_wait3A_46] : memref<10240x128xf32, #tpu.memory_space<vmem_shared>> -> memref<128x128xf32, #tpu.memory_space<vmem_shared>>
      tpu.wait_dma2 semaphore(%run_scoped3A : memref<!tpu.dma_semaphore, #tpu.memory_space<semaphore_mem>>) src(%arg9 : memref<128x128xf32, #tpu.memory_space<vmem>>) dst(%dma_wait3A_47 : memref<128x128xf32, #tpu.memory_space<vmem_shared>>)
      tpu.yield
    }) : () -> ()
    %barrier3A = arith.constant 0 : index
    tpu.barrier barrier_id(%barrier3A)
    %mul3A_26 = arith.constant 10112 : i32
    %mul3A_27 = arith.muli %add3A, %mul3A_26 : i32
    %scan3A_28 = arith.constant 0 : i32
    %scan3A_29 = arith.constant 0 : i32
    %scan3A_30 = arith.constant 79 : i32
    %scan3A_31 = arith.addi %scan3A_29, %scan3A_30 : i32
    %scan3A_32 = arith.constant 1 : i32
    scf.for %scan3A_42 = %scan3A_29 to %scan3A_31 step %scan3A_32  : i32 {
      %mul3A_43 = arith.constant 128 : i32
      %mul3A_44 = arith.muli %scan3A_42, %mul3A_43 : i32
      %add3A_45 = arith.addi %mul3A_27, %mul3A_44 : i32
      "tpu.region"() ({
        %run_scoped3A = tpu.sem_alloc : memref<!tpu.dma_semaphore, #tpu.memory_space<semaphore_mem>>
        %dma_start3A_50 = tpu.memref_slice %arg3[%add3A_45] : memref<323584xi32, #tpu.memory_space<hbm>> -> memref<128xi32, #tpu.memory_space<hbm>>
        %dma_start3A_51 = tpu.memref_slice %arg3[%add3A_45] : memref<323584xi32, #tpu.memory_space<hbm>> -> memref<128xi32, #tpu.memory_space<hbm>>
        tpu.enqueue_dma source(%dma_start3A_51 : memref<128xi32, #tpu.memory_space<hbm>>) target(%arg7 : memref<128xi32, #tpu.memory_space<vmem>>) target_semaphore(%run_scoped3A : memref<!tpu.dma_semaphore, #tpu.memory_space<semaphore_mem>>)
        %dma_wait3A_52 = tpu.memref_slice %arg3[%add3A_45] : memref<323584xi32, #tpu.memory_space<hbm>> -> memref<128xi32, #tpu.memory_space<hbm>>
        %dma_wait3A_53 = tpu.memref_slice %arg3[%add3A_45] : memref<323584xi32, #tpu.memory_space<hbm>> -> memref<128xi32, #tpu.memory_space<hbm>>
        tpu.wait_dma2 semaphore(%run_scoped3A : memref<!tpu.dma_semaphore, #tpu.memory_space<semaphore_mem>>) src(%dma_wait3A_53 : memref<128xi32, #tpu.memory_space<hbm>>) dst(%arg7 : memref<128xi32, #tpu.memory_space<vmem>>)
        tpu.yield
      }) : () -> ()
      "tpu.region"() ({
        %run_scoped3A = tpu.sem_alloc : memref<!tpu.dma_semaphore, #tpu.memory_space<semaphore_mem>>
        %dma_start3A_50 = tpu.memref_slice %arg4[%add3A_45] : memref<323584xi32, #tpu.memory_space<hbm>> -> memref<128xi32, #tpu.memory_space<hbm>>
        %dma_start3A_51 = tpu.memref_slice %arg4[%add3A_45] : memref<323584xi32, #tpu.memory_space<hbm>> -> memref<128xi32, #tpu.memory_space<hbm>>
        tpu.enqueue_dma source(%dma_start3A_51 : memref<128xi32, #tpu.memory_space<hbm>>) target(%arg8 : memref<128xi32, #tpu.memory_space<vmem>>) target_semaphore(%run_scoped3A : memref<!tpu.dma_semaphore, #tpu.memory_space<semaphore_mem>>)
        %dma_wait3A_52 = tpu.memref_slice %arg4[%add3A_45] : memref<323584xi32, #tpu.memory_space<hbm>> -> memref<128xi32, #tpu.memory_space<hbm>>
        %dma_wait3A_53 = tpu.memref_slice %arg4[%add3A_45] : memref<323584xi32, #tpu.memory_space<hbm>> -> memref<128xi32, #tpu.memory_space<hbm>>
        tpu.wait_dma2 semaphore(%run_scoped3A : memref<!tpu.dma_semaphore, #tpu.memory_space<semaphore_mem>>) src(%dma_wait3A_53 : memref<128xi32, #tpu.memory_space<hbm>>) dst(%arg8 : memref<128xi32, #tpu.memory_space<vmem>>)
        tpu.yield
      }) : () -> ()
      %dma_start3A = arith.constant 0 : i32
      %dma_start3A_46 = arith.constant 0 : i32
      %dma_start3A_47 = tpu.memref_slice %arg2[%dma_start3A, %dma_start3A_46] : memref<10240x128xf32, #tpu.memory_space<hbm>> -> memref<10240x128xf32, #tpu.memory_space<hbm>>
      tpu.enqueue_indirect_dma source(%dma_start3A_47 : memref<10240x128xf32, #tpu.memory_space<hbm>>) target(%arg9 : memref<128x128xf32, #tpu.memory_space<vmem>>) offsets(%arg7 : memref<128xi32, #tpu.memory_space<vmem>>) semaphore(%arg11 : memref<!tpu.dma_semaphore, #tpu.memory_space<semaphore_mem>>)
      %dma_wait3A = arith.constant 0 : i32
      %dma_wait3A_48 = arith.constant 0 : i32
      %dma_wait3A_49 = tpu.memref_slice %arg2[%dma_wait3A, %dma_wait3A_48] : memref<10240x128xf32, #tpu.memory_space<hbm>> -> memref<10240x128xf32, #tpu.memory_space<hbm>>
      tpu.wait_indirect_dma semaphore(%arg11 : memref<!tpu.dma_semaphore, #tpu.memory_space<semaphore_mem>>) src(%dma_wait3A_49 : memref<10240x128xf32, #tpu.memory_space<hbm>>) dst(%arg9 : memref<128x128xf32, #tpu.memory_space<vmem>>)
      "tpu.region"() ({
        %run_scoped3A = tpu.sem_alloc : memref<!tpu.dma_semaphore, #tpu.memory_space<semaphore_mem>>
        %dma_start3A_50 = arith.constant 0 : i32
        %dma_start3A_51 = arith.constant 0 : i32
        %dma_start3A_52 = tpu.memref_slice %arg10[%dma_start3A_50, %dma_start3A_51] : memref<10240x128xf32, #tpu.memory_space<vmem_shared>> -> memref<10240x128xf32, #tpu.memory_space<vmem_shared>>
        tpu.enqueue_indirect_dma source(%arg9 : memref<128x128xf32, #tpu.memory_space<vmem>>) target(%dma_start3A_52 : memref<10240x128xf32, #tpu.memory_space<vmem_shared>>) offsets(%arg8 : memref<128xi32, #tpu.memory_space<vmem>>) semaphore(%run_scoped3A : memref<!tpu.dma_semaphore, #tpu.memory_space<semaphore_mem>>) {add = true}
        %dma_wait3A_53 = arith.constant 0 : i32
        %dma_wait3A_54 = arith.constant 0 : i32
        %dma_wait3A_55 = tpu.memref_slice %arg10[%dma_wait3A_53, %dma_wait3A_54] : memref<10240x128xf32, #tpu.memory_space<vmem_shared>> -> memref<10240x128xf32, #tpu.memory_space<vmem_shared>>
        tpu.wait_indirect_dma semaphore(%run_scoped3A : memref<!tpu.dma_semaphore, #tpu.memory_space<semaphore_mem>>) src(%arg9 : memref<128x128xf32, #tpu.memory_space<vmem>>) dst(%dma_wait3A_55 : memref<10240x128xf32, #tpu.memory_space<vmem_shared>>)
        tpu.yield
      }) : () -> ()
    }
    %scan3A_33 = arith.constant 79 : i32
    %barrier3A_34 = arith.constant 0 : index
    tpu.barrier barrier_id(%barrier3A_34)
    %eq3A = arith.constant 0 : i32
    %eq3A_35 = arith.cmpi eq, %arg0, %eq3A : i32
    %convert_element_type3A = arith.extui %eq3A_35 : i1 to i32
    %cond3A = arith.constant 0 : i32
    %cond3A_36 = arith.cmpi ne, %convert_element_type3A, %cond3A : i32
    scf.if %cond3A_36 {
      %mul3A_42 = arith.constant 640 : i32
      %mul3A_43 = arith.muli %arg1, %mul3A_42 : i32
      %mul3A_44 = arith.constant 640 : i32
      %mul3A_45 = arith.muli %arg1, %mul3A_44 : i32
      "tpu.region"() ({
        %run_scoped3A = tpu.sem_alloc : memref<!tpu.dma_semaphore, #tpu.memory_space<semaphore_mem>>
        %dma_start3A = arith.constant 0 : i32
        %dma_start3A_46 = tpu.memref_slice %arg5[%mul3A_45, %dma_start3A] : memref<10240x128xf32, #tpu.memory_space<hbm>> -> memref<640x128xf32, #tpu.memory_space<hbm>>
        %dma_start3A_47 = arith.constant 0 : i32
        %dma_start3A_48 = tpu.memref_slice %arg10[%mul3A_43, %dma_start3A_47] : memref<10240x128xf32, #tpu.memory_space<vmem_shared>> -> memref<640x128xf32, #tpu.memory_space<vmem_shared>>
        tpu.enqueue_dma source(%dma_start3A_48 : memref<640x128xf32, #tpu.memory_space<vmem_shared>>) target(%dma_start3A_46 : memref<640x128xf32, #tpu.memory_space<hbm>>) target_semaphore(%run_scoped3A : memref<!tpu.dma_semaphore, #tpu.memory_space<semaphore_mem>>)
        %dma_wait3A = arith.constant 0 : i32
        %dma_wait3A_49 = tpu.memref_slice %arg5[%mul3A_45, %dma_wait3A] : memref<10240x128xf32, #tpu.memory_space<hbm>> -> memref<640x128xf32, #tpu.memory_space<hbm>>
        %dma_wait3A_50 = arith.constant 0 : i32
        %dma_wait3A_51 = tpu.memref_slice %arg10[%mul3A_43, %dma_wait3A_50] : memref<10240x128xf32, #tpu.memory_space<vmem_shared>> -> memref<640x128xf32, #tpu.memory_space<vmem_shared>>
        tpu.wait_dma2 semaphore(%run_scoped3A : memref<!tpu.dma_semaphore, #tpu.memory_space<semaphore_mem>>) src(%dma_wait3A_51 : memref<640x128xf32, #tpu.memory_space<vmem_shared>>) dst(%dma_wait3A_49 : memref<640x128xf32, #tpu.memory_space<hbm>>)
        tpu.yield
      }) : () -> ()
    } else {
    }
    %eq3A_37 = arith.constant 1 : i32
    %eq3A_38 = arith.cmpi eq, %arg0, %eq3A_37 : i32
    %convert_element_type3A_39 = arith.extui %eq3A_38 : i1 to i32
    %cond3A_40 = arith.constant 0 : i32
    %cond3A_41 = arith.cmpi ne, %convert_element_type3A_39, %cond3A_40 : i32
    scf.if %cond3A_41 {
      %mul3A_42 = arith.constant 640 : i32
      %mul3A_43 = arith.muli %arg1, %mul3A_42 : i32
      %mul3A_44 = arith.constant 640 : i32
      %mul3A_45 = arith.muli %arg1, %mul3A_44 : i32
      "tpu.region"() ({
        %run_scoped3A = tpu.sem_alloc : memref<!tpu.dma_semaphore, #tpu.memory_space<semaphore_mem>>
        %dma_start3A = arith.constant 0 : i32
        %dma_start3A_46 = tpu.memref_slice %arg6[%mul3A_45, %dma_start3A] : memref<10240x128xf32, #tpu.memory_space<hbm>> -> memref<640x128xf32, #tpu.memory_space<hbm>>
        %dma_start3A_47 = arith.constant 0 : i32
        %dma_start3A_48 = tpu.memref_slice %arg10[%mul3A_43, %dma_start3A_47] : memref<10240x128xf32, #tpu.memory_space<vmem_shared>> -> memref<640x128xf32, #tpu.memory_space<vmem_shared>>
        tpu.enqueue_dma source(%dma_start3A_48 : memref<640x128xf32, #tpu.memory_space<vmem_shared>>) target(%dma_start3A_46 : memref<640x128xf32, #tpu.memory_space<hbm>>) target_semaphore(%run_scoped3A : memref<!tpu.dma_semaphore, #tpu.memory_space<semaphore_mem>>)
        %dma_wait3A = arith.constant 0 : i32
        %dma_wait3A_49 = tpu.memref_slice %arg6[%mul3A_45, %dma_wait3A] : memref<10240x128xf32, #tpu.memory_space<hbm>> -> memref<640x128xf32, #tpu.memory_space<hbm>>
        %dma_wait3A_50 = arith.constant 0 : i32
        %dma_wait3A_51 = tpu.memref_slice %arg10[%mul3A_43, %dma_wait3A_50] : memref<10240x128xf32, #tpu.memory_space<vmem_shared>> -> memref<640x128xf32, #tpu.memory_space<vmem_shared>>
        tpu.wait_dma2 semaphore(%run_scoped3A : memref<!tpu.dma_semaphore, #tpu.memory_space<semaphore_mem>>) src(%dma_wait3A_51 : memref<640x128xf32, #tpu.memory_space<vmem_shared>>) dst(%dma_wait3A_49 : memref<640x128xf32, #tpu.memory_space<hbm>>)
        tpu.yield
      }) : () -> ()
    } else {
    }
    return
  }
}

module attributes {stable_mosaic.version = 14 : i64} {
  func.func @body(%arg0: i32, %arg1: memref<512x128xf32, #tpu.memory_space<vmem>>, %arg2: memref<512x1xf32, #tpu.memory_space<vmem>>, %arg3: memref<512x128xf32, #tpu.memory_space<vmem>>, %arg4: memref<512x1xf32, #tpu.memory_space<vmem>>) attributes {dimension_semantics = [#tpu.dimension_semantics<arbitrary>], iteration_bounds = array<i64: 20>, scalar_prefetch = 0 : i64, scratch_operands = 0 : i64, tpu.core_type = #tpu.core_type<tc>, window_params = [{transform_indices = @transform_0, window_bounds = array<i64: 512, 128>}, {transform_indices = @transform_1, window_bounds = array<i64: 512, 1>}, {transform_indices = @transform_2, window_bounds = array<i64: 512, 128>}, {transform_indices = @transform_3, window_bounds = array<i64: 512, 1>}]} {
    %get3A = arith.constant 0 : index
    %get3A_0 = arith.constant 0 : index
    %get3A_1 = vector.load %arg2[%get3A, %get3A_0] : memref<512x1xf32, #tpu.memory_space<vmem>>, vector<512x1xf32>
    %add3A = arith.constant 1.000000e+00 : f32
    %add3A_2 = vector.broadcast %add3A : f32 to vector<512x1xf32>
    %add3A_3 = arith.addf %get3A_1, %add3A_2 : vector<512x1xf32>
    %rsqrt3A = math.rsqrt %add3A_3 : vector<512x1xf32>
    %swap3A = arith.constant 0 : index
    %swap3A_4 = arith.constant 0 : index
    %swap3A_5 = vector.load %arg4[%swap3A, %swap3A_4] : memref<512x1xf32, #tpu.memory_space<vmem>>, vector<512x1xf32>
    tpu.vector_store %arg4[%swap3A, %swap3A_4], %rsqrt3A {strides = array<i32>} : memref<512x1xf32, #tpu.memory_space<vmem>>, vector<512x1xf32>,
    %get3A_6 = arith.constant 0 : index
    %get3A_7 = arith.constant 0 : index
    %get3A_8 = vector.load %arg1[%get3A_6, %get3A_7] : memref<512x128xf32, #tpu.memory_space<vmem>>, vector<512x128xf32>
    %mul3A = vector.broadcast %rsqrt3A : vector<512x1xf32> to vector<512x128xf32>
    %mul3A_9 = arith.mulf %get3A_8, %mul3A : vector<512x128xf32>
    %swap3A_10 = arith.constant 0 : index
    %swap3A_11 = arith.constant 0 : index
    %swap3A_12 = vector.load %arg3[%swap3A_10, %swap3A_11] : memref<512x128xf32, #tpu.memory_space<vmem>>, vector<512x128xf32>
    tpu.vector_store %arg3[%swap3A_10, %swap3A_11], %mul3A_9 {strides = array<i32>} : memref<512x128xf32, #tpu.memory_space<vmem>>, vector<512x128xf32>,
    return
  }
  func.func @transform_0(%arg0: i32) -> (i32, i32) {
    %c0_i32 = arith.constant 0 : i32
    %c0_i32_0 = arith.constant 0 : i32
    return %arg0, %c0_i32 : i32, i32
  }
  func.func @transform_1(%arg0: i32) -> (i32, i32) {
    %c0_i32 = arith.constant 0 : i32
    %c0_i32_0 = arith.constant 0 : i32
    return %arg0, %c0_i32 : i32, i32
  }
  func.func @transform_2(%arg0: i32) -> (i32, i32) {
    %c0_i32 = arith.constant 0 : i32
    %c0_i32_0 = arith.constant 0 : i32
    return %arg0, %c0_i32 : i32, i32
  }
  func.func @transform_3(%arg0: i32) -> (i32, i32) {
    %c0_i32 = arith.constant 0 : i32
    %c0_i32_0 = arith.constant 0 : i32
    return %arg0, %c0_i32 : i32, i32
  }
}

module attributes {stable_mosaic.version = 14 : i64} {
  func.func @body(%arg0: i32, %arg1: memref<512x128xf32, #tpu.memory_space<vmem>>, %arg2: memref<512x128xf32, #tpu.memory_space<vmem>>, %arg3: memref<512x128xf32, #tpu.memory_space<vmem>>, %arg4: memref<512x1xf32, #tpu.memory_space<vmem>>, %arg5: memref<128x128xf32, #tpu.memory_space<vmem>>, %arg6: memref<1x128xf32, #tpu.memory_space<vmem>>, %arg7: memref<512x128xf32, #tpu.memory_space<vmem>>) attributes {dimension_semantics = [#tpu.dimension_semantics<arbitrary>], iteration_bounds = array<i64: 20>, scalar_prefetch = 0 : i64, scratch_operands = 0 : i64, tpu.core_type = #tpu.core_type<tc>, window_params = [{transform_indices = @transform_0, window_bounds = array<i64: 512, 128>}, {transform_indices = @transform_1, window_bounds = array<i64: 512, 128>}, {transform_indices = @transform_2, window_bounds = array<i64: 512, 128>}, {transform_indices = @transform_3, window_bounds = array<i64: 512, 1>}, {pipeline_mode = #tpu.pipeline_mode<synchronous>, transform_indices = @transform_4, window_bounds = array<i64: 128, 128>}, {pipeline_mode = #tpu.pipeline_mode<synchronous>, transform_indices = @transform_5, window_bounds = array<i64: 1, 128>}, {transform_indices = @transform_6, window_bounds = array<i64: 512, 128>}]} {
    %get3A = arith.constant 0 : index
    %get3A_0 = arith.constant 0 : index
    %get3A_1 = vector.load %arg4[%get3A, %get3A_0] : memref<512x1xf32, #tpu.memory_space<vmem>>, vector<512x1xf32>
    %get3A_2 = arith.constant 0 : index
    %get3A_3 = arith.constant 0 : index
    %get3A_4 = vector.load %arg1[%get3A_2, %get3A_3] : memref<512x128xf32, #tpu.memory_space<vmem>>, vector<512x128xf32>
    %get3A_5 = arith.constant 0 : index
    %get3A_6 = arith.constant 0 : index
    %get3A_7 = vector.load %arg2[%get3A_5, %get3A_6] : memref<512x128xf32, #tpu.memory_space<vmem>>, vector<512x128xf32>
    %add3A = arith.addf %get3A_4, %get3A_7 : vector<512x128xf32>
    %get3A_8 = arith.constant 0 : index
    %get3A_9 = arith.constant 0 : index
    %get3A_10 = vector.load %arg3[%get3A_8, %get3A_9] : memref<512x128xf32, #tpu.memory_space<vmem>>, vector<512x128xf32>
    %add3A_11 = arith.addf %add3A, %get3A_10 : vector<512x128xf32>
    %mul3A = vector.broadcast %get3A_1 : vector<512x1xf32> to vector<512x128xf32>
    %mul3A_12 = arith.mulf %add3A_11, %mul3A : vector<512x128xf32>
    %get3A_13 = arith.constant 0 : index
    %get3A_14 = arith.constant 0 : index
    %get3A_15 = vector.load %arg5[%get3A_13, %get3A_14] : memref<128x128xf32, #tpu.memory_space<vmem>>, vector<128x128xf32>
    %dot_general3A = arith.constant dense<0.000000e+00> : vector<512x128xf32>
    %dot_general3A_16 = tpu.matmul %mul3A_12, %get3A_15, %dot_general3A {dimension_numbers = #tpu.dot_dimension_numbers<[1], [0], [0], [1], [0, 0, 1, 1], [], []>, transpose_lhs_hint = false} : vector<512x128xf32>, vector<128x128xf32>, vector<512x128xf32> -> vector<512x128xf32>
    %get3A_17 = arith.constant 0 : index
    %get3A_18 = arith.constant 0 : index
    %get3A_19 = vector.load %arg6[%get3A_17, %get3A_18] : memref<1x128xf32, #tpu.memory_space<vmem>>, vector<1x128xf32>
    %add3A_20 = vector.broadcast %get3A_19 : vector<1x128xf32> to vector<512x128xf32>
    %add3A_21 = arith.addf %dot_general3A_16, %add3A_20 : vector<512x128xf32>
    %max3A = arith.constant 0.000000e+00 : f32
    %max3A_22 = vector.broadcast %max3A : f32 to vector<512x128xf32>
    %max3A_23 = arith.maximumf %add3A_21, %max3A_22 : vector<512x128xf32>
    %mul3A_24 = arith.mulf %max3A_23, %max3A_23 : vector<512x128xf32>
    %reduce_sum3A = arith.constant dense<0.000000e+00> : vector<512xf32>
    %reduce_sum3A_25 = vector.multi_reduction <add>, %mul3A_24, %reduce_sum3A [1] : vector<512x128xf32> to vector<512xf32>
    %broadcast_in_dim3A = vector.shape_cast %reduce_sum3A_25 : vector<512xf32> to vector<512x1xf32>
    %sqrt3A = math.sqrt %broadcast_in_dim3A : vector<512x1xf32>
    %max3A_26 = arith.constant 9.99999996E-13 : f32
    %max3A_27 = vector.broadcast %max3A_26 : f32 to vector<512x1xf32>
    %max3A_28 = arith.maximumf %sqrt3A, %max3A_27 : vector<512x1xf32>
    %div3A = vector.broadcast %max3A_28 : vector<512x1xf32> to vector<512x128xf32>
    %div3A_29 = arith.divf %max3A_23, %div3A : vector<512x128xf32>
    %mul3A_30 = vector.broadcast %get3A_1 : vector<512x1xf32> to vector<512x128xf32>
    %mul3A_31 = arith.mulf %div3A_29, %mul3A_30 : vector<512x128xf32>
    %swap3A = arith.constant 0 : index
    %swap3A_32 = arith.constant 0 : index
    %swap3A_33 = vector.load %arg7[%swap3A, %swap3A_32] : memref<512x128xf32, #tpu.memory_space<vmem>>, vector<512x128xf32>
    tpu.vector_store %arg7[%swap3A, %swap3A_32], %mul3A_31 {strides = array<i32>} : memref<512x128xf32, #tpu.memory_space<vmem>>, vector<512x128xf32>,
    return
  }
  func.func @transform_0(%arg0: i32) -> (i32, i32) {
    %c0_i32 = arith.constant 0 : i32
    %c0_i32_0 = arith.constant 0 : i32
    return %arg0, %c0_i32 : i32, i32
  }
  func.func @transform_1(%arg0: i32) -> (i32, i32) {
    %c0_i32 = arith.constant 0 : i32
    %c0_i32_0 = arith.constant 0 : i32
    return %arg0, %c0_i32 : i32, i32
  }
  func.func @transform_2(%arg0: i32) -> (i32, i32) {
    %c0_i32 = arith.constant 0 : i32
    %c0_i32_0 = arith.constant 0 : i32
    return %arg0, %c0_i32 : i32, i32
  }
  func.func @transform_3(%arg0: i32) -> (i32, i32) {
    %c0_i32 = arith.constant 0 : i32
    %c0_i32_0 = arith.constant 0 : i32
    return %arg0, %c0_i32 : i32, i32
  }
  func.func @transform_4(%arg0: i32) -> (i32, i32) {
    %c0_i32 = arith.constant 0 : i32
    %c0_i32_0 = arith.constant 0 : i32
    %c0_i32_1 = arith.constant 0 : i32
    return %c0_i32, %c0_i32_0 : i32, i32
  }
  func.func @transform_5(%arg0: i32) -> (i32, i32) {
    %c0_i32 = arith.constant 0 : i32
    %c0_i32_0 = arith.constant 0 : i32
    %c0_i32_1 = arith.constant 0 : i32
    return %c0_i32, %c0_i32_0 : i32, i32
  }
  func.func @transform_6(%arg0: i32) -> (i32, i32) {
    %c0_i32 = arith.constant 0 : i32
    %c0_i32_0 = arith.constant 0 : i32
    return %arg0, %c0_i32 : i32, i32
  }
}

module attributes {stable_mosaic.version = 14 : i64} {
  func.func @body(%arg0: i32, %arg1: memref<512x128xf32, #tpu.memory_space<vmem>>, %arg2: memref<512x128xf32, #tpu.memory_space<vmem>>, %arg3: memref<512x128xf32, #tpu.memory_space<vmem>>, %arg4: memref<512x1xf32, #tpu.memory_space<vmem>>, %arg5: memref<128x128xf32, #tpu.memory_space<vmem>>, %arg6: memref<1x128xf32, #tpu.memory_space<vmem>>, %arg7: memref<512x128xf32, #tpu.memory_space<vmem>>, %arg8: memref<8x128xf32, #tpu.memory_space<vmem>>) attributes {dimension_semantics = [#tpu.dimension_semantics<arbitrary>], iteration_bounds = array<i64: 20>, scalar_prefetch = 0 : i64, scratch_operands = 0 : i64, tpu.core_type = #tpu.core_type<tc>, window_params = [{transform_indices = @transform_0, window_bounds = array<i64: 512, 128>}, {transform_indices = @transform_1, window_bounds = array<i64: 512, 128>}, {transform_indices = @transform_2, window_bounds = array<i64: 512, 128>}, {transform_indices = @transform_3, window_bounds = array<i64: 512, 1>}, {pipeline_mode = #tpu.pipeline_mode<synchronous>, transform_indices = @transform_4, window_bounds = array<i64: 128, 128>}, {pipeline_mode = #tpu.pipeline_mode<synchronous>, transform_indices = @transform_5, window_bounds = array<i64: 1, 128>}, {transform_indices = @transform_6, window_bounds = array<i64: 512, 128>}, {pipeline_mode = #tpu.pipeline_mode<synchronous>, transform_indices = @transform_7, window_bounds = array<i64: 8, 128>}]} {
    %get3A = arith.constant 0 : index
    %get3A_0 = arith.constant 0 : index
    %get3A_1 = vector.load %arg1[%get3A, %get3A_0] : memref<512x128xf32, #tpu.memory_space<vmem>>, vector<512x128xf32>
    %get3A_2 = arith.constant 0 : index
    %get3A_3 = arith.constant 0 : index
    %get3A_4 = vector.load %arg2[%get3A_2, %get3A_3] : memref<512x128xf32, #tpu.memory_space<vmem>>, vector<512x128xf32>
    %add3A = arith.addf %get3A_1, %get3A_4 : vector<512x128xf32>
    %get3A_5 = arith.constant 0 : index
    %get3A_6 = arith.constant 0 : index
    %get3A_7 = vector.load %arg3[%get3A_5, %get3A_6] : memref<512x128xf32, #tpu.memory_space<vmem>>, vector<512x128xf32>
    %add3A_8 = arith.addf %add3A, %get3A_7 : vector<512x128xf32>
    %get3A_9 = arith.constant 0 : index
    %get3A_10 = arith.constant 0 : index
    %get3A_11 = vector.load %arg4[%get3A_9, %get3A_10] : memref<512x1xf32, #tpu.memory_space<vmem>>, vector<512x1xf32>
    %mul3A = vector.broadcast %get3A_11 : vector<512x1xf32> to vector<512x128xf32>
    %mul3A_12 = arith.mulf %add3A_8, %mul3A : vector<512x128xf32>
    %get3A_13 = arith.constant 0 : index
    %get3A_14 = arith.constant 0 : index
    %get3A_15 = vector.load %arg5[%get3A_13, %get3A_14] : memref<128x128xf32, #tpu.memory_space<vmem>>, vector<128x128xf32>
    %dot_general3A = arith.constant dense<0.000000e+00> : vector<512x128xf32>
    %dot_general3A_16 = tpu.matmul %mul3A_12, %get3A_15, %dot_general3A {dimension_numbers = #tpu.dot_dimension_numbers<[1], [0], [0], [1], [0, 0, 1, 1], [], []>, transpose_lhs_hint = false} : vector<512x128xf32>, vector<128x128xf32>, vector<512x128xf32> -> vector<512x128xf32>
    %get3A_17 = arith.constant 0 : index
    %get3A_18 = arith.constant 0 : index
    %get3A_19 = vector.load %arg6[%get3A_17, %get3A_18] : memref<1x128xf32, #tpu.memory_space<vmem>>, vector<1x128xf32>
    %add3A_20 = vector.broadcast %get3A_19 : vector<1x128xf32> to vector<512x128xf32>
    %add3A_21 = arith.addf %dot_general3A_16, %add3A_20 : vector<512x128xf32>
    %mul3A_22 = arith.mulf %add3A_21, %add3A_21 : vector<512x128xf32>
    %reduce_sum3A = arith.constant dense<0.000000e+00> : vector<512xf32>
    %reduce_sum3A_23 = vector.multi_reduction <add>, %mul3A_22, %reduce_sum3A [1] : vector<512x128xf32> to vector<512xf32>
    %broadcast_in_dim3A = vector.shape_cast %reduce_sum3A_23 : vector<512xf32> to vector<512x1xf32>
    %sqrt3A = math.sqrt %broadcast_in_dim3A : vector<512x1xf32>
    %max3A = arith.constant 9.99999996E-13 : f32
    %max3A_24 = vector.broadcast %max3A : f32 to vector<512x1xf32>
    %max3A_25 = arith.maximumf %sqrt3A, %max3A_24 : vector<512x1xf32>
    %div3A = vector.broadcast %max3A_25 : vector<512x1xf32> to vector<512x128xf32>
    %div3A_26 = arith.divf %add3A_21, %div3A : vector<512x128xf32>
    %swap3A = arith.constant 0 : index
    %swap3A_27 = arith.constant 0 : index
    %swap3A_28 = vector.load %arg7[%swap3A, %swap3A_27] : memref<512x128xf32, #tpu.memory_space<vmem>>, vector<512x128xf32>
    tpu.vector_store %arg7[%swap3A, %swap3A_27], %div3A_26 {strides = array<i32>} : memref<512x128xf32, #tpu.memory_space<vmem>>, vector<512x128xf32>,
    %eq3A = arith.constant 0 : i32
    %eq3A_29 = arith.cmpi eq, %arg0, %eq3A : i32
    %convert_element_type3A = arith.extui %eq3A_29 : i1 to i32
    %cond3A = arith.constant 0 : i32
    %cond3A_30 = arith.cmpi ne, %convert_element_type3A, %cond3A : i32
    scf.if %cond3A_30 {
      %broadcast_in_dim3A_52 = arith.constant 0.000000e+00 : f32
      %broadcast_in_dim3A_53 = vector.broadcast %broadcast_in_dim3A_52 : f32 to vector<8x128xf32>
      %swap3A_54 = arith.constant 0 : index
      %swap3A_55 = arith.constant 0 : index
      %swap3A_56 = vector.load %arg8[%swap3A_54, %swap3A_55] : memref<8x128xf32, #tpu.memory_space<vmem>>, vector<8x128xf32>
      tpu.vector_store %arg8[%swap3A_54, %swap3A_55], %broadcast_in_dim3A_53 {strides = array<i32>} : memref<8x128xf32, #tpu.memory_space<vmem>>, vector<8x128xf32>,
    } else {
    }
    %mul3A_31 = arith.constant 512 : i32
    %mul3A_32 = arith.muli %arg0, %mul3A_31 : i32
    %sub3A = arith.constant 10000 : i32
    %sub3A_33 = arith.subi %sub3A, %mul3A_32 : i32
    %iota3A = tpu.iota {dimensions = array<i32: 0>} : vector<512x128xi32>
    %lt3A = vector.broadcast %sub3A_33 : i32 to vector<512x128xi32>
    %lt3A_34 = arith.cmpi slt, %iota3A, %lt3A : vector<512x128xi32>
    %jit3A = arith.constant 0.000000e+00 : f32
    %broadcast_in_dim3A_35 = vector.broadcast %jit3A : f32 to vector<512x128xf32>
    %select_n3A = arith.select %lt3A_34, %div3A_26, %broadcast_in_dim3A_35 : vector<512x128xi1>, vector<512x128xf32>
    %reduce_sum3A_36 = arith.constant dense<0.000000e+00> : vector<128xf32>
    %reduce_sum3A_37 = vector.multi_reduction <add>, %select_n3A, %reduce_sum3A_36 [0] : vector<512x128xf32> to vector<128xf32>
    %broadcast_in_dim3A_38 = vector.shape_cast %reduce_sum3A_37 : vector<128xf32> to vector<1x128xf32>
    %mul3A_39 = arith.mulf %select_n3A, %select_n3A : vector<512x128xf32>
    %reduce_sum3A_40 = arith.constant dense<0.000000e+00> : vector<128xf32>
    %reduce_sum3A_41 = vector.multi_reduction <add>, %mul3A_39, %reduce_sum3A_40 [0] : vector<512x128xf32> to vector<128xf32>
    %broadcast_in_dim3A_42 = vector.shape_cast %reduce_sum3A_41 : vector<128xf32> to vector<1x128xf32>
    %broadcast_in_dim3A_43 = arith.constant 0.000000e+00 : f32
    %broadcast_in_dim3A_44 = vector.broadcast %broadcast_in_dim3A_43 : f32 to vector<6x128xf32>
    %concatenate3A = tpu.concatenate %broadcast_in_dim3A_38, %broadcast_in_dim3A_42, %broadcast_in_dim3A_44 in 0 : vector<1x128xf32>, vector<1x128xf32>, vector<6x128xf32> -> vector<8x128xf32>
    %get3A_45 = arith.constant 0 : index
    %get3A_46 = arith.constant 0 : index
    %get3A_47 = vector.load %arg8[%get3A_45, %get3A_46] : memref<8x128xf32, #tpu.memory_space<vmem>>, vector<8x128xf32>
    %add3A_48 = arith.addf %get3A_47, %concatenate3A : vector<8x128xf32>
    %swap3A_49 = arith.constant 0 : index
    %swap3A_50 = arith.constant 0 : index
    %swap3A_51 = vector.load %arg8[%swap3A_49, %swap3A_50] : memref<8x128xf32, #tpu.memory_space<vmem>>, vector<8x128xf32>
    tpu.vector_store %arg8[%swap3A_49, %swap3A_50], %add3A_48 {strides = array<i32>} : memref<8x128xf32, #tpu.memory_space<vmem>>, vector<8x128xf32>,
    return
  }
  func.func @transform_0(%arg0: i32) -> (i32, i32) {
    %c0_i32 = arith.constant 0 : i32
    %c0_i32_0 = arith.constant 0 : i32
    return %arg0, %c0_i32 : i32, i32
  }
  func.func @transform_1(%arg0: i32) -> (i32, i32) {
    %c0_i32 = arith.constant 0 : i32
    %c0_i32_0 = arith.constant 0 : i32
    return %arg0, %c0_i32 : i32, i32
  }
  func.func @transform_2(%arg0: i32) -> (i32, i32) {
    %c0_i32 = arith.constant 0 : i32
    %c0_i32_0 = arith.constant 0 : i32
    return %arg0, %c0_i32 : i32, i32
  }
  func.func @transform_3(%arg0: i32) -> (i32, i32) {
    %c0_i32 = arith.constant 0 : i32
    %c0_i32_0 = arith.constant 0 : i32
    return %arg0, %c0_i32 : i32, i32
  }
  func.func @transform_4(%arg0: i32) -> (i32, i32) {
    %c0_i32 = arith.constant 0 : i32
    %c0_i32_0 = arith.constant 0 : i32
    %c0_i32_1 = arith.constant 0 : i32
    return %c0_i32, %c0_i32_0 : i32, i32
  }
  func.func @transform_5(%arg0: i32) -> (i32, i32) {
    %c0_i32 = arith.constant 0 : i32
    %c0_i32_0 = arith.constant 0 : i32
    %c0_i32_1 = arith.constant 0 : i32
    return %c0_i32, %c0_i32_0 : i32, i32
  }
  func.func @transform_6(%arg0: i32) -> (i32, i32) {
    %c0_i32 = arith.constant 0 : i32
    %c0_i32_0 = arith.constant 0 : i32
    return %arg0, %c0_i32 : i32, i32
  }
  func.func @transform_7(%arg0: i32) -> (i32, i32) {
    %c0_i32 = arith.constant 0 : i32
    %c0_i32_0 = arith.constant 0 : i32
    %c0_i32_1 = arith.constant 0 : i32
    return %c0_i32, %c0_i32_0 : i32, i32
  }
}

module attributes {stable_mosaic.version = 14 : i64} {
  func.func @body(%arg0: i32, %arg1: memref<512x128xf32, #tpu.memory_space<vmem>>, %arg2: memref<8x128xf32, #tpu.memory_space<vmem>>, %arg3: memref<512x128xf32, #tpu.memory_space<vmem>>) attributes {dimension_semantics = [#tpu.dimension_semantics<arbitrary>], iteration_bounds = array<i64: 20>, scalar_prefetch = 0 : i64, scratch_operands = 0 : i64, tpu.core_type = #tpu.core_type<tc>, window_params = [{transform_indices = @transform_0, window_bounds = array<i64: 512, 128>}, {pipeline_mode = #tpu.pipeline_mode<synchronous>, transform_indices = @transform_1, window_bounds = array<i64: 8, 128>}, {transform_indices = @transform_2, window_bounds = array<i64: 512, 128>}]} {
    %get3A = arith.constant 0 : index
    %get3A_0 = arith.constant 0 : index
    %get3A_1 = vector.load %arg2[%get3A, %get3A_0] : memref<8x128xf32, #tpu.memory_space<vmem>>, vector<1x128xf32>
    %get3A_2 = arith.constant 1 : index
    %get3A_3 = arith.constant 0 : index
    %get3A_4 = vector.load %arg2[%get3A_2, %get3A_3] : memref<8x128xf32, #tpu.memory_space<vmem>>, vector<1x128xf32>
    %div3A = arith.constant 1.000000e+04 : f32
    %div3A_5 = vector.broadcast %div3A : f32 to vector<1x128xf32>
    %div3A_6 = arith.divf %get3A_1, %div3A_5 : vector<1x128xf32>
    %mul3A = arith.mulf %get3A_1, %get3A_1 : vector<1x128xf32>
    %div3A_7 = arith.constant 1.000000e+04 : f32
    %div3A_8 = vector.broadcast %div3A_7 : f32 to vector<1x128xf32>
    %div3A_9 = arith.divf %mul3A, %div3A_8 : vector<1x128xf32>
    %sub3A = arith.subf %get3A_4, %div3A_9 : vector<1x128xf32>
    %div3A_10 = arith.constant 9.999000e+03 : f32
    %div3A_11 = vector.broadcast %div3A_10 : f32 to vector<1x128xf32>
    %div3A_12 = arith.divf %sub3A, %div3A_11 : vector<1x128xf32>
    %max3A = arith.constant 0.000000e+00 : f32
    %max3A_13 = vector.broadcast %max3A : f32 to vector<1x128xf32>
    %max3A_14 = arith.maximumf %div3A_12, %max3A_13 : vector<1x128xf32>
    %sqrt3A = math.sqrt %max3A_14 : vector<1x128xf32>
    %get3A_15 = arith.constant 0 : index
    %get3A_16 = arith.constant 0 : index
    %get3A_17 = vector.load %arg1[%get3A_15, %get3A_16] : memref<512x128xf32, #tpu.memory_space<vmem>>, vector<512x128xf32>
    %sub3A_18 = vector.broadcast %div3A_6 : vector<1x128xf32> to vector<512x128xf32>
    %sub3A_19 = arith.subf %get3A_17, %sub3A_18 : vector<512x128xf32>
    %div3A_20 = vector.broadcast %sqrt3A : vector<1x128xf32> to vector<512x128xf32>
    %div3A_21 = arith.divf %sub3A_19, %div3A_20 : vector<512x128xf32>
    %swap3A = arith.constant 0 : index
    %swap3A_22 = arith.constant 0 : index
    %swap3A_23 = vector.load %arg3[%swap3A, %swap3A_22] : memref<512x128xf32, #tpu.memory_space<vmem>>, vector<512x128xf32>
    tpu.vector_store %arg3[%swap3A, %swap3A_22], %div3A_21 {strides = array<i32>} : memref<512x128xf32, #tpu.memory_space<vmem>>, vector<512x128xf32>,
    return
  }
  func.func @transform_0(%arg0: i32) -> (i32, i32) {
    %c0_i32 = arith.constant 0 : i32
    %c0_i32_0 = arith.constant 0 : i32
    return %arg0, %c0_i32 : i32, i32
  }
  func.func @transform_1(%arg0: i32) -> (i32, i32) {
    %c0_i32 = arith.constant 0 : i32
    %c0_i32_0 = arith.constant 0 : i32
    %c0_i32_1 = arith.constant 0 : i32
    return %c0_i32, %c0_i32_0 : i32, i32
  }
  func.func @transform_2(%arg0: i32) -> (i32, i32) {
    %c0_i32 = arith.constant 0 : i32
    %c0_i32_0 = arith.constant 0 : i32
    return %arg0, %c0_i32 : i32, i32
  }
}

</mosaic_0001>

<sc_bundles>
// kernel: kernel.15.cloned.1.call-start
scs
__scs_entry_jumppad:
0x0: {  	(pc) =	sbr.rel $0x88, $3  }
0x1: {  	(tag) =	ssettag $0x0;
	lr =	simm.s32 $0x1  }
0x2: {  	[smem:$0x3F99] =	sst lr;
	_ =	strace $0xD0000000  }
0x3: {  	_ = 	snop  }
0x4: {  	_ = 	snop  }
0x5: {  	_ = 	snop  }
0x6: {  	_ = 	snop  }
0x7: {  	_ = 	snop  }
__scs_overlays_trampoline_lowered:
0x8: {  	[smem:$0x3FA8] =	sst s0  }
0x9: {  	[smem:$0x3FA9] =	sst s1  }
0xa: {  	[smem:$0x3FAA] =	sst s2  }
0xb: {  	[smem:$0x3FAB] =	sst s3  }
0xc: {  	[smem:$0x3FAC] =	sst s4  }
0xd: {  	[smem:$0x3FAD] =	sst s5  }
0xe: {  	[smem:$0x3FAE] =	sst s6  }
0xf: {  	[smem:$0x3FAF] =	sst s7  }
0x10: {  	[smem:$0x3FB0] =	sst s8  }
0x11: {  	[smem:$0x3FB1] =	sst s9;
	s0 =	simm.s32 @!p0 $0x0  }
0x12: {  	s1 =	sld [smem:$0x3F97];
	s0 =	simm.s32 @p0 $0x1  }
0x13: {  	[smem:$0x3FB2] =	sst s0;
	s0 =	simm.s32 @!p1 $0x0  }
0x14: {  	s2 =	sld [smem:$0x3F96];
	s0 =	simm.s32 @p1 $0x1  }
0x15: {  	[smem:$0x3FB3] =	sst s0;
	s0 =	simm.s32 @!p2 $0x0  }
0x16: {  	s3 =	sld [smem:$0x3FDB];
	s0 =	simm.s32 @p2 $0x1  }
0x17: {  	s4 =	simm.s32 $0x1BF5;
	[smem:$0x3FB5] =	sst s0  }
0x18: {  	s0 =	sld [smem:$0x3F98];
	_ =	swait.ge [sflag:s4], $0x0  }
0x19: {  	s7 =	sld [smem:$0x3F99]  }
0x1a: {  	s8 =	sadd.s32 $0xFFFFE003, lr  }
0x1b: {  	s9 =	sadd.s32 $0xFFFFFEF7, lr;
	s5 =	simm.s32 $0xFFFFFFFF;
	p2 =	slt.u32 s8, $0xFFFFF086  }
0x1c: {  	p1 =	slt.u32 s9, $0xF7A;
	s5 =	simm.s32 @!p2 $0x0  }
0x1d: {  	s5 =	simm.s32 @p1 $0x1;
	p0 =	seq.s32 s7, s2  }
0x1e: {  	s7 =	smul.u32 @!p0 $0xF7A, s2;
	p2 =	seq.s32 @!p0 s5, $0x0  }
0x1f: {  	s9 =	smul.u32 $0xF7A, s1;
	s8 =	simm.s32 @!p0 $0x1BF5;
	p2 =	por !p2, p0  }
0x20: {  	[sflag:s8] =	ssyncset.s32 @!p0 $0xFFFFF086;
	s6 =	sadd.s32 @!p0 s3, s7;
	s7 =	simm.s32 @!p0 $0x108  }
0x21: {  	s3 =	sadd.s32 s3, s9;
	s6 =	sadd.s32 @!p0 $0x88, s6;
	s7 =	simm.s32 @p2 $0x1082  }
0x22: {  	[simem:s7], [sflag:s8] =	dma.local @!p0 [hbm:s6], $0xF7A  }
0x23: {  	s9 =	sor.u32 $0xD0000000, s2;
	s6 =	simm.s32 $0x108;
	_ =	swait.ge @!p0 [sflag:s8], $0x0  }
0x24: {  	s3 =	sadd.s32 $0x88, s3;
	s6 =	simm.s32 @!p1 $0x1082;
	[sflag:s4] =	ssyncset.s32 $0xFFFFF086  }
0x25: {  	[simem:s6], [sflag:s4] =	dma.local [hbm:s3], $0xF7A  }
0x26: {  	[smem:$0x3F99] =	sst s1;
	(tag) =	ssettag s2;
	_ =	strace s9  }
0x27: {  	s1 =	sld [smem:$0x3FA9]  }
0x28: {  	s2 =	sld [smem:$0x3FAA]  }
0x29: {  	s4 =	sld [smem:$0x3FAC]  }
0x2a: {  	p0 =	seq.s32 s5, $0x0;
	s5 =	sld [smem:$0x3FAD]  }
0x2b: {  	s6 =	sld [smem:$0x3FAE]  }
0x2c: {  	s7 =	sld [smem:$0x3FAF]  }
0x2d: {  	s3 =	simm.s32 $0x108;
	s8 =	sld [smem:$0x3FB0]  }
0x2e: {  	s3 =	simm.s32 @!p0 $0x1082;
	s9 =	sld [smem:$0x3FB1]  }
0x2f: {  	lr =	sadd.s32 s0, s3;
	s0 =	sld [smem:$0x3FA8]  }
0x30: {  	s3 =	sld [smem:$0x3FAB]  }
0x31: {  	[smem:$0x3FB4] =	sst s10  }
0x32: {  	s10 =	sld [smem:$0x3FB2];
	_ =	sdelay $0x3  }
0x33: {  	p0 =	seq.s32 s10, $0x1;
	s10 =	sld [smem:$0x3FB4];
	_ =	sdelay $0x3  }
0x34: {  	[smem:$0x3FB4] =	sst s10  }
0x35: {  	s10 =	sld [smem:$0x3FB3];
	_ =	sdelay $0x3  }
0x36: {  	p1 =	seq.s32 s10, $0x1;
	s10 =	sld [smem:$0x3FB4];
	_ =	sdelay $0x3  }
0x37: {  	[smem:$0x3FB4] =	sst s10  }
0x38: {  	s10 =	sld [smem:$0x3FB5]  }
0x39: {  	_ = 	snop;
	(pc) =	sbr.ind lr, $3  }
0x3a: {  	_ = 	snop  }
0x3b: {  	_ = 	snop  }
0x3c: {  	p2 =	seq.s32 s10, $0x1;
	s10 =	sld [smem:$0x3FB4]  }
0x3d: {  	_ =	shalt  }
0x3e: {  	_ =	shalt  }
0x3f: {  	_ =	shalt  }
0x40: {  	_ =	shalt  }
0x41: {  	_ =	shalt  }
0x42: {  	_ =	shalt  }
0x43: {  	_ =	shalt  }
0x44: {  	_ =	shalt  }
0x45: {  	_ =	shalt  }
0x46: {  	_ =	shalt  }
0x47: {  	_ =	shalt  }
0x48: {  	_ =	shalt  }
0x49: {  	_ =	shalt  }
0x4a: {  	_ =	shalt  }
0x4b: {  	_ =	shalt  }
0x4c: {  	_ =	shalt  }
0x4d: {  	_ =	shalt  }
0x4e: {  	_ =	shalt  }
0x4f: {  	_ =	shalt  }
0x50: {  	_ =	shalt  }
0x51: {  	_ =	shalt  }
0x52: {  	_ =	shalt  }
0x53: {  	_ =	shalt  }
0x54: {  	_ =	shalt  }
0x55: {  	_ =	shalt  }
0x56: {  	_ =	shalt  }
0x57: {  	_ =	shalt  }
0x58: {  	_ =	shalt  }
0x59: {  	_ =	shalt  }
0x5a: {  	_ =	shalt  }
0x5b: {  	_ =	shalt  }
0x5c: {  	_ =	shalt  }
0x5d: {  	_ =	shalt  }
0x5e: {  	_ =	shalt  }
0x5f: {  	_ =	shalt  }
0x60: {  	_ =	shalt  }
0x61: {  	_ =	shalt  }
0x62: {  	_ =	shalt  }
0x63: {  	_ =	shalt  }
0x64: {  	_ =	shalt  }
0x65: {  	_ =	shalt  }
0x66: {  	_ =	shalt  }
0x67: {  	_ =	shalt  }
0x68: {  	_ =	shalt  }
0x69: {  	_ =	shalt  }
0x6a: {  	_ =	shalt  }
0x6b: {  	_ =	shalt  }
0x6c: {  	_ =	shalt  }
0x6d: {  	_ =	shalt  }
0x6e: {  	_ =	shalt  }
0x6f: {  	_ =	shalt  }
0x70: {  	_ =	shalt  }
0x71: {  	_ =	shalt  }
0x72: {  	_ =	shalt  }
0x73: {  	_ =	shalt  }
0x74: {  	_ =	shalt  }
0x75: {  	_ =	shalt  }
0x76: {  	_ =	shalt  }
0x77: {  	_ =	shalt  }
0x78: {  	_ =	shalt  }
0x79: {  	_ =	shalt  }
0x7a: {  	_ =	shalt  }
0x7b: {  	_ =	shalt  }
0x7c: {  	_ =	shalt  }
0x7d: {  	_ =	shalt  }
0x7e: {  	_ =	shalt  }
0x7f: {  	_ =	shalt  }
0x80: {  	_ =	shalt  }
0x81: {  	_ =	shalt  }
0x82: {  	_ =	shalt  }
0x83: {  	_ =	shalt  }
0x84: {  	_ =	shalt  }
0x85: {  	_ =	shalt  }
0x86: {  	_ =	shalt  }
0x87: {  	_ =	shalt  }
.Lfunc_end0:
.L_simem_size_0:
called_computation_lowered:
.L_overlay_start_0:
0x88: {  	s2 =	sld [smem:$0x3FD9]  }
0x89: {  	s3 =	sld [smem:$0x3FFE];
	_ =	sdelay $0x1  }
0x8a: {  	s1 =	srdreg.scid  }
0x8b: {  	s0 =	sand.u32 $0x1, s1  }
0x8c: {  	s14 =	sshll.u32 s0, $0xA;
	s2 =	sadd.s32 s3, s2  }
0x8d: {  	s2 =	sadd.s32 s2, s14  }
0x8e: {  	[smem:$0x3FC0] =	sst s2  }
0x8f: {  	_ = 	snop  }
0x90: {  	s2 =	sld [smem:$0x3FD0];
	_ =	sdelay $0x2  }
0x91: {  	s15 =	simm.s32 $0xB;
	s4 =	simm.s32 $0x10  }
0x92: {  	[smem:s4], [sflag:s15] =	dma.local [hbm:s2], $0x1  }
0x93: {  	_ =	swait.eq [sflag:s15], $0x1  }
0x94: {  	[sflag:s15] =	ssyncset.done $0x0  }
0x95: {  	s16 =	sld [smem:$0x10];
	[sflag:s15] =	ssyncadd.s32 $0xFFFFFFFF  }
0x96: {  	s17 =	sld [smem:$0x11];
	(tm) =	ssettm $0x1  }
0x97: {  	s18 =	sld [smem:$0x3FFB];
	_ =	sdelay $0x3  }
0x98: {  	_ =	strace s18  }
0x99: {  	s4 =	sld [smem:$0x3FFC];
	_ =	sdelay $0x3  }
0x9a: {  	_ =	strace s4  }
0x9b: {  	s4 =	sld [smem:$0x3FFD];
	_ =	sdelay $0x3  }
0x9c: {  	_ =	strace s4  }
0x9d: {  	_ =	strace $0x8FFFFFFF  }
0x9e: {  	s19 =	sld [smem:$0x3FDB];
	_ =	sdelay $0x1  }
0x9f: {  	s5 =	simm.s32 $_scs_section_size  }
0xa0: {  	s6 =	simm.s32 $_size__tile_overlayer_lowered;
	s7 =	simm.s32 $_tile_overlayer_lowered  }
0xa1: {  	s22 =	simm.s32 $0x1BFF;
	s21 =	sshll.u32 s7, $0x1;
	s4 =	sadd.s32 s5, s19  }
0xa2: {  	s8 =	simm.s32 $0x0;
	s20 =	sshll.u32 s6, $0x1;
	s6 =	sadd.s32 s21, s4  }
0xa3: {  	[timem:s8], [sflag:s22] =	dma.local [hbm:s6], s20  }
0xa4: {  	_ =	swait.ge [sflag:s22], s20  }
0xa5: {  	s5 =	ssub.s32 $0x0, s20;
	[sflag:s22] =	ssyncset.done $0x0  }
0xa6: {  	[sflag:s22] =	ssyncadd.s32 s5;
	_ =	sdelay $0x1  }
0xa7: {  	s23 =	simm.s32 $0x1B8B  }
0xa8: {  	_ =	swait.ge [sflag:s23], $0x1  }
0xa9: {  	[sflag:s23] =	ssyncset.done $0x0  }
0xaa: {  	s25 =	simm.s32 $0x1B8E;
	s24 =	sld [smem:$0x3FFE];
	[sflag:s23] =	ssyncadd.s32 $0xFFFFFFFF  }
0xab: {  	s26 =	simm.s32 $execute0_lowered;
	[smem:$0x3FD2] =	sst s25  }
0xac: {  	s6 =	sshll.u32 s26, $0x1;
	_ =	strace $0x80000046;
	[dreg:$0x1] =	wrdreg $0xFFFFFFFF  }
0xad: {  	s28 =	simm.s32 $_size_execute0_lowered;
	s4 =	sadd.s32 s4, s6;
	[dreg:$0x0] =	wrdreg $0x0  }
0xae: {  	s6 =	sshll.u32 s28, $0x1;
	[dreg:$0x2] =	wrdreg s4  }
0xaf: {  	[dreg:$0x3] =	wrdreg s6  }
0xb0: {  	[dreg:$0x4] =	wrdreg $0xC0  }
0xb1: {  	_ =	task [dreg:s8], $0x5FFFF  }
0xb2: {  	[dreg:$0x1] =	wrdreg $0xFFFFFFFF  }
0xb3: {  	[dreg:$0x0] =	wrdreg $0x60  }
0xb4: {  	[dreg:$0x2] =	wrdreg s16  }
0xb5: {  	[dreg:$0x3] =	wrdreg s17  }
0xb6: {  	[dreg:$0x4] =	wrdreg s24  }
0xb7: {  	[dreg:$0x5] =	wrdreg $0x3800  }
0xb8: {  	[dreg:$0x6] =	wrdreg $0x9  }
0xb9: {  	_ =	task.clear_ibuf [dreg:s8], $0x7FFFF;
	_ =	strace $0x90000046  }
0xba: {  	s29 =	simm.s32 $0x9;
	_ =	strace $0x80000048  }
0xbb: {  	_ =	swait.ge [sflag:s29], $0x1  }
0xbc: {  	[sflag:s29] =	ssyncadd.s32 $0xFFFFFFFF  }
0xbd: {  	_ =	strace $0x90000048  }
0xbe: {  	_ =	sfence  }
0xbf: {  	s30 =	sld [smem:$0x0];
	_ =	sdelay $0x2  }
0xc0: {  	s31 =	sshll.u32 s1, $0xD;
	s1 =	sshrl.u32 s1, $0x2  }
0xc1: {  	s3 =	sand.u32 $0x4000, s31;
	s1 =	sadd.s32 s1, s30  }
0xc2: {  	s0 =	sor.u32 s3, s0;
	s1 =	sshll.u32 s1, $0x11  }
0xc3: {  	s0 =	sor.u32 s1, s0  }
0xc4: {  	s0 =	sadd.s32 $0x8F2B, s0  }
0xc5: {  	[sflag:s0] =	ssyncadd.remote.s32 $0x1  }
0xc6: {  	_ =	sfence.sel $0xFFFF  }
0xc7: {  	[dreg:$0x0] =	wrdreg $0xFFFFFFFF;
	(pc) =	sbr.abs _section_cstart, $3  }
0xc8: {  	[dreg:$0x1] =	wrdreg $0xFFFFFFFF  }
0xc9: {  	_ =	task.clear_ibuf [dreg:s8], $0x2FFFF;
	_ =	strace $0x9FFFFFFF  }
0xca: {  	(tm) =	ssettm $0x7FFFFFFF  }
0xcb: {  	_ =	shalt  }
tec
execute0_lowered:
.L_overlay_start_1:
0x0: {  	(tag) =	ssettag $0x1  }
0x1: {  	s10 =	rddreg [dreg:$0x0]  }
0x2: {  	s9 =	rddreg [dreg:$0x1]  }
0x3: {  	s5 =	rddreg [dreg:$0x2]  }
0x4: {  	s1 =	rddreg [dreg:$0x3]  }
0x5: {  	s0 =	rddreg [dreg:$0x4]  }
0x6: {  	s3 =	simm.s32 $0x0;
	s4 =	srdreg.scid;
	s2 =	stileid.u32  }
0x7: {  	s13 =	simm.s32 $0x80;
	s16 =	simm.s32 $0x0;
	[smem:$0x7FF] =	sst s3  }
0x8: {  	s11 =	sand.u32 $0x1, s4;
	s7 =	smul.u32 $0x280, s2;
	s4 =	sadd.s32 $0x7C00, s5  }
0x9: {  	s12 =	smul.u32 $0x9E0, s2;
	s5 =	sadd.s32 $0x7600, s5;
	s14 =	sshll.u32 s2, $0x6  }
.Ltmp0:
0xa: {  	_ =	strace $0x80000047;
	s6 =	ssub.s32 $0x2, s11;
	(pc) =	sbr.rel .LBB2_1-.Ltmp0, $4  }
0xb: {  	p0 =	sne.s32 s11, $0x0;
	s11 =	simm.s32 $0x100;
	s14 =	sor.u32 $0x1C01, s14  }
0xc: {  	s8 =	sshrl.u32 s6, $0x1;
	s9 =	sadd.s32 s12, s9;
	s10 =	sadd.s32 s12, s10  }
0xd: {  	s12 =	simm.s32 $0x1;
	s8 =	ssub.s32 s6, s8;
	s6 =	sadd.s32 s7, s1  }
0xe: {  	v0 =	vimm.f32 $1.000000000e+00;
	v1 =	vimm.f32 $0.0e+00;
	s7 =	sshrl.u32 s7, $0x3;
	s8 =	smax.u32 s8, $0x1;
	s15 =	sshrl.u32 s6, $0x3  }
.LBB2_7:
0xf: {  	s17 =	sadd.s32 s17, s9;
	[sflag:s12] =	ssyncadd.s32 $0xFFFFFF80  }
0x10: {  	[tilespmem:s3], [sflag:$0x1] =	stream.linear.gather [hbm4b:s17+s3], $0x80, $0x38;
	[tilespmem:$0x600] =	vst v63  }
0x11: {  	_ =	swait.ge [sflag:s12], $0x80  }
0x12: {  	[sflag:s12] =	ssyncset.done $0x0  }
0x13: {  	[sflag:s12] =	ssyncadd.s32 $0xFFFFFF80  }
0x14: {  	[spmem:s1] =	stream.indirect.scatter.add.f32 [tilespmem:s13], [sflag:$0x1], $0x1, s3, s13, $0xb8;
	[tilespmem:$0x600] =	vst v63  }
0x15: {  	_ =	swait.ge [sflag:s12], $0x80  }
0x16: {  	[sflag:s12] =	ssyncset.done $0x0  }
0x17: {  	s17 =	smov.u32 s5;
	[sflag:s12] =	ssyncadd.s32 $0xFFFFFF80  }
.LBB2_8:
0x18: {  	s16 =	sadd.s32 $0x1, s16  }
0x19: {  	p1 =	sne.s32 s16, s8  }
.Ltmp1:
0x1a: {  	s17 =	sadd.s32 s17, s7;
	[bflag:$0x0] =	sbarrier.arrive $0xFFFF;
	(pc) =	sbr.rel @!p1 .LBB2_9-.Ltmp1, $4  }
0x1b: {  	[hbm:s17], [sflag:s14] =	dma.local [spmem:s15], $0x50  }
0x1c: {  	_ =	swait.ge [sflag:s12], $0x50  }
0x1d: {  	[sflag:s12] =	ssyncset.done $0x0  }
0x1e: {  	[sflag:s12] =	ssyncadd.s32 $0xFFFFFFB0  }
.LBB2_1:
0x1f: {  	[tilespmem:$0x80] =	vst v0  }
0x20: {  	[tilespmem:$0x90] =	vst v0  }
0x21: {  	[tilespmem:$0xA0] =	vst v0  }
0x22: {  	[tilespmem:$0xB0] =	vst v0  }
0x23: {  	[tilespmem:$0xC0] =	vst v0  }
0x24: {  	[tilespmem:$0xD0] =	vst v0  }
0x25: {  	[tilespmem:$0xE0] =	vst v0  }
0x26: {  	[tilespmem:$0xF0] =	vst v0  }
0x27: {  	[tilespmem:$0x100] =	vst v1  }
0x28: {  	[tilespmem:$0x110] =	vst v1  }
0x29: {  	[tilespmem:$0x120] =	vst v1  }
0x2a: {  	[tilespmem:$0x130] =	vst v1  }
0x2b: {  	[tilespmem:$0x140] =	vst v1  }
0x2c: {  	[tilespmem:$0x150] =	vst v1  }
0x2d: {  	[tilespmem:$0x160] =	vst v1  }
0x2e: {  	[tilespmem:$0x170] =	vst v1  }
0x2f: {  	[tilespmem:$0x180] =	vst v1  }
0x30: {  	[tilespmem:$0x190] =	vst v1  }
0x31: {  	[tilespmem:$0x1A0] =	vst v1  }
0x32: {  	[tilespmem:$0x1B0] =	vst v1  }
0x33: {  	[tilespmem:$0x1C0] =	vst v1  }
0x34: {  	[tilespmem:$0x1D0] =	vst v1  }
0x35: {  	[tilespmem:$0x1E0] =	vst v1  }
0x36: {  	[tilespmem:$0x1F0] =	vst v1  }
0x37: {  	[tilespmem:$0x200] =	vst v1  }
0x38: {  	[tilespmem:$0x210] =	vst v1  }
0x39: {  	[tilespmem:$0x220] =	vst v1  }
0x3a: {  	[tilespmem:$0x230] =	vst v1  }
0x3b: {  	[tilespmem:$0x240] =	vst v1  }
0x3c: {  	[tilespmem:$0x250] =	vst v1  }
0x3d: {  	[tilespmem:$0x260] =	vst v1  }
0x3e: {  	[tilespmem:$0x270] =	vst v1  }
0x3f: {  	[tilespmem:$0x280] =	vst v1  }
0x40: {  	[tilespmem:$0x290] =	vst v1  }
0x41: {  	[tilespmem:$0x2A0] =	vst v1  }
0x42: {  	[tilespmem:$0x2B0] =	vst v1  }
0x43: {  	[tilespmem:$0x2C0] =	vst v1  }
0x44: {  	[tilespmem:$0x2D0] =	vst v1  }
0x45: {  	[tilespmem:$0x2E0] =	vst v1  }
0x46: {  	[tilespmem:$0x2F0] =	vst v1  }
0x47: {  	[tilespmem:$0x300] =	vst v1  }
0x48: {  	[tilespmem:$0x310] =	vst v1  }
0x49: {  	[tilespmem:$0x320] =	vst v1  }
0x4a: {  	[tilespmem:$0x330] =	vst v1  }
0x4b: {  	[tilespmem:$0x340] =	vst v1  }
0x4c: {  	[tilespmem:$0x350] =	vst v1  }
0x4d: {  	[tilespmem:$0x360] =	vst v1  }
0x4e: {  	[tilespmem:$0x370] =	vst v1  }
0x4f: {  	[spmem:s6] =	stream.linear.scatter [tilespmem:s11], [sflag:$0x1], $0x280, $0x38;
	[tilespmem:$0x600] =	vst v63  }
.Ltmp2:
0x50: {  	_ =	swait.ge [sflag:s12], $0x280;
	(pc) =	sbr.rel @p0 .LBB2_5-.Ltmp2, $3  }
0x51: {  	[sflag:s12] =	ssyncset.done $0x0  }
0x52: {  	[sflag:s12] =	ssyncadd.s32 $0xFFFFFD80  }
0x53: {  	[bflag:$0x0] =	sbarrier.arrive $0xFFFF;
	_ =	sdelay $0x1  }
0x54: {  	s17 =	sadd.s32 $0x0, s10  }
0x55: {  	[tilespmem:s3], [sflag:$0x1] =	stream.linear.gather [hbm4b:s17+s3], $0x80, $0x38;
	[tilespmem:$0x600] =	vst v63  }
0x56: {  	_ =	swait.ge [sflag:s12], $0x80  }
0x57: {  	[sflag:s12] =	ssyncset.done $0x0  }
0x58: {  	[sflag:s12] =	ssyncadd.s32 $0xFFFFFF80  }
0x59: {  	[spmem:s1] =	stream.indirect.scatter.add.f32 [tilespmem:s13], [sflag:$0x1], $0x1, s3, s13, $0xb8;
	[tilespmem:$0x600] =	vst v63  }
0x5a: {  	_ =	swait.ge [sflag:s12], $0x80  }
0x5b: {  	s18 =	simm.s32 $0x20;
	s17 =	simm.s32 $0x10;
	[sflag:s12] =	ssyncset.done $0x0  }
.LBB2_3:
0x5c: {  	s19 =	sadd.s32 s17, s10  }
0x5d: {  	[sflag:s12] =	ssyncadd.s32 $0xFFFFFF80;
	s17 =	smov.u32 s18;
	s20 =	sadd.s32 $0x10, s18  }
0x5e: {  	[tilespmem:s3], [sflag:$0x1] =	stream.linear.gather [hbm4b:s19+s3], $0x80, $0x38;
	[tilespmem:$0x600] =	vst v63  }
0x5f: {  	p1 =	seq.s32 s18, $0x9D0;
	_ =	swait.ge [sflag:s12], $0x80  }
.Ltmp3:
0x60: {  	[sflag:s12] =	ssyncset.done $0x0;
	(pc) =	sbr.rel @!p1 .LBB2_3-.Ltmp3, $4  }
0x61: {  	[sflag:s12] =	ssyncadd.s32 $0xFFFFFF80  }
0x62: {  	[spmem:s1] =	stream.indirect.scatter.add.f32 [tilespmem:s13], [sflag:$0x1], $0x1, s3, s13, $0xb8;
	[tilespmem:$0x600] =	vst v63  }
0x63: {  	_ =	swait.ge [sflag:s12], $0x80  }
0x64: {  	s18 =	smov.u32 s20;
	[sflag:s12] =	ssyncset.done $0x0  }
0x65: {  	s17 =	sadd.s32 s17, s10;
	[sflag:s12] =	ssyncadd.s32 $0xFFFFFF80  }
0x66: {  	[tilespmem:s3], [sflag:$0x1] =	stream.linear.gather [hbm4b:s17+s3], $0x80, $0x38;
	[tilespmem:$0x600] =	vst v63  }
0x67: {  	_ =	swait.ge [sflag:s12], $0x80  }
0x68: {  	[sflag:s12] =	ssyncset.done $0x0  }
.Ltmp4:
0x69: {  	[sflag:s12] =	ssyncadd.s32 $0xFFFFFF80;
	(pc) =	sbr.rel .LBB2_8-.Ltmp4, $4  }
0x6a: {  	[spmem:s1] =	stream.indirect.scatter.add.f32 [tilespmem:s13], [sflag:$0x1], $0x1, s3, s13, $0xb8;
	[tilespmem:$0x600] =	vst v63  }
0x6b: {  	_ =	swait.ge [sflag:s12], $0x80  }
0x6c: {  	[sflag:s12] =	ssyncset.done $0x0  }
0x6d: {  	s17 =	smov.u32 s4;
	[sflag:s12] =	ssyncadd.s32 $0xFFFFFF80  }
.LBB2_5:
0x6e: {  	s17 =	sadd.s32 $0x0, s9  }
0x6f: {  	[tilespmem:s3], [sflag:$0x1] =	stream.linear.gather [hbm4b:s17+s3], $0x80, $0x38;
	[tilespmem:$0x600] =	vst v63  }
0x70: {  	_ =	swait.ge [sflag:s12], $0x80  }
0x71: {  	[sflag:s12] =	ssyncset.done $0x0  }
0x72: {  	[sflag:s12] =	ssyncadd.s32 $0xFFFFFF80  }
0x73: {  	[spmem:s1] =	stream.indirect.scatter.add.f32 [tilespmem:s13], [sflag:$0x1], $0x1, s3, s13, $0xb8;
	[tilespmem:$0x600] =	vst v63  }
0x74: {  	_ =	swait.ge [sflag:s12], $0x80  }
0x75: {  	s18 =	simm.s32 $0x20;
	s17 =	simm.s32 $0x10;
	[sflag:s12] =	ssyncset.done $0x0  }
.LBB2_6:
0x76: {  	s19 =	sadd.s32 s17, s9  }
0x77: {  	[sflag:s12] =	ssyncadd.s32 $0xFFFFFF80;
	s17 =	smov.u32 s18;
	s20 =	sadd.s32 $0x10, s18  }
0x78: {  	[tilespmem:s3], [sflag:$0x1] =	stream.linear.gather [hbm4b:s19+s3], $0x80, $0x38;
	[tilespmem:$0x600] =	vst v63  }
0x79: {  	p1 =	sne.s32 s18, $0x9D0;
	_ =	swait.ge [sflag:s12], $0x80  }
.Ltmp5:
0x7a: {  	[sflag:s12] =	ssyncset.done $0x0;
	(pc) =	sbr.rel @p1 .LBB2_6-.Ltmp5, $4  }
0x7b: {  	[sflag:s12] =	ssyncadd.s32 $0xFFFFFF80  }
0x7c: {  	[spmem:s1] =	stream.indirect.scatter.add.f32 [tilespmem:s13], [sflag:$0x1], $0x1, s3, s13, $0xb8;
	[tilespmem:$0x600] =	vst v63  }
0x7d: {  	_ =	swait.ge [sflag:s12], $0x80  }
0x7e: {  	s18 =	smov.u32 s20;
	[sflag:s12] =	ssyncset.done $0x0  }
.Ltmp6:
0x7f: {  	_ = 	snop;
	(pc) =	sbr.rel .LBB2_7-.Ltmp6, $1  }
0x80: {  	_ =	sdelay $0x3  }
.LBB2_9:
0x81: {  	_ =	sfence.sel $0x180000  }
0x82: {  	[bflag:$0x0] =	sbarrier.arrive $0xFFFF  }
0x83: {  	p0 =	sne.s32 s2, $0x0;
	_ =	strace $0x90000047  }
0x84: {  	s0 =	sadd.s32 @!p0 $0x100000, s0;
	[bflag:$0x2] =	sbarrier.arrive $0xFFFF  }
0x85: {  	[sflag:s0] =	ssyncadd.tile.s32 @!p0 $0x1;
	_ =	shalt  }
.Lfunc_end2:
_tile_overlayer_lowered:
.L_overlay_start_2:
0x86: {  	(tag) =	ssettag $0x2  }
0x87: {  	s0 =	rddreg [dreg:$0x0];
	s2 =	stileid.u32  }
0x88: {  	s1 =	rddreg [dreg:$0x1];
	p0 =	sne.s32 s2, $0x0  }
0x89: {  	s3 =	rddreg [dreg:$0x2];
	[bflag:$0x3] =	sbarrier.arrive $0xFFFF;
	s2 =	simm.s32 @!p0 $0x1C01  }
0x8a: {  	[timem:s3], [sflag:s2] =	dma.local @!p0 [hbm:s0], s1  }
0x8b: {  	s0 =	simm.s32 @!p0 $0x1  }
0x8c: {  	_ =	swait.ge @!p0 [sflag:s0], s1  }
0x8d: {  	s1 =	ssub.s32 @!p0 $0x0, s1;
	[sflag:s0] =	ssyncset.done @!p0 $0x0  }
0x8e: {  	[sflag:s0] =	ssyncadd.s32 @!p0 s1  }
0x8f: {  	[bflag:$0x3] =	sbarrier.arrive $0xFFFF  }
0x90: {  	_ =	shalt  }

// kernel: kernel.18.cloned.1.call-start
scs
__scs_entry_jumppad:
0x0: {  	(pc) =	sbr.rel $0x88, $3  }
0x1: {  	(tag) =	ssettag $0x0;
	lr =	simm.s32 $0x1  }
0x2: {  	[smem:$0x3F99] =	sst lr;
	_ =	strace $0xD0000000  }
0x3: {  	_ = 	snop  }
0x4: {  	_ = 	snop  }
0x5: {  	_ = 	snop  }
0x6: {  	_ = 	snop  }
0x7: {  	_ = 	snop  }
__scs_overlays_trampoline_lowered:
0x8: {  	[smem:$0x3FA8] =	sst s0  }
0x9: {  	[smem:$0x3FA9] =	sst s1  }
0xa: {  	[smem:$0x3FAA] =	sst s2  }
0xb: {  	[smem:$0x3FAB] =	sst s3  }
0xc: {  	[smem:$0x3FAC] =	sst s4  }
0xd: {  	[smem:$0x3FAD] =	sst s5  }
0xe: {  	[smem:$0x3FAE] =	sst s6  }
0xf: {  	[smem:$0x3FAF] =	sst s7  }
0x10: {  	[smem:$0x3FB0] =	sst s8  }
0x11: {  	[smem:$0x3FB1] =	sst s9;
	s0 =	simm.s32 @!p0 $0x0  }
0x12: {  	s1 =	sld [smem:$0x3F97];
	s0 =	simm.s32 @p0 $0x1  }
0x13: {  	[smem:$0x3FB2] =	sst s0;
	s0 =	simm.s32 @!p1 $0x0  }
0x14: {  	s2 =	sld [smem:$0x3F96];
	s0 =	simm.s32 @p1 $0x1  }
0x15: {  	[smem:$0x3FB3] =	sst s0;
	s0 =	simm.s32 @!p2 $0x0  }
0x16: {  	s3 =	sld [smem:$0x3FDB];
	s0 =	simm.s32 @p2 $0x1  }
0x17: {  	s4 =	simm.s32 $0x1BF5;
	[smem:$0x3FB5] =	sst s0  }
0x18: {  	s0 =	sld [smem:$0x3F98];
	_ =	swait.ge [sflag:s4], $0x0  }
0x19: {  	s7 =	sld [smem:$0x3F99]  }
0x1a: {  	s8 =	sadd.s32 $0xFFFFE003, lr  }
0x1b: {  	s9 =	sadd.s32 $0xFFFFFEF7, lr;
	s5 =	simm.s32 $0xFFFFFFFF;
	p2 =	slt.u32 s8, $0xFFFFF086  }
0x1c: {  	p1 =	slt.u32 s9, $0xF7A;
	s5 =	simm.s32 @!p2 $0x0  }
0x1d: {  	s5 =	simm.s32 @p1 $0x1;
	p0 =	seq.s32 s7, s2  }
0x1e: {  	s7 =	smul.u32 @!p0 $0xF7A, s2;
	p2 =	seq.s32 @!p0 s5, $0x0  }
0x1f: {  	s9 =	smul.u32 $0xF7A, s1;
	s8 =	simm.s32 @!p0 $0x1BF5;
	p2 =	por !p2, p0  }
0x20: {  	[sflag:s8] =	ssyncset.s32 @!p0 $0xFFFFF086;
	s6 =	sadd.s32 @!p0 s3, s7;
	s7 =	simm.s32 @!p0 $0x108  }
0x21: {  	s3 =	sadd.s32 s3, s9;
	s6 =	sadd.s32 @!p0 $0x88, s6;
	s7 =	simm.s32 @p2 $0x1082  }
0x22: {  	[simem:s7], [sflag:s8] =	dma.local @!p0 [hbm:s6], $0xF7A  }
0x23: {  	s9 =	sor.u32 $0xD0000000, s2;
	s6 =	simm.s32 $0x108;
	_ =	swait.ge @!p0 [sflag:s8], $0x0  }
0x24: {  	s3 =	sadd.s32 $0x88, s3;
	s6 =	simm.s32 @!p1 $0x1082;
	[sflag:s4] =	ssyncset.s32 $0xFFFFF086  }
0x25: {  	[simem:s6], [sflag:s4] =	dma.local [hbm:s3], $0xF7A  }
0x26: {  	[smem:$0x3F99] =	sst s1;
	(tag) =	ssettag s2;
	_ =	strace s9  }
0x27: {  	s1 =	sld [smem:$0x3FA9]  }
0x28: {  	s2 =	sld [smem:$0x3FAA]  }
0x29: {  	s4 =	sld [smem:$0x3FAC]  }
0x2a: {  	p0 =	seq.s32 s5, $0x0;
	s5 =	sld [smem:$0x3FAD]  }
0x2b: {  	s6 =	sld [smem:$0x3FAE]  }
0x2c: {  	s7 =	sld [smem:$0x3FAF]  }
0x2d: {  	s3 =	simm.s32 $0x108;
	s8 =	sld [smem:$0x3FB0]  }
0x2e: {  	s3 =	simm.s32 @!p0 $0x1082;
	s9 =	sld [smem:$0x3FB1]  }
0x2f: {  	lr =	sadd.s32 s0, s3;
	s0 =	sld [smem:$0x3FA8]  }
0x30: {  	s3 =	sld [smem:$0x3FAB]  }
0x31: {  	[smem:$0x3FB4] =	sst s10  }
0x32: {  	s10 =	sld [smem:$0x3FB2];
	_ =	sdelay $0x3  }
0x33: {  	p0 =	seq.s32 s10, $0x1;
	s10 =	sld [smem:$0x3FB4];
	_ =	sdelay $0x3  }
0x34: {  	[smem:$0x3FB4] =	sst s10  }
0x35: {  	s10 =	sld [smem:$0x3FB3];
	_ =	sdelay $0x3  }
0x36: {  	p1 =	seq.s32 s10, $0x1;
	s10 =	sld [smem:$0x3FB4];
	_ =	sdelay $0x3  }
0x37: {  	[smem:$0x3FB4] =	sst s10  }
0x38: {  	s10 =	sld [smem:$0x3FB5]  }
0x39: {  	_ = 	snop;
	(pc) =	sbr.ind lr, $3  }
0x3a: {  	_ = 	snop  }
0x3b: {  	_ = 	snop  }
0x3c: {  	p2 =	seq.s32 s10, $0x1;
	s10 =	sld [smem:$0x3FB4]  }
0x3d: {  	_ =	shalt  }
0x3e: {  	_ =	shalt  }
0x3f: {  	_ =	shalt  }
0x40: {  	_ =	shalt  }
0x41: {  	_ =	shalt  }
0x42: {  	_ =	shalt  }
0x43: {  	_ =	shalt  }
0x44: {  	_ =	shalt  }
0x45: {  	_ =	shalt  }
0x46: {  	_ =	shalt  }
0x47: {  	_ =	shalt  }
0x48: {  	_ =	shalt  }
0x49: {  	_ =	shalt  }
0x4a: {  	_ =	shalt  }
0x4b: {  	_ =	shalt  }
0x4c: {  	_ =	shalt  }
0x4d: {  	_ =	shalt  }
0x4e: {  	_ =	shalt  }
0x4f: {  	_ =	shalt  }
0x50: {  	_ =	shalt  }
0x51: {  	_ =	shalt  }
0x52: {  	_ =	shalt  }
0x53: {  	_ =	shalt  }
0x54: {  	_ =	shalt  }
0x55: {  	_ =	shalt  }
0x56: {  	_ =	shalt  }
0x57: {  	_ =	shalt  }
0x58: {  	_ =	shalt  }
0x59: {  	_ =	shalt  }
0x5a: {  	_ =	shalt  }
0x5b: {  	_ =	shalt  }
0x5c: {  	_ =	shalt  }
0x5d: {  	_ =	shalt  }
0x5e: {  	_ =	shalt  }
0x5f: {  	_ =	shalt  }
0x60: {  	_ =	shalt  }
0x61: {  	_ =	shalt  }
0x62: {  	_ =	shalt  }
0x63: {  	_ =	shalt  }
0x64: {  	_ =	shalt  }
0x65: {  	_ =	shalt  }
0x66: {  	_ =	shalt  }
0x67: {  	_ =	shalt  }
0x68: {  	_ =	shalt  }
0x69: {  	_ =	shalt  }
0x6a: {  	_ =	shalt  }
0x6b: {  	_ =	shalt  }
0x6c: {  	_ =	shalt  }
0x6d: {  	_ =	shalt  }
0x6e: {  	_ =	shalt  }
0x6f: {  	_ =	shalt  }
0x70: {  	_ =	shalt  }
0x71: {  	_ =	shalt  }
0x72: {  	_ =	shalt  }
0x73: {  	_ =	shalt  }
0x74: {  	_ =	shalt  }
0x75: {  	_ =	shalt  }
0x76: {  	_ =	shalt  }
0x77: {  	_ =	shalt  }
0x78: {  	_ =	shalt  }
0x79: {  	_ =	shalt  }
0x7a: {  	_ =	shalt  }
0x7b: {  	_ =	shalt  }
0x7c: {  	_ =	shalt  }
0x7d: {  	_ =	shalt  }
0x7e: {  	_ =	shalt  }
0x7f: {  	_ =	shalt  }
0x80: {  	_ =	shalt  }
0x81: {  	_ =	shalt  }
0x82: {  	_ =	shalt  }
0x83: {  	_ =	shalt  }
0x84: {  	_ =	shalt  }
0x85: {  	_ =	shalt  }
0x86: {  	_ =	shalt  }
0x87: {  	_ =	shalt  }
.Lfunc_end0:
.L_simem_size_0:
called_computation.1_lowered:
.L_overlay_start_0:
0x88: {  	s2 =	sld [smem:$0x3FD9]  }
0x89: {  	s3 =	sld [smem:$0x3FFE];
	_ =	sdelay $0x1  }
0x8a: {  	s1 =	srdreg.scid  }
0x8b: {  	s0 =	sand.u32 $0x1, s1  }
0x8c: {  	s15 =	sshll.u32 s0, $0xA;
	s2 =	sadd.s32 s3, s2  }
0x8d: {  	s2 =	sadd.s32 s2, s15  }
0x8e: {  	[smem:$0x3FC0] =	sst s2  }
0x8f: {  	_ = 	snop  }
0x90: {  	s2 =	sld [smem:$0x3FD0];
	_ =	sdelay $0x2  }
0x91: {  	s16 =	simm.s32 $0xB;
	s4 =	simm.s32 $0x10  }
0x92: {  	[smem:s4], [sflag:s16] =	dma.local [hbm:s2], $0x1  }
0x93: {  	_ =	swait.eq [sflag:s16], $0x1  }
0x94: {  	[sflag:s16] =	ssyncset.done $0x0  }
0x95: {  	[sflag:s16] =	ssyncadd.s32 $0xFFFFFFFF  }
0x96: {  	s17 =	sld [smem:$0x10];
	(tm) =	ssettm $0x1  }
0x97: {  	s18 =	sld [smem:$0x3FFB];
	_ =	sdelay $0x3  }
0x98: {  	_ =	strace s18  }
0x99: {  	s2 =	sld [smem:$0x3FFC];
	_ =	sdelay $0x3  }
0x9a: {  	_ =	strace s2  }
0x9b: {  	s2 =	sld [smem:$0x3FFD];
	_ =	sdelay $0x3  }
0x9c: {  	_ =	strace s2  }
0x9d: {  	_ =	strace $0x8FFFFFFF  }
0x9e: {  	s19 =	sld [smem:$0x3FDB];
	_ =	sdelay $0x1  }
0x9f: {  	s20 =	simm.s32 $_scs_section_size  }
0xa0: {  	s5 =	simm.s32 $_size__tile_overlayer_lowered;
	s6 =	simm.s32 $_tile_overlayer_lowered  }
0xa1: {  	s7 =	simm.s32 $0x1BFF;
	s21 =	sshll.u32 s6, $0x1;
	s4 =	sadd.s32 s20, s19  }
0xa2: {  	s22 =	simm.s32 $0x0;
	s5 =	sshll.u32 s5, $0x1;
	s6 =	sadd.s32 s21, s4  }
0xa3: {  	[timem:s22], [sflag:s7] =	dma.local [hbm:s6], s5  }
0xa4: {  	_ =	swait.ge [sflag:s7], s5  }
0xa5: {  	s5 =	ssub.s32 $0x0, s5;
	[sflag:s7] =	ssyncset.done $0x0  }
0xa6: {  	[sflag:s7] =	ssyncadd.s32 s5;
	_ =	sdelay $0x1  }
0xa7: {  	s23 =	simm.s32 $0x1B8B  }
0xa8: {  	_ =	swait.ge [sflag:s23], $0x1  }
0xa9: {  	[sflag:s23] =	ssyncset.done $0x0  }
0xaa: {  	[sflag:s23] =	ssyncadd.s32 $0xFFFFFFFF  }
0xab: {  	s5 =	sld [smem:$0x0]  }
0xac: {  	s6 =	sand.u32 $0xFFFFFFFE, s1  }
0xad: {  	p0 =	sne.s32 s1, s6  }
0xae: {  	s6 =	sshll.u32 @p0 s6, $0xE  }
0xaf: {  	s6 =	sadd.s32 @p0 $0x11B8D, s6;
	s7 =	sshll.u32 @p0 s5, $0x11  }
0xb0: {  	s6 =	sor.u32 @p0 s7, s6  }
0xb1: {  	[sflag:s6] =	ssyncadd.remote.s32 @p0 $0x1;
	_ =	sdelay $0x1  }
0xb2: {  	s6 =	simm.s32 @p0 $0x1B8D  }
0xb3: {  	_ =	swait.eq @p0 [sflag:s6], $0x1  }
0xb4: {  	[sflag:s6] =	ssyncadd.s32 @p0 $0xFFFFFFFF  }
0xb5: {  	s7 =	sshll.u32 @!p0 s1, $0xE  }
0xb6: {  	s7 =	sor.u32 @!p0 $0x4000, s7;
	s6 =	simm.s32 @!p0 $0x1B8D  }
0xb7: {  	s5 =	sshll.u32 @!p0 s5, $0x11;
	s7 =	sadd.s32 @!p0 $0x11B8D, s7;
	_ =	swait.eq @!p0 [sflag:s6], $0x1  }
0xb8: {  	s5 =	sor.u32 @!p0 s5, s7;
	[sflag:s6] =	ssyncadd.s32 @!p0 $0xFFFFFFFF  }
0xb9: {  	s25 =	simm.s32 $0x1B8E;
	s24 =	sld [smem:$0x3FFE];
	[sflag:s5] =	ssyncadd.remote.s32 @!p0 $0x1  }
0xba: {  	s26 =	simm.s32 $execute0_lowered;
	[smem:$0x3FD2] =	sst s25  }
0xbb: {  	s6 =	sshll.u32 s26, $0x1;
	_ =	strace $0x8000004C;
	[dreg:$0x1] =	wrdreg $0xFFFFFFFF  }
0xbc: {  	s28 =	simm.s32 $_size_execute0_lowered;
	s4 =	sadd.s32 s4, s6;
	[dreg:$0x0] =	wrdreg $0x0  }
0xbd: {  	s6 =	sshll.u32 s28, $0x1;
	[dreg:$0x2] =	wrdreg s4  }
0xbe: {  	[dreg:$0x3] =	wrdreg s6  }
0xbf: {  	[dreg:$0x4] =	wrdreg $0xC0  }
0xc0: {  	_ =	task [dreg:s22], $0x5FFFF  }
0xc1: {  	[dreg:$0x1] =	wrdreg $0xFFFFFFFF  }
0xc2: {  	[dreg:$0x0] =	wrdreg $0x60  }
0xc3: {  	[dreg:$0x2] =	wrdreg s24  }
0xc4: {  	[dreg:$0x3] =	wrdreg s17  }
0xc5: {  	[dreg:$0x4] =	wrdreg $0x41000  }
0xc6: {  	[dreg:$0x5] =	wrdreg $0x9  }
0xc7: {  	_ =	task.clear_ibuf [dreg:s22], $0x6FFFF;
	_ =	strace $0x9000004C  }
0xc8: {  	s29 =	simm.s32 $0x9;
	_ =	strace $0x8000004E  }
0xc9: {  	_ =	swait.ge [sflag:s29], $0x1  }
0xca: {  	[sflag:s29] =	ssyncadd.s32 $0xFFFFFFFF  }
0xcb: {  	_ =	strace $0x9000004E  }
0xcc: {  	_ =	sfence  }
0xcd: {  	s30 =	sld [smem:$0x0];
	_ =	sdelay $0x2  }
0xce: {  	s31 =	sshll.u32 s1, $0xD;
	s1 =	sshrl.u32 s1, $0x2  }
0xcf: {  	s4 =	sand.u32 $0x4000, s31;
	s1 =	sadd.s32 s1, s30  }
0xd0: {  	s0 =	sor.u32 s4, s0;
	s1 =	sshll.u32 s1, $0x11  }
0xd1: {  	s0 =	sor.u32 s1, s0  }
0xd2: {  	s0 =	sadd.s32 $0x8F2B, s0  }
0xd3: {  	[sflag:s0] =	ssyncadd.remote.s32 $0x1  }
0xd4: {  	_ =	sfence.sel $0xFFFF  }
0xd5: {  	[dreg:$0x0] =	wrdreg $0xFFFFFFFF;
	(pc) =	sbr.abs _section_cstart, $3  }
0xd6: {  	[dreg:$0x1] =	wrdreg $0xFFFFFFFF  }
0xd7: {  	_ =	task.clear_ibuf [dreg:s22], $0x2FFFF;
	_ =	strace $0x9FFFFFFF  }
0xd8: {  	(tm) =	ssettm $0x7FFFFFFF  }
0xd9: {  	_ =	shalt  }
tec
execute0_lowered:
.L_overlay_start_1:
0x0: {  	(tag) =	ssettag $0x1  }
0x1: {  	s11 =	rddreg [dreg:$0x0]  }
0x2: {  	s12 =	rddreg [dreg:$0x1]  }
0x3: {  	s2 =	rddreg [dreg:$0x2]  }
0x4: {  	s0 =	rddreg [dreg:$0x3]  }
0x5: {  	s3 =	simm.s32 $0x0;
	s4 =	srdreg.scid;
	s1 =	stileid.u32  }
0x6: {  	s16 =	simm.s32 $0x133E00;
	s20 =	simm.s32 $0x0;
	s5 =	smul.u32 $0x50000, s1  }
0x7: {  	[smem:$0x7FF] =	sst s3;
	s9 =	sand.u32 $0x1, s4;
	s15 =	smul.u32 $0x2800, s1  }
0x8: {  	s4 =	sadd.s32 $0xBBE00, s11;
	s17 =	smul.u32 $0x4F0, s1;
	s18 =	sshll.u32 s1, $0x6  }
0x9: {  	_ =	strace $0x8000004D;
	s13 =	smul.u32 $0x4F00, s9;
	s6 =	ssub.s32 $0x2, s9  }
0xa: {  	p0 =	seq.s32 s9, $0x1;
	s18 =	sor.u32 $0x1C02, s18;
	s7 =	sshrl.u32 s6, $0x1  }
0xb: {  	s5 =	sshrl.u32 s5, $0x2;
	s16 =	simm.s32 @!p0 $0x10BE00;
	s14 =	sadd.s32 s13, s11  }
0xc: {  	s10 =	ssub.s32 s6, s7;
	s5 =	sadd.s32 s5, s2;
	s11 =	sadd.s32 s16, s11  }
0xd: {  	s12 =	sadd.s32 s13, s12;
	s16 =	simm.s32 $0x80;
	s6 =	sadd.s32 $0x4000, s5  }
0xe: {  	s7 =	sadd.s32 $0x8000, s5;
	s8 =	sadd.s32 $0xC000, s5;
	s9 =	sadd.s32 $0x10000, s5  }
0xf: {  	s10 =	smax.u32 s10, $0x1;
	s11 =	sadd.s32 s11, s15;
	s12 =	sadd.s32 s17, s12  }
0x10: {  	s31 =	sadd.s32 s17, s14;
	s14 =	simm.s32 $0x100;
	s15 =	simm.s32 $0x2  }
0x11: {  	v0 =	vimm.f32 $0.0e+00;
	s17 =	simm.s32 $0x1;
	s19 =	sshrl.u32 s5, $0x3;
	s13 =	sadd.s32 $0xB2000, s31  }
.LBB2_1:
0x12: {  	s21 =	simm.s32 $0x0;
	s22 =	simm.s32 $0x200  }
.LBB2_2:
0x13: {  	p0 =	sne.s32 s22, $0xFE00;
	[tilespmem:s21+$0x170] =	vst v0  }
0x14: {  	[tilespmem:s21+$0x100] =	vst v0  }
0x15: {  	[tilespmem:s21+$0x110] =	vst v0  }
.Ltmp0:
0x16: {  	[tilespmem:s21+$0x120] =	vst v0;
	(pc) =	sbr.rel @p0 .LBB2_2-.Ltmp0, $4  }
0x17: {  	[tilespmem:s21+$0x130] =	vst v0  }
0x18: {  	[tilespmem:s21+$0x140] =	vst v0  }
0x19: {  	[tilespmem:s21+$0x150] =	vst v0  }
0x1a: {  	[tilespmem:s21+$0x160] =	vst v0;
	s21 =	sshra.s32 s22, $0x2;
	s22 =	sadd.s32 $0x200, s22  }
0x1b: {  	[tilespmem:s21+$0x170] =	vst v0  }
0x1c: {  	[tilespmem:s21+$0x100] =	vst v0  }
0x1d: {  	[tilespmem:s21+$0x110] =	vst v0  }
0x1e: {  	[tilespmem:s21+$0x120] =	vst v0  }
0x1f: {  	[tilespmem:s21+$0x130] =	vst v0  }
0x20: {  	[tilespmem:s21+$0x140] =	vst v0  }
0x21: {  	[tilespmem:s21+$0x150] =	vst v0  }
0x22: {  	[tilespmem:s21+$0x160] =	vst v0  }
0x23: {  	[spmem:s5] =	stream.linear.scatter [tilespmem:s14], [sflag:$0x2], $0x4000, $0x38;
	[tilespmem:$0x18100] =	vst v63  }
0x24: {  	_ =	swait.ge [sflag:s15], $0x4000  }
0x25: {  	[sflag:s15] =	ssyncset.done $0x0  }
0x26: {  	[sflag:s15] =	ssyncadd.s32 $0xFFFFC000  }
0x27: {  	[spmem:s6] =	stream.linear.scatter [tilespmem:s14], [sflag:$0x2], $0x4000, $0x38;
	[tilespmem:$0x18100] =	vst v63  }
0x28: {  	_ =	swait.ge [sflag:s15], $0x4000  }
0x29: {  	[sflag:s15] =	ssyncset.done $0x0  }
0x2a: {  	[sflag:s15] =	ssyncadd.s32 $0xFFFFC000  }
0x2b: {  	[spmem:s7] =	stream.linear.scatter [tilespmem:s14], [sflag:$0x2], $0x4000, $0x38;
	[tilespmem:$0x18100] =	vst v63  }
0x2c: {  	_ =	swait.ge [sflag:s15], $0x4000  }
0x2d: {  	[sflag:s15] =	ssyncset.done $0x0  }
0x2e: {  	[sflag:s15] =	ssyncadd.s32 $0xFFFFC000  }
0x2f: {  	[spmem:s8] =	stream.linear.scatter [tilespmem:s14], [sflag:$0x2], $0x4000, $0x38;
	[tilespmem:$0x18100] =	vst v63  }
0x30: {  	_ =	swait.ge [sflag:s15], $0x4000  }
0x31: {  	[sflag:s15] =	ssyncset.done $0x0  }
0x32: {  	[sflag:s15] =	ssyncadd.s32 $0xFFFFC000  }
0x33: {  	[spmem:s9] =	stream.linear.scatter [tilespmem:s14], [sflag:$0x2], $0x4000, $0x38;
	[tilespmem:$0x18100] =	vst v63  }
0x34: {  	_ =	swait.ge [sflag:s15], $0x4000  }
0x35: {  	[sflag:s15] =	ssyncset.done $0x0  }
0x36: {  	[sflag:s15] =	ssyncadd.s32 $0xFFFFC000  }
0x37: {  	s30 =	sadd.s32 $0x0, s13;
	[bflag:$0x0] =	sbarrier.arrive $0xFFFF  }
0x38: {  	[tilespmem:s3], [sflag:$0x2] =	stream.linear.gather [hbm4b:s30+s3], $0x80, $0x38;
	[tilespmem:$0x18100] =	vst v63  }
0x39: {  	_ =	swait.ge [sflag:s15], $0x80  }
0x3a: {  	[sflag:s15] =	ssyncset.done $0x0  }
0x3b: {  	s31 =	sadd.s32 $0x0, s12;
	[sflag:s15] =	ssyncadd.s32 $0xFFFFFF80  }
0x3c: {  	[tilespmem:s16], [sflag:$0x2] =	stream.linear.gather [hbm4b:s31+s3], $0x80, $0x38;
	[tilespmem:$0x18100] =	vst v63  }
0x3d: {  	_ =	swait.ge [sflag:s15], $0x80  }
0x3e: {  	[sflag:s15] =	ssyncset.done $0x0  }
0x3f: {  	[sflag:s15] =	ssyncadd.s32 $0xFFFFFF80  }
0x40: {  	[tilespmem:s14], [sflag:$0x1] =	stream.indirect.gather [hbm4b:s4+s16], $0x80, s3, s16, $0xb8;
	[tilespmem:$0x18100] =	vst v63  }
0x41: {  	_ =	swait.ge [sflag:s17], $0x4000  }
0x42: {  	[sflag:s17] =	ssyncset.done $0x0  }
0x43: {  	[sflag:s17] =	ssyncadd.s32 $0xFFFFC000  }
0x44: {  	[spmem:s2] =	stream.indirect.scatter.add.f32 [tilespmem:s14], [sflag:$0x2], $0x80, s16, s16, $0xb8;
	[tilespmem:$0x18100] =	vst v63  }
0x45: {  	_ =	swait.ge [sflag:s15], $0x4000  }
0x46: {  	s21 =	simm.s32 $0x10;
	s22 =	simm.s32 $0x20;
	[sflag:s15] =	ssyncset.done $0x0  }
.LBB2_4:
0x47: {  	s23 =	sadd.s32 s21, s13  }
0x48: {  	[sflag:s15] =	ssyncadd.s32 $0xFFFFC000;
	s24 =	smov.u32 s22;
	s25 =	sadd.s32 $0x10, s22  }
0x49: {  	[tilespmem:s3], [sflag:$0x2] =	stream.linear.gather [hbm4b:s23+s3], $0x80, $0x38;
	[tilespmem:$0x18100] =	vst v63  }
0x4a: {  	p0 =	sne.s32 s22, $0x4E0;
	_ =	swait.ge [sflag:s15], $0x80  }
0x4b: {  	[sflag:s15] =	ssyncset.done $0x0  }
0x4c: {  	s22 =	sadd.s32 s21, s12;
	s21 =	smov.u32 s24;
	[sflag:s15] =	ssyncadd.s32 $0xFFFFFF80  }
0x4d: {  	[tilespmem:s16], [sflag:$0x2] =	stream.linear.gather [hbm4b:s22+s3], $0x80, $0x38;
	[tilespmem:$0x18100] =	vst v63  }
0x4e: {  	_ =	swait.ge [sflag:s15], $0x80  }
0x4f: {  	[sflag:s15] =	ssyncset.done $0x0  }
0x50: {  	[sflag:s15] =	ssyncadd.s32 $0xFFFFFF80  }
0x51: {  	[tilespmem:s14], [sflag:$0x1] =	stream.indirect.gather [hbm4b:s4+s16], $0x80, s3, s16, $0xb8;
	[tilespmem:$0x18100] =	vst v63  }
0x52: {  	_ =	swait.ge [sflag:s17], $0x4000  }
.Ltmp1:
0x53: {  	[sflag:s17] =	ssyncset.done $0x0;
	(pc) =	sbr.rel @p0 .LBB2_4-.Ltmp1, $4  }
0x54: {  	[sflag:s17] =	ssyncadd.s32 $0xFFFFC000  }
0x55: {  	[spmem:s2] =	stream.indirect.scatter.add.f32 [tilespmem:s14], [sflag:$0x2], $0x80, s16, s16, $0xb8;
	[tilespmem:$0x18100] =	vst v63  }
0x56: {  	_ =	swait.ge [sflag:s15], $0x4000  }
0x57: {  	s22 =	smov.u32 s25;
	[sflag:s15] =	ssyncset.done $0x0  }
0x58: {  	s22 =	sadd.s32 s21, s13;
	[sflag:s15] =	ssyncadd.s32 $0xFFFFC000  }
0x59: {  	[tilespmem:s3], [sflag:$0x2] =	stream.linear.gather [hbm4b:s22+s3], $0x80, $0x38;
	[tilespmem:$0x18100] =	vst v63  }
0x5a: {  	_ =	swait.ge [sflag:s15], $0x80  }
0x5b: {  	[sflag:s15] =	ssyncset.done $0x0  }
0x5c: {  	s31 =	sadd.s32 s21, s12;
	[sflag:s15] =	ssyncadd.s32 $0xFFFFFF80  }
0x5d: {  	[tilespmem:s16], [sflag:$0x2] =	stream.linear.gather [hbm4b:s31+s3], $0x80, $0x38;
	[tilespmem:$0x18100] =	vst v63  }
0x5e: {  	_ =	swait.ge [sflag:s15], $0x80  }
0x5f: {  	[sflag:s15] =	ssyncset.done $0x0  }
0x60: {  	[sflag:s15] =	ssyncadd.s32 $0xFFFFFF80  }
0x61: {  	[tilespmem:s14], [sflag:$0x1] =	stream.indirect.gather [hbm4b:s4+s16], $0x80, s3, s16, $0xb8;
	[tilespmem:$0x18100] =	vst v63  }
0x62: {  	_ =	swait.ge [sflag:s17], $0x4000  }
0x63: {  	[sflag:s17] =	ssyncset.done $0x0  }
0x64: {  	[sflag:s17] =	ssyncadd.s32 $0xFFFFC000  }
0x65: {  	[spmem:s2] =	stream.indirect.scatter.add.f32 [tilespmem:s14], [sflag:$0x2], $0x80, s16, s16, $0xb8;
	[tilespmem:$0x18100] =	vst v63  }
0x66: {  	_ =	swait.ge [sflag:s15], $0x4000  }
0x67: {  	s20 =	sadd.s32 $0x1, s20;
	[sflag:s15] =	ssyncset.done $0x0  }
0x68: {  	p0 =	sne.s32 s20, s10;
	[sflag:s15] =	ssyncadd.s32 $0xFFFFC000  }
.Ltmp2:
0x69: {  	[bflag:$0x0] =	sbarrier.arrive $0xFFFF;
	(pc) =	sbr.rel @p0 .LBB2_1-.Ltmp2, $4  }
0x6a: {  	[hbm:s11], [sflag:s18] =	dma.local [spmem:s19], $0x2800  }
0x6b: {  	_ =	swait.ge [sflag:s15], $0x2800  }
0x6c: {  	[sflag:s15] =	ssyncset.done $0x0  }
0x6d: {  	[sflag:s15] =	ssyncadd.s32 $0xFFFFD800  }
0x6e: {  	_ =	sfence.sel $0x180000  }
0x6f: {  	[bflag:$0x0] =	sbarrier.arrive $0xFFFF  }
0x70: {  	p0 =	sne.s32 s1, $0x0;
	_ =	strace $0x9000004D  }
0x71: {  	s0 =	sadd.s32 @!p0 $0x100000, s0;
	[bflag:$0x2] =	sbarrier.arrive $0xFFFF  }
0x72: {  	[sflag:s0] =	ssyncadd.tile.s32 @!p0 $0x1;
	_ =	shalt  }
.Lfunc_end2:
_tile_overlayer_lowered:
.L_overlay_start_2:
0x73: {  	(tag) =	ssettag $0x2  }
0x74: {  	s0 =	rddreg [dreg:$0x0];
	s2 =	stileid.u32  }
0x75: {  	s1 =	rddreg [dreg:$0x1];
	p0 =	sne.s32 s2, $0x0  }
0x76: {  	s3 =	rddreg [dreg:$0x2];
	[bflag:$0x3] =	sbarrier.arrive $0xFFFF;
	s2 =	simm.s32 @!p0 $0x1C02  }
0x77: {  	[timem:s3], [sflag:s2] =	dma.local @!p0 [hbm:s0], s1  }
0x78: {  	s0 =	simm.s32 @!p0 $0x2  }
0x79: {  	_ =	swait.ge @!p0 [sflag:s0], s1  }
0x7a: {  	s1 =	ssub.s32 @!p0 $0x0, s1;
	[sflag:s0] =	ssyncset.done @!p0 $0x0  }
0x7b: {  	[sflag:s0] =	ssyncadd.s32 @!p0 s1  }
0x7c: {  	[bflag:$0x3] =	sbarrier.arrive $0xFFFF  }
0x7d: {  	_ =	shalt  }

// kernel: kernel.21.cloned.1.call-start
scs
__scs_entry_jumppad:
0x0: {  	(pc) =	sbr.rel $0x88, $3  }
0x1: {  	(tag) =	ssettag $0x0;
	lr =	simm.s32 $0x1  }
0x2: {  	[smem:$0x3F99] =	sst lr;
	_ =	strace $0xD0000000  }
0x3: {  	_ = 	snop  }
0x4: {  	_ = 	snop  }
0x5: {  	_ = 	snop  }
0x6: {  	_ = 	snop  }
0x7: {  	_ = 	snop  }
__scs_overlays_trampoline_lowered:
0x8: {  	[smem:$0x3FA8] =	sst s0  }
0x9: {  	[smem:$0x3FA9] =	sst s1  }
0xa: {  	[smem:$0x3FAA] =	sst s2  }
0xb: {  	[smem:$0x3FAB] =	sst s3  }
0xc: {  	[smem:$0x3FAC] =	sst s4  }
0xd: {  	[smem:$0x3FAD] =	sst s5  }
0xe: {  	[smem:$0x3FAE] =	sst s6  }
0xf: {  	[smem:$0x3FAF] =	sst s7  }
0x10: {  	[smem:$0x3FB0] =	sst s8  }
0x11: {  	[smem:$0x3FB1] =	sst s9;
	s0 =	simm.s32 @!p0 $0x0  }
0x12: {  	s1 =	sld [smem:$0x3F97];
	s0 =	simm.s32 @p0 $0x1  }
0x13: {  	[smem:$0x3FB2] =	sst s0;
	s0 =	simm.s32 @!p1 $0x0  }
0x14: {  	s2 =	sld [smem:$0x3F96];
	s0 =	simm.s32 @p1 $0x1  }
0x15: {  	[smem:$0x3FB3] =	sst s0;
	s0 =	simm.s32 @!p2 $0x0  }
0x16: {  	s3 =	sld [smem:$0x3FDB];
	s0 =	simm.s32 @p2 $0x1  }
0x17: {  	s4 =	simm.s32 $0x1BF5;
	[smem:$0x3FB5] =	sst s0  }
0x18: {  	s0 =	sld [smem:$0x3F98];
	_ =	swait.ge [sflag:s4], $0x0  }
0x19: {  	s7 =	sld [smem:$0x3F99]  }
0x1a: {  	s8 =	sadd.s32 $0xFFFFE003, lr  }
0x1b: {  	s9 =	sadd.s32 $0xFFFFFEF7, lr;
	s5 =	simm.s32 $0xFFFFFFFF;
	p2 =	slt.u32 s8, $0xFFFFF086  }
0x1c: {  	p1 =	slt.u32 s9, $0xF7A;
	s5 =	simm.s32 @!p2 $0x0  }
0x1d: {  	s5 =	simm.s32 @p1 $0x1;
	p0 =	seq.s32 s7, s2  }
0x1e: {  	s7 =	smul.u32 @!p0 $0xF7A, s2;
	p2 =	seq.s32 @!p0 s5, $0x0  }
0x1f: {  	s9 =	smul.u32 $0xF7A, s1;
	s8 =	simm.s32 @!p0 $0x1BF5;
	p2 =	por !p2, p0  }
0x20: {  	[sflag:s8] =	ssyncset.s32 @!p0 $0xFFFFF086;
	s6 =	sadd.s32 @!p0 s3, s7;
	s7 =	simm.s32 @!p0 $0x108  }
0x21: {  	s3 =	sadd.s32 s3, s9;
	s6 =	sadd.s32 @!p0 $0x88, s6;
	s7 =	simm.s32 @p2 $0x1082  }
0x22: {  	[simem:s7], [sflag:s8] =	dma.local @!p0 [hbm:s6], $0xF7A  }
0x23: {  	s9 =	sor.u32 $0xD0000000, s2;
	s6 =	simm.s32 $0x108;
	_ =	swait.ge @!p0 [sflag:s8], $0x0  }
0x24: {  	s3 =	sadd.s32 $0x88, s3;
	s6 =	simm.s32 @!p1 $0x1082;
	[sflag:s4] =	ssyncset.s32 $0xFFFFF086  }
0x25: {  	[simem:s6], [sflag:s4] =	dma.local [hbm:s3], $0xF7A  }
0x26: {  	[smem:$0x3F99] =	sst s1;
	(tag) =	ssettag s2;
	_ =	strace s9  }
0x27: {  	s1 =	sld [smem:$0x3FA9]  }
0x28: {  	s2 =	sld [smem:$0x3FAA]  }
0x29: {  	s4 =	sld [smem:$0x3FAC]  }
0x2a: {  	p0 =	seq.s32 s5, $0x0;
	s5 =	sld [smem:$0x3FAD]  }
0x2b: {  	s6 =	sld [smem:$0x3FAE]  }
0x2c: {  	s7 =	sld [smem:$0x3FAF]  }
0x2d: {  	s3 =	simm.s32 $0x108;
	s8 =	sld [smem:$0x3FB0]  }
0x2e: {  	s3 =	simm.s32 @!p0 $0x1082;
	s9 =	sld [smem:$0x3FB1]  }
0x2f: {  	lr =	sadd.s32 s0, s3;
	s0 =	sld [smem:$0x3FA8]  }
0x30: {  	s3 =	sld [smem:$0x3FAB]  }
0x31: {  	[smem:$0x3FB4] =	sst s10  }
0x32: {  	s10 =	sld [smem:$0x3FB2];
	_ =	sdelay $0x3  }
0x33: {  	p0 =	seq.s32 s10, $0x1;
	s10 =	sld [smem:$0x3FB4];
	_ =	sdelay $0x3  }
0x34: {  	[smem:$0x3FB4] =	sst s10  }
0x35: {  	s10 =	sld [smem:$0x3FB3];
	_ =	sdelay $0x3  }
0x36: {  	p1 =	seq.s32 s10, $0x1;
	s10 =	sld [smem:$0x3FB4];
	_ =	sdelay $0x3  }
0x37: {  	[smem:$0x3FB4] =	sst s10  }
0x38: {  	s10 =	sld [smem:$0x3FB5]  }
0x39: {  	_ = 	snop;
	(pc) =	sbr.ind lr, $3  }
0x3a: {  	_ = 	snop  }
0x3b: {  	_ = 	snop  }
0x3c: {  	p2 =	seq.s32 s10, $0x1;
	s10 =	sld [smem:$0x3FB4]  }
0x3d: {  	_ =	shalt  }
0x3e: {  	_ =	shalt  }
0x3f: {  	_ =	shalt  }
0x40: {  	_ =	shalt  }
0x41: {  	_ =	shalt  }
0x42: {  	_ =	shalt  }
0x43: {  	_ =	shalt  }
0x44: {  	_ =	shalt  }
0x45: {  	_ =	shalt  }
0x46: {  	_ =	shalt  }
0x47: {  	_ =	shalt  }
0x48: {  	_ =	shalt  }
0x49: {  	_ =	shalt  }
0x4a: {  	_ =	shalt  }
0x4b: {  	_ =	shalt  }
0x4c: {  	_ =	shalt  }
0x4d: {  	_ =	shalt  }
0x4e: {  	_ =	shalt  }
0x4f: {  	_ =	shalt  }
0x50: {  	_ =	shalt  }
0x51: {  	_ =	shalt  }
0x52: {  	_ =	shalt  }
0x53: {  	_ =	shalt  }
0x54: {  	_ =	shalt  }
0x55: {  	_ =	shalt  }
0x56: {  	_ =	shalt  }
0x57: {  	_ =	shalt  }
0x58: {  	_ =	shalt  }
0x59: {  	_ =	shalt  }
0x5a: {  	_ =	shalt  }
0x5b: {  	_ =	shalt  }
0x5c: {  	_ =	shalt  }
0x5d: {  	_ =	shalt  }
0x5e: {  	_ =	shalt  }
0x5f: {  	_ =	shalt  }
0x60: {  	_ =	shalt  }
0x61: {  	_ =	shalt  }
0x62: {  	_ =	shalt  }
0x63: {  	_ =	shalt  }
0x64: {  	_ =	shalt  }
0x65: {  	_ =	shalt  }
0x66: {  	_ =	shalt  }
0x67: {  	_ =	shalt  }
0x68: {  	_ =	shalt  }
0x69: {  	_ =	shalt  }
0x6a: {  	_ =	shalt  }
0x6b: {  	_ =	shalt  }
0x6c: {  	_ =	shalt  }
0x6d: {  	_ =	shalt  }
0x6e: {  	_ =	shalt  }
0x6f: {  	_ =	shalt  }
0x70: {  	_ =	shalt  }
0x71: {  	_ =	shalt  }
0x72: {  	_ =	shalt  }
0x73: {  	_ =	shalt  }
0x74: {  	_ =	shalt  }
0x75: {  	_ =	shalt  }
0x76: {  	_ =	shalt  }
0x77: {  	_ =	shalt  }
0x78: {  	_ =	shalt  }
0x79: {  	_ =	shalt  }
0x7a: {  	_ =	shalt  }
0x7b: {  	_ =	shalt  }
0x7c: {  	_ =	shalt  }
0x7d: {  	_ =	shalt  }
0x7e: {  	_ =	shalt  }
0x7f: {  	_ =	shalt  }
0x80: {  	_ =	shalt  }
0x81: {  	_ =	shalt  }
0x82: {  	_ =	shalt  }
0x83: {  	_ =	shalt  }
0x84: {  	_ =	shalt  }
0x85: {  	_ =	shalt  }
0x86: {  	_ =	shalt  }
0x87: {  	_ =	shalt  }
.Lfunc_end0:
.L_simem_size_0:
called_computation.2_lowered:
.L_overlay_start_0:
0x88: {  	s2 =	sld [smem:$0x3FD9]  }
0x89: {  	s3 =	sld [smem:$0x3FFE];
	_ =	sdelay $0x1  }
0x8a: {  	s1 =	srdreg.scid  }
0x8b: {  	s0 =	sand.u32 $0x1, s1  }
0x8c: {  	s15 =	sshll.u32 s0, $0xA;
	s2 =	sadd.s32 s3, s2  }
0x8d: {  	s2 =	sadd.s32 s2, s15  }
0x8e: {  	[smem:$0x3FC0] =	sst s2  }
0x8f: {  	_ = 	snop  }
0x90: {  	s2 =	sld [smem:$0x3FD0];
	_ =	sdelay $0x2  }
0x91: {  	s16 =	simm.s32 $0xB;
	s4 =	simm.s32 $0x10  }
0x92: {  	[smem:s4], [sflag:s16] =	dma.local [hbm:s2], $0x1  }
0x93: {  	_ =	swait.eq [sflag:s16], $0x1  }
0x94: {  	[sflag:s16] =	ssyncset.done $0x0  }
0x95: {  	[sflag:s16] =	ssyncadd.s32 $0xFFFFFFFF  }
0x96: {  	s17 =	sld [smem:$0x10];
	(tm) =	ssettm $0x1  }
0x97: {  	s18 =	sld [smem:$0x3FFB];
	_ =	sdelay $0x3  }
0x98: {  	_ =	strace s18  }
0x99: {  	s2 =	sld [smem:$0x3FFC];
	_ =	sdelay $0x3  }
0x9a: {  	_ =	strace s2  }
0x9b: {  	s2 =	sld [smem:$0x3FFD];
	_ =	sdelay $0x3  }
0x9c: {  	_ =	strace s2  }
0x9d: {  	_ =	strace $0x8FFFFFFF  }
0x9e: {  	s19 =	sld [smem:$0x3FDB];
	_ =	sdelay $0x1  }
0x9f: {  	s20 =	simm.s32 $_scs_section_size  }
0xa0: {  	s5 =	simm.s32 $_size__tile_overlayer_lowered;
	s6 =	simm.s32 $_tile_overlayer_lowered  }
0xa1: {  	s7 =	simm.s32 $0x1BFF;
	s21 =	sshll.u32 s6, $0x1;
	s4 =	sadd.s32 s20, s19  }
0xa2: {  	s22 =	simm.s32 $0x0;
	s5 =	sshll.u32 s5, $0x1;
	s6 =	sadd.s32 s21, s4  }
0xa3: {  	[timem:s22], [sflag:s7] =	dma.local [hbm:s6], s5  }
0xa4: {  	_ =	swait.ge [sflag:s7], s5  }
0xa5: {  	s5 =	ssub.s32 $0x0, s5;
	[sflag:s7] =	ssyncset.done $0x0  }
0xa6: {  	[sflag:s7] =	ssyncadd.s32 s5;
	_ =	sdelay $0x1  }
0xa7: {  	s23 =	simm.s32 $0x1B8B  }
0xa8: {  	_ =	swait.ge [sflag:s23], $0x1  }
0xa9: {  	[sflag:s23] =	ssyncset.done $0x0  }
0xaa: {  	[sflag:s23] =	ssyncadd.s32 $0xFFFFFFFF  }
0xab: {  	s5 =	sld [smem:$0x0]  }
0xac: {  	s6 =	sand.u32 $0xFFFFFFFE, s1  }
0xad: {  	p0 =	sne.s32 s1, s6  }
0xae: {  	s6 =	sshll.u32 @p0 s6, $0xE  }
0xaf: {  	s6 =	sadd.s32 @p0 $0x11B8D, s6;
	s7 =	sshll.u32 @p0 s5, $0x11  }
0xb0: {  	s6 =	sor.u32 @p0 s7, s6  }
0xb1: {  	[sflag:s6] =	ssyncadd.remote.s32 @p0 $0x1;
	_ =	sdelay $0x1  }
0xb2: {  	s6 =	simm.s32 @p0 $0x1B8D  }
0xb3: {  	_ =	swait.eq @p0 [sflag:s6], $0x1  }
0xb4: {  	[sflag:s6] =	ssyncadd.s32 @p0 $0xFFFFFFFF  }
0xb5: {  	s7 =	sshll.u32 @!p0 s1, $0xE  }
0xb6: {  	s7 =	sor.u32 @!p0 $0x4000, s7;
	s6 =	simm.s32 @!p0 $0x1B8D  }
0xb7: {  	s5 =	sshll.u32 @!p0 s5, $0x11;
	s7 =	sadd.s32 @!p0 $0x11B8D, s7;
	_ =	swait.eq @!p0 [sflag:s6], $0x1  }
0xb8: {  	s5 =	sor.u32 @!p0 s5, s7;
	[sflag:s6] =	ssyncadd.s32 @!p0 $0xFFFFFFFF  }
0xb9: {  	s25 =	simm.s32 $0x1B8E;
	s24 =	sld [smem:$0x3FFE];
	[sflag:s5] =	ssyncadd.remote.s32 @!p0 $0x1  }
0xba: {  	s26 =	simm.s32 $execute0_lowered;
	[smem:$0x3FD2] =	sst s25  }
0xbb: {  	s6 =	sshll.u32 s26, $0x1;
	_ =	strace $0x80000052;
	[dreg:$0x1] =	wrdreg $0xFFFFFFFF  }
0xbc: {  	s28 =	simm.s32 $_size_execute0_lowered;
	s4 =	sadd.s32 s4, s6;
	[dreg:$0x0] =	wrdreg $0x0  }
0xbd: {  	s6 =	sshll.u32 s28, $0x1;
	[dreg:$0x2] =	wrdreg s4  }
0xbe: {  	[dreg:$0x3] =	wrdreg s6  }
0xbf: {  	[dreg:$0x4] =	wrdreg $0xC0  }
0xc0: {  	_ =	task [dreg:s22], $0x5FFFF  }
0xc1: {  	[dreg:$0x1] =	wrdreg $0xFFFFFFFF  }
0xc2: {  	[dreg:$0x0] =	wrdreg $0x60  }
0xc3: {  	[dreg:$0x2] =	wrdreg s24  }
0xc4: {  	[dreg:$0x3] =	wrdreg s17  }
0xc5: {  	[dreg:$0x4] =	wrdreg $0x41000  }
0xc6: {  	[dreg:$0x5] =	wrdreg $0x9  }
0xc7: {  	_ =	task.clear_ibuf [dreg:s22], $0x6FFFF;
	_ =	strace $0x90000052  }
0xc8: {  	s29 =	simm.s32 $0x9;
	_ =	strace $0x80000054  }
0xc9: {  	_ =	swait.ge [sflag:s29], $0x1  }
0xca: {  	[sflag:s29] =	ssyncadd.s32 $0xFFFFFFFF  }
0xcb: {  	_ =	strace $0x90000054  }
0xcc: {  	_ =	sfence  }
0xcd: {  	s30 =	sld [smem:$0x0];
	_ =	sdelay $0x2  }
0xce: {  	s31 =	sshll.u32 s1, $0xD;
	s1 =	sshrl.u32 s1, $0x2  }
0xcf: {  	s4 =	sand.u32 $0x4000, s31;
	s1 =	sadd.s32 s1, s30  }
0xd0: {  	s0 =	sor.u32 s4, s0;
	s1 =	sshll.u32 s1, $0x11  }
0xd1: {  	s0 =	sor.u32 s1, s0  }
0xd2: {  	s0 =	sadd.s32 $0x8F2B, s0  }
0xd3: {  	[sflag:s0] =	ssyncadd.remote.s32 $0x1  }
0xd4: {  	_ =	sfence.sel $0xFFFF  }
0xd5: {  	[dreg:$0x0] =	wrdreg $0xFFFFFFFF;
	(pc) =	sbr.abs _section_cstart, $3  }
0xd6: {  	[dreg:$0x1] =	wrdreg $0xFFFFFFFF  }
0xd7: {  	_ =	task.clear_ibuf [dreg:s22], $0x2FFFF;
	_ =	strace $0x9FFFFFFF  }
0xd8: {  	(tm) =	ssettm $0x7FFFFFFF  }
0xd9: {  	_ =	shalt  }
tec
execute0_lowered:
.L_overlay_start_1:
0x0: {  	(tag) =	ssettag $0x1  }
0x1: {  	s11 =	rddreg [dreg:$0x0]  }
0x2: {  	s12 =	rddreg [dreg:$0x1]  }
0x3: {  	s2 =	rddreg [dreg:$0x2]  }
0x4: {  	s0 =	rddreg [dreg:$0x3]  }
0x5: {  	s3 =	simm.s32 $0x0;
	s4 =	srdreg.scid;
	s1 =	stileid.u32  }
0x6: {  	s16 =	simm.s32 $0x133E00;
	s20 =	simm.s32 $0x0;
	s5 =	smul.u32 $0x50000, s1  }
0x7: {  	[smem:$0x7FF] =	sst s3;
	s9 =	sand.u32 $0x1, s4;
	s15 =	smul.u32 $0x2800, s1  }
0x8: {  	s4 =	sadd.s32 $0xBBE00, s11;
	s17 =	smul.u32 $0x4F0, s1;
	s18 =	sshll.u32 s1, $0x6  }
0x9: {  	_ =	strace $0x80000053;
	s13 =	smul.u32 $0x4F00, s9;
	s6 =	ssub.s32 $0x2, s9  }
0xa: {  	p0 =	seq.s32 s9, $0x1;
	s18 =	sor.u32 $0x1C02, s18;
	s7 =	sshrl.u32 s6, $0x1  }
0xb: {  	s5 =	sshrl.u32 s5, $0x2;
	s16 =	simm.s32 @!p0 $0x10BE00;
	s14 =	sadd.s32 s13, s11  }
0xc: {  	s10 =	ssub.s32 s6, s7;
	s5 =	sadd.s32 s5, s2;
	s11 =	sadd.s32 s16, s11  }
0xd: {  	s12 =	sadd.s32 s13, s12;
	s16 =	simm.s32 $0x80;
	s6 =	sadd.s32 $0x4000, s5  }
0xe: {  	s7 =	sadd.s32 $0x8000, s5;
	s8 =	sadd.s32 $0xC000, s5;
	s9 =	sadd.s32 $0x10000, s5  }
0xf: {  	s10 =	smax.u32 s10, $0x1;
	s11 =	sadd.s32 s11, s15;
	s12 =	sadd.s32 s17, s12  }
0x10: {  	s31 =	sadd.s32 s17, s14;
	s14 =	simm.s32 $0x100;
	s15 =	simm.s32 $0x2  }
0x11: {  	v0 =	vimm.f32 $0.0e+00;
	s17 =	simm.s32 $0x1;
	s19 =	sshrl.u32 s5, $0x3;
	s13 =	sadd.s32 $0xB2000, s31  }
.LBB2_1:
0x12: {  	s21 =	simm.s32 $0x0;
	s22 =	simm.s32 $0x200  }
.LBB2_2:
0x13: {  	p0 =	sne.s32 s22, $0xFE00;
	[tilespmem:s21+$0x170] =	vst v0  }
0x14: {  	[tilespmem:s21+$0x100] =	vst v0  }
0x15: {  	[tilespmem:s21+$0x110] =	vst v0  }
.Ltmp0:
0x16: {  	[tilespmem:s21+$0x120] =	vst v0;
	(pc) =	sbr.rel @p0 .LBB2_2-.Ltmp0, $4  }
0x17: {  	[tilespmem:s21+$0x130] =	vst v0  }
0x18: {  	[tilespmem:s21+$0x140] =	vst v0  }
0x19: {  	[tilespmem:s21+$0x150] =	vst v0  }
0x1a: {  	[tilespmem:s21+$0x160] =	vst v0;
	s21 =	sshra.s32 s22, $0x2;
	s22 =	sadd.s32 $0x200, s22  }
0x1b: {  	[tilespmem:s21+$0x170] =	vst v0  }
0x1c: {  	[tilespmem:s21+$0x100] =	vst v0  }
0x1d: {  	[tilespmem:s21+$0x110] =	vst v0  }
0x1e: {  	[tilespmem:s21+$0x120] =	vst v0  }
0x1f: {  	[tilespmem:s21+$0x130] =	vst v0  }
0x20: {  	[tilespmem:s21+$0x140] =	vst v0  }
0x21: {  	[tilespmem:s21+$0x150] =	vst v0  }
0x22: {  	[tilespmem:s21+$0x160] =	vst v0  }
0x23: {  	[spmem:s5] =	stream.linear.scatter [tilespmem:s14], [sflag:$0x2], $0x4000, $0x38;
	[tilespmem:$0x18100] =	vst v63  }
0x24: {  	_ =	swait.ge [sflag:s15], $0x4000  }
0x25: {  	[sflag:s15] =	ssyncset.done $0x0  }
0x26: {  	[sflag:s15] =	ssyncadd.s32 $0xFFFFC000  }
0x27: {  	[spmem:s6] =	stream.linear.scatter [tilespmem:s14], [sflag:$0x2], $0x4000, $0x38;
	[tilespmem:$0x18100] =	vst v63  }
0x28: {  	_ =	swait.ge [sflag:s15], $0x4000  }
0x29: {  	[sflag:s15] =	ssyncset.done $0x0  }
0x2a: {  	[sflag:s15] =	ssyncadd.s32 $0xFFFFC000  }
0x2b: {  	[spmem:s7] =	stream.linear.scatter [tilespmem:s14], [sflag:$0x2], $0x4000, $0x38;
	[tilespmem:$0x18100] =	vst v63  }
0x2c: {  	_ =	swait.ge [sflag:s15], $0x4000  }
0x2d: {  	[sflag:s15] =	ssyncset.done $0x0  }
0x2e: {  	[sflag:s15] =	ssyncadd.s32 $0xFFFFC000  }
0x2f: {  	[spmem:s8] =	stream.linear.scatter [tilespmem:s14], [sflag:$0x2], $0x4000, $0x38;
	[tilespmem:$0x18100] =	vst v63  }
0x30: {  	_ =	swait.ge [sflag:s15], $0x4000  }
0x31: {  	[sflag:s15] =	ssyncset.done $0x0  }
0x32: {  	[sflag:s15] =	ssyncadd.s32 $0xFFFFC000  }
0x33: {  	[spmem:s9] =	stream.linear.scatter [tilespmem:s14], [sflag:$0x2], $0x4000, $0x38;
	[tilespmem:$0x18100] =	vst v63  }
0x34: {  	_ =	swait.ge [sflag:s15], $0x4000  }
0x35: {  	[sflag:s15] =	ssyncset.done $0x0  }
0x36: {  	[sflag:s15] =	ssyncadd.s32 $0xFFFFC000  }
0x37: {  	s30 =	sadd.s32 $0x0, s13;
	[bflag:$0x0] =	sbarrier.arrive $0xFFFF  }
0x38: {  	[tilespmem:s3], [sflag:$0x2] =	stream.linear.gather [hbm4b:s30+s3], $0x80, $0x38;
	[tilespmem:$0x18100] =	vst v63  }
0x39: {  	_ =	swait.ge [sflag:s15], $0x80  }
0x3a: {  	[sflag:s15] =	ssyncset.done $0x0  }
0x3b: {  	s31 =	sadd.s32 $0x0, s12;
	[sflag:s15] =	ssyncadd.s32 $0xFFFFFF80  }
0x3c: {  	[tilespmem:s16], [sflag:$0x2] =	stream.linear.gather [hbm4b:s31+s3], $0x80, $0x38;
	[tilespmem:$0x18100] =	vst v63  }
0x3d: {  	_ =	swait.ge [sflag:s15], $0x80  }
0x3e: {  	[sflag:s15] =	ssyncset.done $0x0  }
0x3f: {  	[sflag:s15] =	ssyncadd.s32 $0xFFFFFF80  }
0x40: {  	[tilespmem:s14], [sflag:$0x1] =	stream.indirect.gather [hbm4b:s4+s16], $0x80, s3, s16, $0xb8;
	[tilespmem:$0x18100] =	vst v63  }
0x41: {  	_ =	swait.ge [sflag:s17], $0x4000  }
0x42: {  	[sflag:s17] =	ssyncset.done $0x0  }
0x43: {  	[sflag:s17] =	ssyncadd.s32 $0xFFFFC000  }
0x44: {  	[spmem:s2] =	stream.indirect.scatter.add.f32 [tilespmem:s14], [sflag:$0x2], $0x80, s16, s16, $0xb8;
	[tilespmem:$0x18100] =	vst v63  }
0x45: {  	_ =	swait.ge [sflag:s15], $0x4000  }
0x46: {  	s21 =	simm.s32 $0x10;
	s22 =	simm.s32 $0x20;
	[sflag:s15] =	ssyncset.done $0x0  }
.LBB2_4:
0x47: {  	s23 =	sadd.s32 s21, s13  }
0x48: {  	[sflag:s15] =	ssyncadd.s32 $0xFFFFC000;
	s24 =	smov.u32 s22;
	s25 =	sadd.s32 $0x10, s22  }
0x49: {  	[tilespmem:s3], [sflag:$0x2] =	stream.linear.gather [hbm4b:s23+s3], $0x80, $0x38;
	[tilespmem:$0x18100] =	vst v63  }
0x4a: {  	p0 =	sne.s32 s22, $0x4E0;
	_ =	swait.ge [sflag:s15], $0x80  }
0x4b: {  	[sflag:s15] =	ssyncset.done $0x0  }
0x4c: {  	s22 =	sadd.s32 s21, s12;
	s21 =	smov.u32 s24;
	[sflag:s15] =	ssyncadd.s32 $0xFFFFFF80  }
0x4d: {  	[tilespmem:s16], [sflag:$0x2] =	stream.linear.gather [hbm4b:s22+s3], $0x80, $0x38;
	[tilespmem:$0x18100] =	vst v63  }
0x4e: {  	_ =	swait.ge [sflag:s15], $0x80  }
0x4f: {  	[sflag:s15] =	ssyncset.done $0x0  }
0x50: {  	[sflag:s15] =	ssyncadd.s32 $0xFFFFFF80  }
0x51: {  	[tilespmem:s14], [sflag:$0x1] =	stream.indirect.gather [hbm4b:s4+s16], $0x80, s3, s16, $0xb8;
	[tilespmem:$0x18100] =	vst v63  }
0x52: {  	_ =	swait.ge [sflag:s17], $0x4000  }
.Ltmp1:
0x53: {  	[sflag:s17] =	ssyncset.done $0x0;
	(pc) =	sbr.rel @p0 .LBB2_4-.Ltmp1, $4  }
0x54: {  	[sflag:s17] =	ssyncadd.s32 $0xFFFFC000  }
0x55: {  	[spmem:s2] =	stream.indirect.scatter.add.f32 [tilespmem:s14], [sflag:$0x2], $0x80, s16, s16, $0xb8;
	[tilespmem:$0x18100] =	vst v63  }
0x56: {  	_ =	swait.ge [sflag:s15], $0x4000  }
0x57: {  	s22 =	smov.u32 s25;
	[sflag:s15] =	ssyncset.done $0x0  }
0x58: {  	s22 =	sadd.s32 s21, s13;
	[sflag:s15] =	ssyncadd.s32 $0xFFFFC000  }
0x59: {  	[tilespmem:s3], [sflag:$0x2] =	stream.linear.gather [hbm4b:s22+s3], $0x80, $0x38;
	[tilespmem:$0x18100] =	vst v63  }
0x5a: {  	_ =	swait.ge [sflag:s15], $0x80  }
0x5b: {  	[sflag:s15] =	ssyncset.done $0x0  }
0x5c: {  	s31 =	sadd.s32 s21, s12;
	[sflag:s15] =	ssyncadd.s32 $0xFFFFFF80  }
0x5d: {  	[tilespmem:s16], [sflag:$0x2] =	stream.linear.gather [hbm4b:s31+s3], $0x80, $0x38;
	[tilespmem:$0x18100] =	vst v63  }
0x5e: {  	_ =	swait.ge [sflag:s15], $0x80  }
0x5f: {  	[sflag:s15] =	ssyncset.done $0x0  }
0x60: {  	[sflag:s15] =	ssyncadd.s32 $0xFFFFFF80  }
0x61: {  	[tilespmem:s14], [sflag:$0x1] =	stream.indirect.gather [hbm4b:s4+s16], $0x80, s3, s16, $0xb8;
	[tilespmem:$0x18100] =	vst v63  }
0x62: {  	_ =	swait.ge [sflag:s17], $0x4000  }
0x63: {  	[sflag:s17] =	ssyncset.done $0x0  }
0x64: {  	[sflag:s17] =	ssyncadd.s32 $0xFFFFC000  }
0x65: {  	[spmem:s2] =	stream.indirect.scatter.add.f32 [tilespmem:s14], [sflag:$0x2], $0x80, s16, s16, $0xb8;
	[tilespmem:$0x18100] =	vst v63  }
0x66: {  	_ =	swait.ge [sflag:s15], $0x4000  }
0x67: {  	s20 =	sadd.s32 $0x1, s20;
	[sflag:s15] =	ssyncset.done $0x0  }
0x68: {  	p0 =	sne.s32 s20, s10;
	[sflag:s15] =	ssyncadd.s32 $0xFFFFC000  }
.Ltmp2:
0x69: {  	[bflag:$0x0] =	sbarrier.arrive $0xFFFF;
	(pc) =	sbr.rel @p0 .LBB2_1-.Ltmp2, $4  }
0x6a: {  	[hbm:s11], [sflag:s18] =	dma.local [spmem:s19], $0x2800  }
0x6b: {  	_ =	swait.ge [sflag:s15], $0x2800  }
0x6c: {  	[sflag:s15] =	ssyncset.done $0x0  }
0x6d: {  	[sflag:s15] =	ssyncadd.s32 $0xFFFFD800  }
0x6e: {  	_ =	sfence.sel $0x180000  }
0x6f: {  	[bflag:$0x0] =	sbarrier.arrive $0xFFFF  }
0x70: {  	p0 =	sne.s32 s1, $0x0;
	_ =	strace $0x90000053  }
0x71: {  	s0 =	sadd.s32 @!p0 $0x100000, s0;
	[bflag:$0x2] =	sbarrier.arrive $0xFFFF  }
0x72: {  	[sflag:s0] =	ssyncadd.tile.s32 @!p0 $0x1;
	_ =	shalt  }
.Lfunc_end2:
_tile_overlayer_lowered:
.L_overlay_start_2:
0x73: {  	(tag) =	ssettag $0x2  }
0x74: {  	s0 =	rddreg [dreg:$0x0];
	s2 =	stileid.u32  }
0x75: {  	s1 =	rddreg [dreg:$0x1];
	p0 =	sne.s32 s2, $0x0  }
0x76: {  	s3 =	rddreg [dreg:$0x2];
	[bflag:$0x3] =	sbarrier.arrive $0xFFFF;
	s2 =	simm.s32 @!p0 $0x1C02  }
0x77: {  	[timem:s3], [sflag:s2] =	dma.local @!p0 [hbm:s0], s1  }
0x78: {  	s0 =	simm.s32 @!p0 $0x2  }
0x79: {  	_ =	swait.ge @!p0 [sflag:s0], s1  }
0x7a: {  	s1 =	ssub.s32 @!p0 $0x0, s1;
	[sflag:s0] =	ssyncset.done @!p0 $0x0  }
0x7b: {  	[sflag:s0] =	ssyncadd.s32 @!p0 s1  }
0x7c: {  	[bflag:$0x3] =	sbarrier.arrive $0xFFFF  }
0x7d: {  	_ =	shalt  }

// kernel: kernel.24.cloned.1.call-start
scs
__scs_entry_jumppad:
0x0: {  	(pc) =	sbr.rel $0x88, $3  }
0x1: {  	(tag) =	ssettag $0x0;
	lr =	simm.s32 $0x1  }
0x2: {  	[smem:$0x3F99] =	sst lr;
	_ =	strace $0xD0000000  }
0x3: {  	_ = 	snop  }
0x4: {  	_ = 	snop  }
0x5: {  	_ = 	snop  }
0x6: {  	_ = 	snop  }
0x7: {  	_ = 	snop  }
__scs_overlays_trampoline_lowered:
0x8: {  	[smem:$0x3FA8] =	sst s0  }
0x9: {  	[smem:$0x3FA9] =	sst s1  }
0xa: {  	[smem:$0x3FAA] =	sst s2  }
0xb: {  	[smem:$0x3FAB] =	sst s3  }
0xc: {  	[smem:$0x3FAC] =	sst s4  }
0xd: {  	[smem:$0x3FAD] =	sst s5  }
0xe: {  	[smem:$0x3FAE] =	sst s6  }
0xf: {  	[smem:$0x3FAF] =	sst s7  }
0x10: {  	[smem:$0x3FB0] =	sst s8  }
0x11: {  	[smem:$0x3FB1] =	sst s9;
	s0 =	simm.s32 @!p0 $0x0  }
0x12: {  	s1 =	sld [smem:$0x3F97];
	s0 =	simm.s32 @p0 $0x1  }
0x13: {  	[smem:$0x3FB2] =	sst s0;
	s0 =	simm.s32 @!p1 $0x0  }
0x14: {  	s2 =	sld [smem:$0x3F96];
	s0 =	simm.s32 @p1 $0x1  }
0x15: {  	[smem:$0x3FB3] =	sst s0;
	s0 =	simm.s32 @!p2 $0x0  }
0x16: {  	s3 =	sld [smem:$0x3FDB];
	s0 =	simm.s32 @p2 $0x1  }
0x17: {  	s4 =	simm.s32 $0x1BF5;
	[smem:$0x3FB5] =	sst s0  }
0x18: {  	s0 =	sld [smem:$0x3F98];
	_ =	swait.ge [sflag:s4], $0x0  }
0x19: {  	s7 =	sld [smem:$0x3F99]  }
0x1a: {  	s8 =	sadd.s32 $0xFFFFE003, lr  }
0x1b: {  	s9 =	sadd.s32 $0xFFFFFEF7, lr;
	s5 =	simm.s32 $0xFFFFFFFF;
	p2 =	slt.u32 s8, $0xFFFFF086  }
0x1c: {  	p1 =	slt.u32 s9, $0xF7A;
	s5 =	simm.s32 @!p2 $0x0  }
0x1d: {  	s5 =	simm.s32 @p1 $0x1;
	p0 =	seq.s32 s7, s2  }
0x1e: {  	s7 =	smul.u32 @!p0 $0xF7A, s2;
	p2 =	seq.s32 @!p0 s5, $0x0  }
0x1f: {  	s9 =	smul.u32 $0xF7A, s1;
	s8 =	simm.s32 @!p0 $0x1BF5;
	p2 =	por !p2, p0  }
0x20: {  	[sflag:s8] =	ssyncset.s32 @!p0 $0xFFFFF086;
	s6 =	sadd.s32 @!p0 s3, s7;
	s7 =	simm.s32 @!p0 $0x108  }
0x21: {  	s3 =	sadd.s32 s3, s9;
	s6 =	sadd.s32 @!p0 $0x88, s6;
	s7 =	simm.s32 @p2 $0x1082  }
0x22: {  	[simem:s7], [sflag:s8] =	dma.local @!p0 [hbm:s6], $0xF7A  }
0x23: {  	s9 =	sor.u32 $0xD0000000, s2;
	s6 =	simm.s32 $0x108;
	_ =	swait.ge @!p0 [sflag:s8], $0x0  }
0x24: {  	s3 =	sadd.s32 $0x88, s3;
	s6 =	simm.s32 @!p1 $0x1082;
	[sflag:s4] =	ssyncset.s32 $0xFFFFF086  }
0x25: {  	[simem:s6], [sflag:s4] =	dma.local [hbm:s3], $0xF7A  }
0x26: {  	[smem:$0x3F99] =	sst s1;
	(tag) =	ssettag s2;
	_ =	strace s9  }
0x27: {  	s1 =	sld [smem:$0x3FA9]  }
0x28: {  	s2 =	sld [smem:$0x3FAA]  }
0x29: {  	s4 =	sld [smem:$0x3FAC]  }
0x2a: {  	p0 =	seq.s32 s5, $0x0;
	s5 =	sld [smem:$0x3FAD]  }
0x2b: {  	s6 =	sld [smem:$0x3FAE]  }
0x2c: {  	s7 =	sld [smem:$0x3FAF]  }
0x2d: {  	s3 =	simm.s32 $0x108;
	s8 =	sld [smem:$0x3FB0]  }
0x2e: {  	s3 =	simm.s32 @!p0 $0x1082;
	s9 =	sld [smem:$0x3FB1]  }
0x2f: {  	lr =	sadd.s32 s0, s3;
	s0 =	sld [smem:$0x3FA8]  }
0x30: {  	s3 =	sld [smem:$0x3FAB]  }
0x31: {  	[smem:$0x3FB4] =	sst s10  }
0x32: {  	s10 =	sld [smem:$0x3FB2];
	_ =	sdelay $0x3  }
0x33: {  	p0 =	seq.s32 s10, $0x1;
	s10 =	sld [smem:$0x3FB4];
	_ =	sdelay $0x3  }
0x34: {  	[smem:$0x3FB4] =	sst s10  }
0x35: {  	s10 =	sld [smem:$0x3FB3];
	_ =	sdelay $0x3  }
0x36: {  	p1 =	seq.s32 s10, $0x1;
	s10 =	sld [smem:$0x3FB4];
	_ =	sdelay $0x3  }
0x37: {  	[smem:$0x3FB4] =	sst s10  }
0x38: {  	s10 =	sld [smem:$0x3FB5]  }
0x39: {  	_ = 	snop;
	(pc) =	sbr.ind lr, $3  }
0x3a: {  	_ = 	snop  }
0x3b: {  	_ = 	snop  }
0x3c: {  	p2 =	seq.s32 s10, $0x1;
	s10 =	sld [smem:$0x3FB4]  }
0x3d: {  	_ =	shalt  }
0x3e: {  	_ =	shalt  }
0x3f: {  	_ =	shalt  }
0x40: {  	_ =	shalt  }
0x41: {  	_ =	shalt  }
0x42: {  	_ =	shalt  }
0x43: {  	_ =	shalt  }
0x44: {  	_ =	shalt  }
0x45: {  	_ =	shalt  }
0x46: {  	_ =	shalt  }
0x47: {  	_ =	shalt  }
0x48: {  	_ =	shalt  }
0x49: {  	_ =	shalt  }
0x4a: {  	_ =	shalt  }
0x4b: {  	_ =	shalt  }
0x4c: {  	_ =	shalt  }
0x4d: {  	_ =	shalt  }
0x4e: {  	_ =	shalt  }
0x4f: {  	_ =	shalt  }
0x50: {  	_ =	shalt  }
0x51: {  	_ =	shalt  }
0x52: {  	_ =	shalt  }
0x53: {  	_ =	shalt  }
0x54: {  	_ =	shalt  }
0x55: {  	_ =	shalt  }
0x56: {  	_ =	shalt  }
0x57: {  	_ =	shalt  }
0x58: {  	_ =	shalt  }
0x59: {  	_ =	shalt  }
0x5a: {  	_ =	shalt  }
0x5b: {  	_ =	shalt  }
0x5c: {  	_ =	shalt  }
0x5d: {  	_ =	shalt  }
0x5e: {  	_ =	shalt  }
0x5f: {  	_ =	shalt  }
0x60: {  	_ =	shalt  }
0x61: {  	_ =	shalt  }
0x62: {  	_ =	shalt  }
0x63: {  	_ =	shalt  }
0x64: {  	_ =	shalt  }
0x65: {  	_ =	shalt  }
0x66: {  	_ =	shalt  }
0x67: {  	_ =	shalt  }
0x68: {  	_ =	shalt  }
0x69: {  	_ =	shalt  }
0x6a: {  	_ =	shalt  }
0x6b: {  	_ =	shalt  }
0x6c: {  	_ =	shalt  }
0x6d: {  	_ =	shalt  }
0x6e: {  	_ =	shalt  }
0x6f: {  	_ =	shalt  }
0x70: {  	_ =	shalt  }
0x71: {  	_ =	shalt  }
0x72: {  	_ =	shalt  }
0x73: {  	_ =	shalt  }
0x74: {  	_ =	shalt  }
0x75: {  	_ =	shalt  }
0x76: {  	_ =	shalt  }
0x77: {  	_ =	shalt  }
0x78: {  	_ =	shalt  }
0x79: {  	_ =	shalt  }
0x7a: {  	_ =	shalt  }
0x7b: {  	_ =	shalt  }
0x7c: {  	_ =	shalt  }
0x7d: {  	_ =	shalt  }
0x7e: {  	_ =	shalt  }
0x7f: {  	_ =	shalt  }
0x80: {  	_ =	shalt  }
0x81: {  	_ =	shalt  }
0x82: {  	_ =	shalt  }
0x83: {  	_ =	shalt  }
0x84: {  	_ =	shalt  }
0x85: {  	_ =	shalt  }
0x86: {  	_ =	shalt  }
0x87: {  	_ =	shalt  }
.Lfunc_end0:
.L_simem_size_0:
called_computation.3_lowered:
.L_overlay_start_0:
0x88: {  	s2 =	sld [smem:$0x3FD9]  }
0x89: {  	s3 =	sld [smem:$0x3FFE];
	_ =	sdelay $0x1  }
0x8a: {  	s1 =	srdreg.scid  }
0x8b: {  	s0 =	sand.u32 $0x1, s1  }
0x8c: {  	s14 =	sshll.u32 s0, $0xA;
	s2 =	sadd.s32 s3, s2  }
0x8d: {  	s2 =	sadd.s32 s2, s14  }
0x8e: {  	[smem:$0x3FC0] =	sst s2  }
0x8f: {  	_ = 	snop  }
0x90: {  	s2 =	sld [smem:$0x3FD0];
	_ =	sdelay $0x2  }
0x91: {  	s15 =	simm.s32 $0xB;
	s4 =	simm.s32 $0x10  }
0x92: {  	[smem:s4], [sflag:s15] =	dma.local [hbm:s2], $0x1  }
0x93: {  	_ =	swait.eq [sflag:s15], $0x1  }
0x94: {  	[sflag:s15] =	ssyncset.done $0x0  }
0x95: {  	[sflag:s15] =	ssyncadd.s32 $0xFFFFFFFF  }
0x96: {  	s16 =	sld [smem:$0x11];
	(tm) =	ssettm $0x1  }
0x97: {  	s17 =	sld [smem:$0x3FFB];
	_ =	sdelay $0x3  }
0x98: {  	_ =	strace s17  }
0x99: {  	s3 =	sld [smem:$0x3FFC];
	_ =	sdelay $0x3  }
0x9a: {  	_ =	strace s3  }
0x9b: {  	s3 =	sld [smem:$0x3FFD];
	_ =	sdelay $0x3  }
0x9c: {  	_ =	strace s3  }
0x9d: {  	_ =	strace $0x8FFFFFFF  }
0x9e: {  	s18 =	sld [smem:$0x3FDB];
	_ =	sdelay $0x1  }
0x9f: {  	s19 =	simm.s32 $_scs_section_size  }
0xa0: {  	s5 =	simm.s32 $_size__tile_overlayer_lowered;
	s6 =	simm.s32 $_tile_overlayer_lowered  }
0xa1: {  	s22 =	simm.s32 $0x1BFF;
	s21 =	sshll.u32 s6, $0x1;
	s3 =	sadd.s32 s19, s18  }
0xa2: {  	s7 =	simm.s32 $0x0;
	s20 =	sshll.u32 s5, $0x1;
	s5 =	sadd.s32 s21, s3  }
0xa3: {  	[timem:s7], [sflag:s22] =	dma.local [hbm:s5], s20  }
0xa4: {  	_ =	swait.ge [sflag:s22], s20  }
0xa5: {  	s4 =	ssub.s32 $0x0, s20;
	[sflag:s22] =	ssyncset.done $0x0  }
0xa6: {  	[sflag:s22] =	ssyncadd.s32 s4;
	_ =	sdelay $0x1  }
0xa7: {  	s23 =	simm.s32 $0x1B8B  }
0xa8: {  	_ =	swait.ge [sflag:s23], $0x1  }
0xa9: {  	[sflag:s23] =	ssyncset.done $0x0  }
0xaa: {  	s25 =	simm.s32 $0x1B8E;
	s24 =	sld [smem:$0x3FFE];
	[sflag:s23] =	ssyncadd.s32 $0xFFFFFFFF  }
0xab: {  	s26 =	simm.s32 $execute0_lowered;
	[smem:$0x3FD2] =	sst s25  }
0xac: {  	s5 =	sshll.u32 s26, $0x1;
	_ =	strace $0x80000049;
	[dreg:$0x1] =	wrdreg $0xFFFFFFFF  }
0xad: {  	s28 =	simm.s32 $_size_execute0_lowered;
	s3 =	sadd.s32 s3, s5;
	[dreg:$0x0] =	wrdreg $0x0  }
0xae: {  	s5 =	sshll.u32 s28, $0x1;
	[dreg:$0x2] =	wrdreg s3  }
0xaf: {  	[dreg:$0x3] =	wrdreg s5  }
0xb0: {  	[dreg:$0x4] =	wrdreg $0xC0  }
0xb1: {  	_ =	task [dreg:s7], $0x5FFFF  }
0xb2: {  	[dreg:$0x1] =	wrdreg $0xFFFFFFFF  }
0xb3: {  	[dreg:$0x0] =	wrdreg $0x60  }
0xb4: {  	[dreg:$0x2] =	wrdreg s24  }
0xb5: {  	[dreg:$0x3] =	wrdreg s16  }
0xb6: {  	[dreg:$0x4] =	wrdreg $0x41000  }
0xb7: {  	[dreg:$0x5] =	wrdreg $0xA  }
0xb8: {  	_ =	task.clear_ibuf [dreg:s7], $0x6FFFF;
	_ =	strace $0x90000049  }
0xb9: {  	s29 =	simm.s32 $0xA;
	_ =	strace $0x8000004B  }
0xba: {  	_ =	swait.ge [sflag:s29], $0x1  }
0xbb: {  	[sflag:s29] =	ssyncadd.s32 $0xFFFFFFFF  }
0xbc: {  	_ =	strace $0x9000004B  }
0xbd: {  	_ =	sfence  }
0xbe: {  	s30 =	sld [smem:$0x0];
	_ =	sdelay $0x2  }
0xbf: {  	s31 =	sshll.u32 s1, $0xD;
	s1 =	sshrl.u32 s1, $0x2  }
0xc0: {  	s3 =	sand.u32 $0x4000, s31;
	s1 =	sadd.s32 s1, s30  }
0xc1: {  	s0 =	sor.u32 s3, s0;
	s1 =	sshll.u32 s1, $0x11  }
0xc2: {  	s0 =	sor.u32 s1, s0  }
0xc3: {  	s0 =	sadd.s32 $0x8F2B, s0  }
0xc4: {  	[sflag:s0] =	ssyncadd.remote.s32 $0x1  }
0xc5: {  	_ =	sfence.sel $0xFFFF  }
0xc6: {  	[dreg:$0x0] =	wrdreg $0xFFFFFFFF;
	(pc) =	sbr.abs _section_cstart, $3  }
0xc7: {  	[dreg:$0x1] =	wrdreg $0xFFFFFFFF  }
0xc8: {  	_ =	task.clear_ibuf [dreg:s7], $0x2FFFF;
	_ =	strace $0x9FFFFFFF  }
0xc9: {  	(tm) =	ssettm $0x7FFFFFFF  }
tec
execute0_lowered:
.L_overlay_start_1:
0x0: {  	(tag) =	ssettag $0x1  }
0x1: {  	s11 =	rddreg [dreg:$0x0]  }
0x2: {  	s12 =	rddreg [dreg:$0x1]  }
0x3: {  	s2 =	rddreg [dreg:$0x2]  }
0x4: {  	s0 =	rddreg [dreg:$0x3]  }
0x5: {  	s3 =	simm.s32 $0x0;
	s4 =	srdreg.scid;
	s1 =	stileid.u32  }
0x6: {  	s16 =	simm.s32 $0x8A000;
	s20 =	simm.s32 $0x0;
	s5 =	smul.u32 $0x50000, s1  }
0x7: {  	[smem:$0x7FF] =	sst s3;
	s9 =	sand.u32 $0x1, s4;
	s15 =	smul.u32 $0x2800, s1  }
0x8: {  	s4 =	sadd.s32 $0x12000, s11;
	s17 =	smul.u32 $0x4F0, s1;
	s18 =	sshll.u32 s1, $0x6  }
0x9: {  	_ =	strace $0x8000004A;
	s13 =	smul.u32 $0x4F00, s9;
	s6 =	ssub.s32 $0x2, s9  }
0xa: {  	p0 =	seq.s32 s9, $0x1;
	s18 =	sor.u32 $0x1C02, s18;
	s7 =	sshrl.u32 s6, $0x1  }
0xb: {  	s5 =	sshrl.u32 s5, $0x2;
	s16 =	simm.s32 @!p0 $0x62000;
	s14 =	sadd.s32 s13, s11  }
0xc: {  	s10 =	ssub.s32 s6, s7;
	s5 =	sadd.s32 s5, s2;
	s11 =	sadd.s32 s16, s11  }
0xd: {  	s12 =	sadd.s32 s13, s12;
	s16 =	simm.s32 $0x80;
	s6 =	sadd.s32 $0x4000, s5  }
0xe: {  	s7 =	sadd.s32 $0x8000, s5;
	s8 =	sadd.s32 $0xC000, s5;
	s9 =	sadd.s32 $0x10000, s5  }
0xf: {  	s10 =	smax.u32 s10, $0x1;
	s11 =	sadd.s32 s11, s15;
	s12 =	sadd.s32 s17, s12  }
0x10: {  	s31 =	sadd.s32 s17, s14;
	s14 =	simm.s32 $0x100;
	s15 =	simm.s32 $0x2  }
0x11: {  	v0 =	vimm.f32 $0.0e+00;
	s17 =	simm.s32 $0x1;
	s19 =	sshrl.u32 s5, $0x3;
	s13 =	sadd.s32 $0x8200, s31  }
.LBB2_1:
0x12: {  	s21 =	simm.s32 $0x0;
	s22 =	simm.s32 $0x200  }
.LBB2_2:
0x13: {  	p0 =	sne.s32 s22, $0xFE00;
	[tilespmem:s21+$0x170] =	vst v0  }
0x14: {  	[tilespmem:s21+$0x100] =	vst v0  }
0x15: {  	[tilespmem:s21+$0x110] =	vst v0  }
.Ltmp0:
0x16: {  	[tilespmem:s21+$0x120] =	vst v0;
	(pc) =	sbr.rel @p0 .LBB2_2-.Ltmp0, $4  }
0x17: {  	[tilespmem:s21+$0x130] =	vst v0  }
0x18: {  	[tilespmem:s21+$0x140] =	vst v0  }
0x19: {  	[tilespmem:s21+$0x150] =	vst v0  }
0x1a: {  	[tilespmem:s21+$0x160] =	vst v0;
	s21 =	sshra.s32 s22, $0x2;
	s22 =	sadd.s32 $0x200, s22  }
0x1b: {  	[tilespmem:s21+$0x170] =	vst v0  }
0x1c: {  	[tilespmem:s21+$0x100] =	vst v0  }
0x1d: {  	[tilespmem:s21+$0x110] =	vst v0  }
0x1e: {  	[tilespmem:s21+$0x120] =	vst v0  }
0x1f: {  	[tilespmem:s21+$0x130] =	vst v0  }
0x20: {  	[tilespmem:s21+$0x140] =	vst v0  }
0x21: {  	[tilespmem:s21+$0x150] =	vst v0  }
0x22: {  	[tilespmem:s21+$0x160] =	vst v0  }
0x23: {  	[spmem:s5] =	stream.linear.scatter [tilespmem:s14], [sflag:$0x2], $0x4000, $0x38;
	[tilespmem:$0x18100] =	vst v63  }
0x24: {  	_ =	swait.ge [sflag:s15], $0x4000  }
0x25: {  	[sflag:s15] =	ssyncset.done $0x0  }
0x26: {  	[sflag:s15] =	ssyncadd.s32 $0xFFFFC000  }
0x27: {  	[spmem:s6] =	stream.linear.scatter [tilespmem:s14], [sflag:$0x2], $0x4000, $0x38;
	[tilespmem:$0x18100] =	vst v63  }
0x28: {  	_ =	swait.ge [sflag:s15], $0x4000  }
0x29: {  	[sflag:s15] =	ssyncset.done $0x0  }
0x2a: {  	[sflag:s15] =	ssyncadd.s32 $0xFFFFC000  }
0x2b: {  	[spmem:s7] =	stream.linear.scatter [tilespmem:s14], [sflag:$0x2], $0x4000, $0x38;
	[tilespmem:$0x18100] =	vst v63  }
0x2c: {  	_ =	swait.ge [sflag:s15], $0x4000  }
0x2d: {  	[sflag:s15] =	ssyncset.done $0x0  }
0x2e: {  	[sflag:s15] =	ssyncadd.s32 $0xFFFFC000  }
0x2f: {  	[spmem:s8] =	stream.linear.scatter [tilespmem:s14], [sflag:$0x2], $0x4000, $0x38;
	[tilespmem:$0x18100] =	vst v63  }
0x30: {  	_ =	swait.ge [sflag:s15], $0x4000  }
0x31: {  	[sflag:s15] =	ssyncset.done $0x0  }
0x32: {  	[sflag:s15] =	ssyncadd.s32 $0xFFFFC000  }
0x33: {  	[spmem:s9] =	stream.linear.scatter [tilespmem:s14], [sflag:$0x2], $0x4000, $0x38;
	[tilespmem:$0x18100] =	vst v63  }
0x34: {  	_ =	swait.ge [sflag:s15], $0x4000  }
0x35: {  	[sflag:s15] =	ssyncset.done $0x0  }
0x36: {  	[sflag:s15] =	ssyncadd.s32 $0xFFFFC000  }
0x37: {  	s30 =	sadd.s32 $0x0, s13;
	[bflag:$0x0] =	sbarrier.arrive $0xFFFF  }
0x38: {  	[tilespmem:s3], [sflag:$0x2] =	stream.linear.gather [hbm4b:s30+s3], $0x80, $0x38;
	[tilespmem:$0x18100] =	vst v63  }
0x39: {  	_ =	swait.ge [sflag:s15], $0x80  }
0x3a: {  	[sflag:s15] =	ssyncset.done $0x0  }
0x3b: {  	s31 =	sadd.s32 $0x0, s12;
	[sflag:s15] =	ssyncadd.s32 $0xFFFFFF80  }
0x3c: {  	[tilespmem:s16], [sflag:$0x2] =	stream.linear.gather [hbm4b:s31+s3], $0x80, $0x38;
	[tilespmem:$0x18100] =	vst v63  }
0x3d: {  	_ =	swait.ge [sflag:s15], $0x80  }
0x3e: {  	[sflag:s15] =	ssyncset.done $0x0  }
0x3f: {  	[sflag:s15] =	ssyncadd.s32 $0xFFFFFF80  }
0x40: {  	[tilespmem:s14], [sflag:$0x1] =	stream.indirect.gather [hbm4b:s4+s16], $0x80, s3, s16, $0xb8;
	[tilespmem:$0x18100] =	vst v63  }
0x41: {  	_ =	swait.ge [sflag:s17], $0x4000  }
0x42: {  	[sflag:s17] =	ssyncset.done $0x0  }
0x43: {  	[sflag:s17] =	ssyncadd.s32 $0xFFFFC000  }
0x44: {  	[spmem:s2] =	stream.indirect.scatter.add.f32 [tilespmem:s14], [sflag:$0x2], $0x80, s16, s16, $0xb8;
	[tilespmem:$0x18100] =	vst v63  }
0x45: {  	_ =	swait.ge [sflag:s15], $0x4000  }
0x46: {  	s21 =	simm.s32 $0x10;
	s22 =	simm.s32 $0x20;
	[sflag:s15] =	ssyncset.done $0x0  }
.LBB2_4:
0x47: {  	s23 =	sadd.s32 s21, s13  }
0x48: {  	[sflag:s15] =	ssyncadd.s32 $0xFFFFC000;
	s24 =	smov.u32 s22;
	s25 =	sadd.s32 $0x10, s22  }
0x49: {  	[tilespmem:s3], [sflag:$0x2] =	stream.linear.gather [hbm4b:s23+s3], $0x80, $0x38;
	[tilespmem:$0x18100] =	vst v63  }
0x4a: {  	p0 =	sne.s32 s22, $0x4E0;
	_ =	swait.ge [sflag:s15], $0x80  }
0x4b: {  	[sflag:s15] =	ssyncset.done $0x0  }
0x4c: {  	s22 =	sadd.s32 s21, s12;
	s21 =	smov.u32 s24;
	[sflag:s15] =	ssyncadd.s32 $0xFFFFFF80  }
0x4d: {  	[tilespmem:s16], [sflag:$0x2] =	stream.linear.gather [hbm4b:s22+s3], $0x80, $0x38;
	[tilespmem:$0x18100] =	vst v63  }
0x4e: {  	_ =	swait.ge [sflag:s15], $0x80  }
0x4f: {  	[sflag:s15] =	ssyncset.done $0x0  }
0x50: {  	[sflag:s15] =	ssyncadd.s32 $0xFFFFFF80  }
0x51: {  	[tilespmem:s14], [sflag:$0x1] =	stream.indirect.gather [hbm4b:s4+s16], $0x80, s3, s16, $0xb8;
	[tilespmem:$0x18100] =	vst v63  }
0x52: {  	_ =	swait.ge [sflag:s17], $0x4000  }
.Ltmp1:
0x53: {  	[sflag:s17] =	ssyncset.done $0x0;
	(pc) =	sbr.rel @p0 .LBB2_4-.Ltmp1, $4  }
0x54: {  	[sflag:s17] =	ssyncadd.s32 $0xFFFFC000  }
0x55: {  	[spmem:s2] =	stream.indirect.scatter.add.f32 [tilespmem:s14], [sflag:$0x2], $0x80, s16, s16, $0xb8;
	[tilespmem:$0x18100] =	vst v63  }
0x56: {  	_ =	swait.ge [sflag:s15], $0x4000  }
0x57: {  	s22 =	smov.u32 s25;
	[sflag:s15] =	ssyncset.done $0x0  }
0x58: {  	s22 =	sadd.s32 s21, s13;
	[sflag:s15] =	ssyncadd.s32 $0xFFFFC000  }
0x59: {  	[tilespmem:s3], [sflag:$0x2] =	stream.linear.gather [hbm4b:s22+s3], $0x80, $0x38;
	[tilespmem:$0x18100] =	vst v63  }
0x5a: {  	_ =	swait.ge [sflag:s15], $0x80  }
0x5b: {  	[sflag:s15] =	ssyncset.done $0x0  }
0x5c: {  	s31 =	sadd.s32 s21, s12;
	[sflag:s15] =	ssyncadd.s32 $0xFFFFFF80  }
0x5d: {  	[tilespmem:s16], [sflag:$0x2] =	stream.linear.gather [hbm4b:s31+s3], $0x80, $0x38;
	[tilespmem:$0x18100] =	vst v63  }
0x5e: {  	_ =	swait.ge [sflag:s15], $0x80  }
0x5f: {  	[sflag:s15] =	ssyncset.done $0x0  }
0x60: {  	[sflag:s15] =	ssyncadd.s32 $0xFFFFFF80  }
0x61: {  	[tilespmem:s14], [sflag:$0x1] =	stream.indirect.gather [hbm4b:s4+s16], $0x80, s3, s16, $0xb8;
	[tilespmem:$0x18100] =	vst v63  }
0x62: {  	_ =	swait.ge [sflag:s17], $0x4000  }
0x63: {  	[sflag:s17] =	ssyncset.done $0x0  }
0x64: {  	[sflag:s17] =	ssyncadd.s32 $0xFFFFC000  }
0x65: {  	[spmem:s2] =	stream.indirect.scatter.add.f32 [tilespmem:s14], [sflag:$0x2], $0x80, s16, s16, $0xb8;
	[tilespmem:$0x18100] =	vst v63  }
0x66: {  	_ =	swait.ge [sflag:s15], $0x4000  }
0x67: {  	s20 =	sadd.s32 $0x1, s20;
	[sflag:s15] =	ssyncset.done $0x0  }
0x68: {  	p0 =	sne.s32 s20, s10;
	[sflag:s15] =	ssyncadd.s32 $0xFFFFC000  }
.Ltmp2:
0x69: {  	[bflag:$0x0] =	sbarrier.arrive $0xFFFF;
	(pc) =	sbr.rel @p0 .LBB2_1-.Ltmp2, $4  }
0x6a: {  	[hbm:s11], [sflag:s18] =	dma.local [spmem:s19], $0x2800  }
0x6b: {  	_ =	swait.ge [sflag:s15], $0x2800  }
0x6c: {  	[sflag:s15] =	ssyncset.done $0x0  }
0x6d: {  	[sflag:s15] =	ssyncadd.s32 $0xFFFFD800  }
0x6e: {  	_ =	sfence.sel $0x180000  }
0x6f: {  	[bflag:$0x0] =	sbarrier.arrive $0xFFFF  }
0x70: {  	p0 =	sne.s32 s1, $0x0;
	_ =	strace $0x9000004A  }
0x71: {  	s0 =	sadd.s32 @!p0 $0x100000, s0;
	[bflag:$0x2] =	sbarrier.arrive $0xFFFF  }
0x72: {  	[sflag:s0] =	ssyncadd.tile.s32 @!p0 $0x1;
	_ =	shalt  }
.Lfunc_end2:
_tile_overlayer_lowered:
.L_overlay_start_2:
0x73: {  	(tag) =	ssettag $0x2  }
0x74: {  	s0 =	rddreg [dreg:$0x0];
	s2 =	stileid.u32  }
0x75: {  	s1 =	rddreg [dreg:$0x1];
	p0 =	sne.s32 s2, $0x0  }
0x76: {  	s3 =	rddreg [dreg:$0x2];
	[bflag:$0x3] =	sbarrier.arrive $0xFFFF;
	s2 =	simm.s32 @!p0 $0x1C02  }
0x77: {  	[timem:s3], [sflag:s2] =	dma.local @!p0 [hbm:s0], s1  }
0x78: {  	s0 =	simm.s32 @!p0 $0x2  }
0x79: {  	_ =	swait.ge @!p0 [sflag:s0], s1  }
0x7a: {  	s1 =	ssub.s32 @!p0 $0x0, s1;
	[sflag:s0] =	ssyncset.done @!p0 $0x0  }
0x7b: {  	[sflag:s0] =	ssyncadd.s32 @!p0 s1  }
0x7c: {  	[bflag:$0x3] =	sbarrier.arrive $0xFFFF  }
0x7d: {  	_ =	shalt  }

// kernel: kernel.27.cloned.1.call-start
scs
__scs_entry_jumppad:
0x0: {  	(pc) =	sbr.rel $0x88, $3  }
0x1: {  	(tag) =	ssettag $0x0;
	lr =	simm.s32 $0x1  }
0x2: {  	[smem:$0x3F99] =	sst lr;
	_ =	strace $0xD0000000  }
0x3: {  	_ = 	snop  }
0x4: {  	_ = 	snop  }
0x5: {  	_ = 	snop  }
0x6: {  	_ = 	snop  }
0x7: {  	_ = 	snop  }
__scs_overlays_trampoline_lowered:
0x8: {  	[smem:$0x3FA8] =	sst s0  }
0x9: {  	[smem:$0x3FA9] =	sst s1  }
0xa: {  	[smem:$0x3FAA] =	sst s2  }
0xb: {  	[smem:$0x3FAB] =	sst s3  }
0xc: {  	[smem:$0x3FAC] =	sst s4  }
0xd: {  	[smem:$0x3FAD] =	sst s5  }
0xe: {  	[smem:$0x3FAE] =	sst s6  }
0xf: {  	[smem:$0x3FAF] =	sst s7  }
0x10: {  	[smem:$0x3FB0] =	sst s8  }
0x11: {  	[smem:$0x3FB1] =	sst s9;
	s0 =	simm.s32 @!p0 $0x0  }
0x12: {  	s1 =	sld [smem:$0x3F97];
	s0 =	simm.s32 @p0 $0x1  }
0x13: {  	[smem:$0x3FB2] =	sst s0;
	s0 =	simm.s32 @!p1 $0x0  }
0x14: {  	s2 =	sld [smem:$0x3F96];
	s0 =	simm.s32 @p1 $0x1  }
0x15: {  	[smem:$0x3FB3] =	sst s0;
	s0 =	simm.s32 @!p2 $0x0  }
0x16: {  	s3 =	sld [smem:$0x3FDB];
	s0 =	simm.s32 @p2 $0x1  }
0x17: {  	s4 =	simm.s32 $0x1BF5;
	[smem:$0x3FB5] =	sst s0  }
0x18: {  	s0 =	sld [smem:$0x3F98];
	_ =	swait.ge [sflag:s4], $0x0  }
0x19: {  	s7 =	sld [smem:$0x3F99]  }
0x1a: {  	s8 =	sadd.s32 $0xFFFFE003, lr  }
0x1b: {  	s9 =	sadd.s32 $0xFFFFFEF7, lr;
	s5 =	simm.s32 $0xFFFFFFFF;
	p2 =	slt.u32 s8, $0xFFFFF086  }
0x1c: {  	p1 =	slt.u32 s9, $0xF7A;
	s5 =	simm.s32 @!p2 $0x0  }
0x1d: {  	s5 =	simm.s32 @p1 $0x1;
	p0 =	seq.s32 s7, s2  }
0x1e: {  	s7 =	smul.u32 @!p0 $0xF7A, s2;
	p2 =	seq.s32 @!p0 s5, $0x0  }
0x1f: {  	s9 =	smul.u32 $0xF7A, s1;
	s8 =	simm.s32 @!p0 $0x1BF5;
	p2 =	por !p2, p0  }
0x20: {  	[sflag:s8] =	ssyncset.s32 @!p0 $0xFFFFF086;
	s6 =	sadd.s32 @!p0 s3, s7;
	s7 =	simm.s32 @!p0 $0x108  }
0x21: {  	s3 =	sadd.s32 s3, s9;
	s6 =	sadd.s32 @!p0 $0x88, s6;
	s7 =	simm.s32 @p2 $0x1082  }
0x22: {  	[simem:s7], [sflag:s8] =	dma.local @!p0 [hbm:s6], $0xF7A  }
0x23: {  	s9 =	sor.u32 $0xD0000000, s2;
	s6 =	simm.s32 $0x108;
	_ =	swait.ge @!p0 [sflag:s8], $0x0  }
0x24: {  	s3 =	sadd.s32 $0x88, s3;
	s6 =	simm.s32 @!p1 $0x1082;
	[sflag:s4] =	ssyncset.s32 $0xFFFFF086  }
0x25: {  	[simem:s6], [sflag:s4] =	dma.local [hbm:s3], $0xF7A  }
0x26: {  	[smem:$0x3F99] =	sst s1;
	(tag) =	ssettag s2;
	_ =	strace s9  }
0x27: {  	s1 =	sld [smem:$0x3FA9]  }
0x28: {  	s2 =	sld [smem:$0x3FAA]  }
0x29: {  	s4 =	sld [smem:$0x3FAC]  }
0x2a: {  	p0 =	seq.s32 s5, $0x0;
	s5 =	sld [smem:$0x3FAD]  }
0x2b: {  	s6 =	sld [smem:$0x3FAE]  }
0x2c: {  	s7 =	sld [smem:$0x3FAF]  }
0x2d: {  	s3 =	simm.s32 $0x108;
	s8 =	sld [smem:$0x3FB0]  }
0x2e: {  	s3 =	simm.s32 @!p0 $0x1082;
	s9 =	sld [smem:$0x3FB1]  }
0x2f: {  	lr =	sadd.s32 s0, s3;
	s0 =	sld [smem:$0x3FA8]  }
0x30: {  	s3 =	sld [smem:$0x3FAB]  }
0x31: {  	[smem:$0x3FB4] =	sst s10  }
0x32: {  	s10 =	sld [smem:$0x3FB2];
	_ =	sdelay $0x3  }
0x33: {  	p0 =	seq.s32 s10, $0x1;
	s10 =	sld [smem:$0x3FB4];
	_ =	sdelay $0x3  }
0x34: {  	[smem:$0x3FB4] =	sst s10  }
0x35: {  	s10 =	sld [smem:$0x3FB3];
	_ =	sdelay $0x3  }
0x36: {  	p1 =	seq.s32 s10, $0x1;
	s10 =	sld [smem:$0x3FB4];
	_ =	sdelay $0x3  }
0x37: {  	[smem:$0x3FB4] =	sst s10  }
0x38: {  	s10 =	sld [smem:$0x3FB5]  }
0x39: {  	_ = 	snop;
	(pc) =	sbr.ind lr, $3  }
0x3a: {  	_ = 	snop  }
0x3b: {  	_ = 	snop  }
0x3c: {  	p2 =	seq.s32 s10, $0x1;
	s10 =	sld [smem:$0x3FB4]  }
0x3d: {  	_ =	shalt  }
0x3e: {  	_ =	shalt  }
0x3f: {  	_ =	shalt  }
0x40: {  	_ =	shalt  }
0x41: {  	_ =	shalt  }
0x42: {  	_ =	shalt  }
0x43: {  	_ =	shalt  }
0x44: {  	_ =	shalt  }
0x45: {  	_ =	shalt  }
0x46: {  	_ =	shalt  }
0x47: {  	_ =	shalt  }
0x48: {  	_ =	shalt  }
0x49: {  	_ =	shalt  }
0x4a: {  	_ =	shalt  }
0x4b: {  	_ =	shalt  }
0x4c: {  	_ =	shalt  }
0x4d: {  	_ =	shalt  }
0x4e: {  	_ =	shalt  }
0x4f: {  	_ =	shalt  }
0x50: {  	_ =	shalt  }
0x51: {  	_ =	shalt  }
0x52: {  	_ =	shalt  }
0x53: {  	_ =	shalt  }
0x54: {  	_ =	shalt  }
0x55: {  	_ =	shalt  }
0x56: {  	_ =	shalt  }
0x57: {  	_ =	shalt  }
0x58: {  	_ =	shalt  }
0x59: {  	_ =	shalt  }
0x5a: {  	_ =	shalt  }
0x5b: {  	_ =	shalt  }
0x5c: {  	_ =	shalt  }
0x5d: {  	_ =	shalt  }
0x5e: {  	_ =	shalt  }
0x5f: {  	_ =	shalt  }
0x60: {  	_ =	shalt  }
0x61: {  	_ =	shalt  }
0x62: {  	_ =	shalt  }
0x63: {  	_ =	shalt  }
0x64: {  	_ =	shalt  }
0x65: {  	_ =	shalt  }
0x66: {  	_ =	shalt  }
0x67: {  	_ =	shalt  }
0x68: {  	_ =	shalt  }
0x69: {  	_ =	shalt  }
0x6a: {  	_ =	shalt  }
0x6b: {  	_ =	shalt  }
0x6c: {  	_ =	shalt  }
0x6d: {  	_ =	shalt  }
0x6e: {  	_ =	shalt  }
0x6f: {  	_ =	shalt  }
0x70: {  	_ =	shalt  }
0x71: {  	_ =	shalt  }
0x72: {  	_ =	shalt  }
0x73: {  	_ =	shalt  }
0x74: {  	_ =	shalt  }
0x75: {  	_ =	shalt  }
0x76: {  	_ =	shalt  }
0x77: {  	_ =	shalt  }
0x78: {  	_ =	shalt  }
0x79: {  	_ =	shalt  }
0x7a: {  	_ =	shalt  }
0x7b: {  	_ =	shalt  }
0x7c: {  	_ =	shalt  }
0x7d: {  	_ =	shalt  }
0x7e: {  	_ =	shalt  }
0x7f: {  	_ =	shalt  }
0x80: {  	_ =	shalt  }
0x81: {  	_ =	shalt  }
0x82: {  	_ =	shalt  }
0x83: {  	_ =	shalt  }
0x84: {  	_ =	shalt  }
0x85: {  	_ =	shalt  }
0x86: {  	_ =	shalt  }
0x87: {  	_ =	shalt  }
.Lfunc_end0:
.L_simem_size_0:
called_computation.4_lowered:
.L_overlay_start_0:
0x88: {  	s2 =	sld [smem:$0x3FD9]  }
0x89: {  	s3 =	sld [smem:$0x3FFE];
	_ =	sdelay $0x1  }
0x8a: {  	s1 =	srdreg.scid  }
0x8b: {  	s0 =	sand.u32 $0x1, s1  }
0x8c: {  	s15 =	sshll.u32 s0, $0xA;
	s2 =	sadd.s32 s3, s2  }
0x8d: {  	s2 =	sadd.s32 s2, s15  }
0x8e: {  	[smem:$0x3FC0] =	sst s2  }
0x8f: {  	_ = 	snop  }
0x90: {  	s2 =	sld [smem:$0x3FD0];
	_ =	sdelay $0x2  }
0x91: {  	s16 =	simm.s32 $0xB;
	s4 =	simm.s32 $0x10  }
0x92: {  	[smem:s4], [sflag:s16] =	dma.local [hbm:s2], $0x1  }
0x93: {  	_ =	swait.eq [sflag:s16], $0x1  }
0x94: {  	[sflag:s16] =	ssyncset.done $0x0  }
0x95: {  	[sflag:s16] =	ssyncadd.s32 $0xFFFFFFFF  }
0x96: {  	s17 =	sld [smem:$0x11];
	(tm) =	ssettm $0x1  }
0x97: {  	s18 =	sld [smem:$0x3FFB];
	_ =	sdelay $0x3  }
0x98: {  	_ =	strace s18  }
0x99: {  	s2 =	sld [smem:$0x3FFC];
	_ =	sdelay $0x3  }
0x9a: {  	_ =	strace s2  }
0x9b: {  	s2 =	sld [smem:$0x3FFD];
	_ =	sdelay $0x3  }
0x9c: {  	_ =	strace s2  }
0x9d: {  	_ =	strace $0x8FFFFFFF  }
0x9e: {  	s19 =	sld [smem:$0x3FDB];
	_ =	sdelay $0x1  }
0x9f: {  	s20 =	simm.s32 $_scs_section_size  }
0xa0: {  	s5 =	simm.s32 $_size__tile_overlayer_lowered;
	s6 =	simm.s32 $_tile_overlayer_lowered  }
0xa1: {  	s7 =	simm.s32 $0x1BFF;
	s21 =	sshll.u32 s6, $0x1;
	s4 =	sadd.s32 s20, s19  }
0xa2: {  	s22 =	simm.s32 $0x0;
	s5 =	sshll.u32 s5, $0x1;
	s6 =	sadd.s32 s21, s4  }
0xa3: {  	[timem:s22], [sflag:s7] =	dma.local [hbm:s6], s5  }
0xa4: {  	_ =	swait.ge [sflag:s7], s5  }
0xa5: {  	s5 =	ssub.s32 $0x0, s5;
	[sflag:s7] =	ssyncset.done $0x0  }
0xa6: {  	[sflag:s7] =	ssyncadd.s32 s5;
	_ =	sdelay $0x1  }
0xa7: {  	s23 =	simm.s32 $0x1B8B  }
0xa8: {  	_ =	swait.ge [sflag:s23], $0x1  }
0xa9: {  	[sflag:s23] =	ssyncset.done $0x0  }
0xaa: {  	[sflag:s23] =	ssyncadd.s32 $0xFFFFFFFF  }
0xab: {  	s5 =	sld [smem:$0x0]  }
0xac: {  	s6 =	sand.u32 $0xFFFFFFFE, s1  }
0xad: {  	p0 =	sne.s32 s1, s6  }
0xae: {  	s6 =	sshll.u32 @p0 s6, $0xE  }
0xaf: {  	s6 =	sadd.s32 @p0 $0x11B8D, s6;
	s7 =	sshll.u32 @p0 s5, $0x11  }
0xb0: {  	s6 =	sor.u32 @p0 s7, s6  }
0xb1: {  	[sflag:s6] =	ssyncadd.remote.s32 @p0 $0x1;
	_ =	sdelay $0x1  }
0xb2: {  	s6 =	simm.s32 @p0 $0x1B8D  }
0xb3: {  	_ =	swait.eq @p0 [sflag:s6], $0x1  }
0xb4: {  	[sflag:s6] =	ssyncadd.s32 @p0 $0xFFFFFFFF  }
0xb5: {  	s7 =	sshll.u32 @!p0 s1, $0xE  }
0xb6: {  	s7 =	sor.u32 @!p0 $0x4000, s7;
	s6 =	simm.s32 @!p0 $0x1B8D  }
0xb7: {  	s5 =	sshll.u32 @!p0 s5, $0x11;
	s7 =	sadd.s32 @!p0 $0x11B8D, s7;
	_ =	swait.eq @!p0 [sflag:s6], $0x1  }
0xb8: {  	s5 =	sor.u32 @!p0 s5, s7;
	[sflag:s6] =	ssyncadd.s32 @!p0 $0xFFFFFFFF  }
0xb9: {  	s25 =	simm.s32 $0x1B8E;
	s24 =	sld [smem:$0x3FFE];
	[sflag:s5] =	ssyncadd.remote.s32 @!p0 $0x1  }
0xba: {  	s26 =	simm.s32 $execute0_lowered;
	[smem:$0x3FD2] =	sst s25  }
0xbb: {  	s6 =	sshll.u32 s26, $0x1;
	_ =	strace $0x8000004F;
	[dreg:$0x1] =	wrdreg $0xFFFFFFFF  }
0xbc: {  	s28 =	simm.s32 $_size_execute0_lowered;
	s4 =	sadd.s32 s4, s6;
	[dreg:$0x0] =	wrdreg $0x0  }
0xbd: {  	s6 =	sshll.u32 s28, $0x1;
	[dreg:$0x2] =	wrdreg s4  }
0xbe: {  	[dreg:$0x3] =	wrdreg s6  }
0xbf: {  	[dreg:$0x4] =	wrdreg $0xC0  }
0xc0: {  	_ =	task [dreg:s22], $0x5FFFF  }
0xc1: {  	[dreg:$0x1] =	wrdreg $0xFFFFFFFF  }
0xc2: {  	[dreg:$0x0] =	wrdreg $0x60  }
0xc3: {  	[dreg:$0x2] =	wrdreg s24  }
0xc4: {  	[dreg:$0x3] =	wrdreg s17  }
0xc5: {  	[dreg:$0x4] =	wrdreg $0x41000  }
0xc6: {  	[dreg:$0x5] =	wrdreg $0xA  }
0xc7: {  	_ =	task.clear_ibuf [dreg:s22], $0x6FFFF;
	_ =	strace $0x9000004F  }
0xc8: {  	s29 =	simm.s32 $0xA;
	_ =	strace $0x80000051  }
0xc9: {  	_ =	swait.ge [sflag:s29], $0x1  }
0xca: {  	[sflag:s29] =	ssyncadd.s32 $0xFFFFFFFF  }
0xcb: {  	_ =	strace $0x90000051  }
0xcc: {  	_ =	sfence  }
0xcd: {  	s30 =	sld [smem:$0x0];
	_ =	sdelay $0x2  }
0xce: {  	s31 =	sshll.u32 s1, $0xD;
	s1 =	sshrl.u32 s1, $0x2  }
0xcf: {  	s4 =	sand.u32 $0x4000, s31;
	s1 =	sadd.s32 s1, s30  }
0xd0: {  	s0 =	sor.u32 s4, s0;
	s1 =	sshll.u32 s1, $0x11  }
0xd1: {  	s0 =	sor.u32 s1, s0  }
0xd2: {  	s0 =	sadd.s32 $0x8F2B, s0  }
0xd3: {  	[sflag:s0] =	ssyncadd.remote.s32 $0x1  }
0xd4: {  	_ =	sfence.sel $0xFFFF  }
0xd5: {  	[dreg:$0x0] =	wrdreg $0xFFFFFFFF;
	(pc) =	sbr.abs _section_cstart, $3  }
0xd6: {  	[dreg:$0x1] =	wrdreg $0xFFFFFFFF  }
0xd7: {  	_ =	task.clear_ibuf [dreg:s22], $0x2FFFF;
	_ =	strace $0x9FFFFFFF  }
0xd8: {  	(tm) =	ssettm $0x7FFFFFFF  }
0xd9: {  	_ =	shalt  }
tec
execute0_lowered:
.L_overlay_start_1:
0x0: {  	(tag) =	ssettag $0x1  }
0x1: {  	s11 =	rddreg [dreg:$0x0]  }
0x2: {  	s12 =	rddreg [dreg:$0x1]  }
0x3: {  	s2 =	rddreg [dreg:$0x2]  }
0x4: {  	s0 =	rddreg [dreg:$0x3]  }
0x5: {  	s3 =	simm.s32 $0x0;
	s4 =	srdreg.scid;
	s1 =	stileid.u32  }
0x6: {  	s16 =	simm.s32 $0x8A000;
	s20 =	simm.s32 $0x0;
	s5 =	smul.u32 $0x50000, s1  }
0x7: {  	[smem:$0x7FF] =	sst s3;
	s9 =	sand.u32 $0x1, s4;
	s15 =	smul.u32 $0x2800, s1  }
0x8: {  	s4 =	sadd.s32 $0x12000, s11;
	s17 =	smul.u32 $0x4F0, s1;
	s18 =	sshll.u32 s1, $0x6  }
0x9: {  	_ =	strace $0x80000050;
	s13 =	smul.u32 $0x4F00, s9;
	s6 =	ssub.s32 $0x2, s9  }
0xa: {  	p0 =	seq.s32 s9, $0x1;
	s18 =	sor.u32 $0x1C02, s18;
	s7 =	sshrl.u32 s6, $0x1  }
0xb: {  	s5 =	sshrl.u32 s5, $0x2;
	s16 =	simm.s32 @!p0 $0x62000;
	s14 =	sadd.s32 s13, s11  }
0xc: {  	s10 =	ssub.s32 s6, s7;
	s5 =	sadd.s32 s5, s2;
	s11 =	sadd.s32 s16, s11  }
0xd: {  	s12 =	sadd.s32 s13, s12;
	s16 =	simm.s32 $0x80;
	s6 =	sadd.s32 $0x4000, s5  }
0xe: {  	s7 =	sadd.s32 $0x8000, s5;
	s8 =	sadd.s32 $0xC000, s5;
	s9 =	sadd.s32 $0x10000, s5  }
0xf: {  	s10 =	smax.u32 s10, $0x1;
	s11 =	sadd.s32 s11, s15;
	s12 =	sadd.s32 s17, s12  }
0x10: {  	s31 =	sadd.s32 s17, s14;
	s14 =	simm.s32 $0x100;
	s15 =	simm.s32 $0x2  }
0x11: {  	v0 =	vimm.f32 $0.0e+00;
	s17 =	simm.s32 $0x1;
	s19 =	sshrl.u32 s5, $0x3;
	s13 =	sadd.s32 $0x8200, s31  }
.LBB2_1:
0x12: {  	s21 =	simm.s32 $0x0;
	s22 =	simm.s32 $0x200  }
.LBB2_2:
0x13: {  	p0 =	sne.s32 s22, $0xFE00;
	[tilespmem:s21+$0x170] =	vst v0  }
0x14: {  	[tilespmem:s21+$0x100] =	vst v0  }
0x15: {  	[tilespmem:s21+$0x110] =	vst v0  }
.Ltmp0:
0x16: {  	[tilespmem:s21+$0x120] =	vst v0;
	(pc) =	sbr.rel @p0 .LBB2_2-.Ltmp0, $4  }
0x17: {  	[tilespmem:s21+$0x130] =	vst v0  }
0x18: {  	[tilespmem:s21+$0x140] =	vst v0  }
0x19: {  	[tilespmem:s21+$0x150] =	vst v0  }
0x1a: {  	[tilespmem:s21+$0x160] =	vst v0;
	s21 =	sshra.s32 s22, $0x2;
	s22 =	sadd.s32 $0x200, s22  }
0x1b: {  	[tilespmem:s21+$0x170] =	vst v0  }
0x1c: {  	[tilespmem:s21+$0x100] =	vst v0  }
0x1d: {  	[tilespmem:s21+$0x110] =	vst v0  }
0x1e: {  	[tilespmem:s21+$0x120] =	vst v0  }
0x1f: {  	[tilespmem:s21+$0x130] =	vst v0  }
0x20: {  	[tilespmem:s21+$0x140] =	vst v0  }
0x21: {  	[tilespmem:s21+$0x150] =	vst v0  }
0x22: {  	[tilespmem:s21+$0x160] =	vst v0  }
0x23: {  	[spmem:s5] =	stream.linear.scatter [tilespmem:s14], [sflag:$0x2], $0x4000, $0x38;
	[tilespmem:$0x18100] =	vst v63  }
0x24: {  	_ =	swait.ge [sflag:s15], $0x4000  }
0x25: {  	[sflag:s15] =	ssyncset.done $0x0  }
0x26: {  	[sflag:s15] =	ssyncadd.s32 $0xFFFFC000  }
0x27: {  	[spmem:s6] =	stream.linear.scatter [tilespmem:s14], [sflag:$0x2], $0x4000, $0x38;
	[tilespmem:$0x18100] =	vst v63  }
0x28: {  	_ =	swait.ge [sflag:s15], $0x4000  }
0x29: {  	[sflag:s15] =	ssyncset.done $0x0  }
0x2a: {  	[sflag:s15] =	ssyncadd.s32 $0xFFFFC000  }
0x2b: {  	[spmem:s7] =	stream.linear.scatter [tilespmem:s14], [sflag:$0x2], $0x4000, $0x38;
	[tilespmem:$0x18100] =	vst v63  }
0x2c: {  	_ =	swait.ge [sflag:s15], $0x4000  }
0x2d: {  	[sflag:s15] =	ssyncset.done $0x0  }
0x2e: {  	[sflag:s15] =	ssyncadd.s32 $0xFFFFC000  }
0x2f: {  	[spmem:s8] =	stream.linear.scatter [tilespmem:s14], [sflag:$0x2], $0x4000, $0x38;
	[tilespmem:$0x18100] =	vst v63  }
0x30: {  	_ =	swait.ge [sflag:s15], $0x4000  }
0x31: {  	[sflag:s15] =	ssyncset.done $0x0  }
0x32: {  	[sflag:s15] =	ssyncadd.s32 $0xFFFFC000  }
0x33: {  	[spmem:s9] =	stream.linear.scatter [tilespmem:s14], [sflag:$0x2], $0x4000, $0x38;
	[tilespmem:$0x18100] =	vst v63  }
0x34: {  	_ =	swait.ge [sflag:s15], $0x4000  }
0x35: {  	[sflag:s15] =	ssyncset.done $0x0  }
0x36: {  	[sflag:s15] =	ssyncadd.s32 $0xFFFFC000  }
0x37: {  	s30 =	sadd.s32 $0x0, s13;
	[bflag:$0x0] =	sbarrier.arrive $0xFFFF  }
0x38: {  	[tilespmem:s3], [sflag:$0x2] =	stream.linear.gather [hbm4b:s30+s3], $0x80, $0x38;
	[tilespmem:$0x18100] =	vst v63  }
0x39: {  	_ =	swait.ge [sflag:s15], $0x80  }
0x3a: {  	[sflag:s15] =	ssyncset.done $0x0  }
0x3b: {  	s31 =	sadd.s32 $0x0, s12;
	[sflag:s15] =	ssyncadd.s32 $0xFFFFFF80  }
0x3c: {  	[tilespmem:s16], [sflag:$0x2] =	stream.linear.gather [hbm4b:s31+s3], $0x80, $0x38;
	[tilespmem:$0x18100] =	vst v63  }
0x3d: {  	_ =	swait.ge [sflag:s15], $0x80  }
0x3e: {  	[sflag:s15] =	ssyncset.done $0x0  }
0x3f: {  	[sflag:s15] =	ssyncadd.s32 $0xFFFFFF80  }
0x40: {  	[tilespmem:s14], [sflag:$0x1] =	stream.indirect.gather [hbm4b:s4+s16], $0x80, s3, s16, $0xb8;
	[tilespmem:$0x18100] =	vst v63  }
0x41: {  	_ =	swait.ge [sflag:s17], $0x4000  }
0x42: {  	[sflag:s17] =	ssyncset.done $0x0  }
0x43: {  	[sflag:s17] =	ssyncadd.s32 $0xFFFFC000  }
0x44: {  	[spmem:s2] =	stream.indirect.scatter.add.f32 [tilespmem:s14], [sflag:$0x2], $0x80, s16, s16, $0xb8;
	[tilespmem:$0x18100] =	vst v63  }
0x45: {  	_ =	swait.ge [sflag:s15], $0x4000  }
0x46: {  	s21 =	simm.s32 $0x10;
	s22 =	simm.s32 $0x20;
	[sflag:s15] =	ssyncset.done $0x0  }
.LBB2_4:
0x47: {  	s23 =	sadd.s32 s21, s13  }
0x48: {  	[sflag:s15] =	ssyncadd.s32 $0xFFFFC000;
	s24 =	smov.u32 s22;
	s25 =	sadd.s32 $0x10, s22  }
0x49: {  	[tilespmem:s3], [sflag:$0x2] =	stream.linear.gather [hbm4b:s23+s3], $0x80, $0x38;
	[tilespmem:$0x18100] =	vst v63  }
0x4a: {  	p0 =	sne.s32 s22, $0x4E0;
	_ =	swait.ge [sflag:s15], $0x80  }
0x4b: {  	[sflag:s15] =	ssyncset.done $0x0  }
0x4c: {  	s22 =	sadd.s32 s21, s12;
	s21 =	smov.u32 s24;
	[sflag:s15] =	ssyncadd.s32 $0xFFFFFF80  }
0x4d: {  	[tilespmem:s16], [sflag:$0x2] =	stream.linear.gather [hbm4b:s22+s3], $0x80, $0x38;
	[tilespmem:$0x18100] =	vst v63  }
0x4e: {  	_ =	swait.ge [sflag:s15], $0x80  }
0x4f: {  	[sflag:s15] =	ssyncset.done $0x0  }
0x50: {  	[sflag:s15] =	ssyncadd.s32 $0xFFFFFF80  }
0x51: {  	[tilespmem:s14], [sflag:$0x1] =	stream.indirect.gather [hbm4b:s4+s16], $0x80, s3, s16, $0xb8;
	[tilespmem:$0x18100] =	vst v63  }
0x52: {  	_ =	swait.ge [sflag:s17], $0x4000  }
.Ltmp1:
0x53: {  	[sflag:s17] =	ssyncset.done $0x0;
	(pc) =	sbr.rel @p0 .LBB2_4-.Ltmp1, $4  }
0x54: {  	[sflag:s17] =	ssyncadd.s32 $0xFFFFC000  }
0x55: {  	[spmem:s2] =	stream.indirect.scatter.add.f32 [tilespmem:s14], [sflag:$0x2], $0x80, s16, s16, $0xb8;
	[tilespmem:$0x18100] =	vst v63  }
0x56: {  	_ =	swait.ge [sflag:s15], $0x4000  }
0x57: {  	s22 =	smov.u32 s25;
	[sflag:s15] =	ssyncset.done $0x0  }
0x58: {  	s22 =	sadd.s32 s21, s13;
	[sflag:s15] =	ssyncadd.s32 $0xFFFFC000  }
0x59: {  	[tilespmem:s3], [sflag:$0x2] =	stream.linear.gather [hbm4b:s22+s3], $0x80, $0x38;
	[tilespmem:$0x18100] =	vst v63  }
0x5a: {  	_ =	swait.ge [sflag:s15], $0x80  }
0x5b: {  	[sflag:s15] =	ssyncset.done $0x0  }
0x5c: {  	s31 =	sadd.s32 s21, s12;
	[sflag:s15] =	ssyncadd.s32 $0xFFFFFF80  }
0x5d: {  	[tilespmem:s16], [sflag:$0x2] =	stream.linear.gather [hbm4b:s31+s3], $0x80, $0x38;
	[tilespmem:$0x18100] =	vst v63  }
0x5e: {  	_ =	swait.ge [sflag:s15], $0x80  }
0x5f: {  	[sflag:s15] =	ssyncset.done $0x0  }
0x60: {  	[sflag:s15] =	ssyncadd.s32 $0xFFFFFF80  }
0x61: {  	[tilespmem:s14], [sflag:$0x1] =	stream.indirect.gather [hbm4b:s4+s16], $0x80, s3, s16, $0xb8;
	[tilespmem:$0x18100] =	vst v63  }
0x62: {  	_ =	swait.ge [sflag:s17], $0x4000  }
0x63: {  	[sflag:s17] =	ssyncset.done $0x0  }
0x64: {  	[sflag:s17] =	ssyncadd.s32 $0xFFFFC000  }
0x65: {  	[spmem:s2] =	stream.indirect.scatter.add.f32 [tilespmem:s14], [sflag:$0x2], $0x80, s16, s16, $0xb8;
	[tilespmem:$0x18100] =	vst v63  }
0x66: {  	_ =	swait.ge [sflag:s15], $0x4000  }
0x67: {  	s20 =	sadd.s32 $0x1, s20;
	[sflag:s15] =	ssyncset.done $0x0  }
0x68: {  	p0 =	sne.s32 s20, s10;
	[sflag:s15] =	ssyncadd.s32 $0xFFFFC000  }
.Ltmp2:
0x69: {  	[bflag:$0x0] =	sbarrier.arrive $0xFFFF;
	(pc) =	sbr.rel @p0 .LBB2_1-.Ltmp2, $4  }
0x6a: {  	[hbm:s11], [sflag:s18] =	dma.local [spmem:s19], $0x2800  }
0x6b: {  	_ =	swait.ge [sflag:s15], $0x2800  }
0x6c: {  	[sflag:s15] =	ssyncset.done $0x0  }
0x6d: {  	[sflag:s15] =	ssyncadd.s32 $0xFFFFD800  }
0x6e: {  	_ =	sfence.sel $0x180000  }
0x6f: {  	[bflag:$0x0] =	sbarrier.arrive $0xFFFF  }
0x70: {  	p0 =	sne.s32 s1, $0x0;
	_ =	strace $0x90000050  }
0x71: {  	s0 =	sadd.s32 @!p0 $0x100000, s0;
	[bflag:$0x2] =	sbarrier.arrive $0xFFFF  }
0x72: {  	[sflag:s0] =	ssyncadd.tile.s32 @!p0 $0x1;
	_ =	shalt  }
.Lfunc_end2:
_tile_overlayer_lowered:
.L_overlay_start_2:
0x73: {  	(tag) =	ssettag $0x2  }
0x74: {  	s0 =	rddreg [dreg:$0x0];
	s2 =	stileid.u32  }
0x75: {  	s1 =	rddreg [dreg:$0x1];
	p0 =	sne.s32 s2, $0x0  }
0x76: {  	s3 =	rddreg [dreg:$0x2];
	[bflag:$0x3] =	sbarrier.arrive $0xFFFF;
	s2 =	simm.s32 @!p0 $0x1C02  }
0x77: {  	[timem:s3], [sflag:s2] =	dma.local @!p0 [hbm:s0], s1  }
0x78: {  	s0 =	simm.s32 @!p0 $0x2  }
0x79: {  	_ =	swait.ge @!p0 [sflag:s0], s1  }
0x7a: {  	s1 =	ssub.s32 @!p0 $0x0, s1;
	[sflag:s0] =	ssyncset.done @!p0 $0x0  }
0x7b: {  	[sflag:s0] =	ssyncadd.s32 @!p0 s1  }
0x7c: {  	[bflag:$0x3] =	sbarrier.arrive $0xFFFF  }
0x7d: {  	_ =	shalt  }

</sc_bundles>
